<compile_context>
chip_gen: v7x
topology: tpu7x:2x2x1
jax: 0.10.2.dev20260603
libtpu: 0.0.44.dev20260713+nightly
codegen_flags: <defaults>
</compile_context>

<pallas_src>
import functools

import jax
import jax.numpy as jnp
from jax import lax
from jax.experimental import pallas as pl
from jax.experimental.pallas import tpu as pltpu
from jax.experimental.pallas import tpu_sc as plsc

_B = 800000
_D = 64
_BLK = 16384

_NW = 32
_CH = 256
_NCHUNK = 26
_SPAN = _CH * _NCHUNK
_S_SC = _NW * _SPAN
_S_TC = _B - _S_SC
_NG = _CH // 16


def _dot_rows_kernel(x_ref, o_ref):
    p = x_ref[0] * x_ref[1]
    o_ref[...] = jnp.sum(p, axis=0)


_sc_mesh = plsc.VectorSubcoreMesh(core_axis_name="c", subcore_axis_name="s")


@functools.partial(
    pl.kernel,
    mesh=_sc_mesh,
    out_type=jax.ShapeDtypeStruct((_S_SC,), jnp.float32),
    scratch_types=[
        pltpu.VMEM((_D, _CH), jnp.float32),
        pltpu.VMEM((_D, _CH), jnp.float32),
        pltpu.VMEM((_D, _CH), jnp.float32),
        pltpu.VMEM((_D, _CH), jnp.float32),
        pltpu.VMEM((_CH,), jnp.float32),
        pltpu.VMEM((_CH,), jnp.float32),
        pltpu.SemaphoreType.DMA,
        pltpu.SemaphoreType.DMA,
        pltpu.SemaphoreType.DMA,
        pltpu.SemaphoreType.DMA,
    ],
)
def _sc_dot(t_hbm, out_hbm, xv0, yv0, xv1, yv1, ov0, ov1, si0, si1, so0, so1):
    wid = lax.axis_index("s") * 2 + lax.axis_index("c")
    base = _S_TC + wid * _SPAN
    out_base = wid * _SPAN

    def _in_copy(chunk, xv, yv, sem):
        col = base + chunk * _CH
        return pltpu.make_async_copy(
            t_hbm.at[:, :, pl.ds(col, _CH)],
            xv, sem,
        )

    def _start_in(chunk, xv, yv, sem):
        col = base + chunk * _CH
        pltpu.make_async_copy(
            t_hbm.at[0, :, pl.ds(col, _CH)], xv, sem
        ).start()
        pltpu.make_async_copy(
            t_hbm.at[1, :, pl.ds(col, _CH)], yv, sem
        ).start()

    def _wait_in(xv, yv, sem):
        pltpu.make_async_copy(
            t_hbm.at[0, :, pl.ds(base, _CH)], xv, sem
        ).wait()
        pltpu.make_async_copy(
            t_hbm.at[1, :, pl.ds(base, _CH)], yv, sem
        ).wait()

    def _start_out(chunk, ov, sem):
        pltpu.make_async_copy(
            ov, out_hbm.at[pl.ds(out_base + chunk * _CH, _CH)], sem
        ).start()

    def _wait_out(ov, sem):
        pltpu.make_async_copy(
            ov, out_hbm.at[pl.ds(out_base, _CH)], sem
        ).wait()

    def _compute(xv, yv, ov):
        def gbody(g, carry):
            sl = pl.ds(g * 16, 16)
            a0 = xv[0, sl] * yv[0, sl]
            a1 = xv[1, sl] * yv[1, sl]
            a2 = xv[2, sl] * yv[2, sl]
            a3 = xv[3, sl] * yv[3, sl]
            for d in range(4, _D, 4):
                a0 = a0 + xv[d, sl] * yv[d, sl]
                a1 = a1 + xv[d + 1, sl] * yv[d + 1, sl]
                a2 = a2 + xv[d + 2, sl] * yv[d + 2, sl]
                a3 = a3 + xv[d + 3, sl] * yv[d + 3, sl]
            ov[sl] = (a0 + a1) + (a2 + a3)
            return carry

        lax.fori_loop(0, _NG, gbody, 0)

    _start_in(0, xv0, yv0, si0)

    def jbody(j, carry):
        c0 = 2 * j
        _start_in(c0 + 1, xv1, yv1, si1)
        _wait_in(xv0, yv0, si0)

        @pl.when(j > 0)
        def _():
            _wait_out(ov0, so0)

        _compute(xv0, yv0, ov0)
        _start_out(c0, ov0, so0)

        @pl.when(j < _NCHUNK // 2 - 1)
        def _():
            _start_in(c0 + 2, xv0, yv0, si0)

        _wait_in(xv1, yv1, si1)

        @pl.when(j > 0)
        def _():
            _wait_out(ov1, so1)

        _compute(xv1, yv1, ov1)
        _start_out(c0 + 1, ov1, so1)
        return carry

    lax.fori_loop(0, _NCHUNK // 2, jbody, 0)
    _wait_out(ov0, so0)
    _wait_out(ov1, so1)


def kernel(inputs):
    t = jnp.transpose(inputs, (0, 2, 1))
    out_tc = pl.pallas_call(
        _dot_rows_kernel,
        grid=(pl.cdiv(_S_TC, _BLK),),
        in_specs=[pl.BlockSpec((2, _D, _BLK), lambda i: (0, 0, i))],
        out_specs=pl.BlockSpec((_BLK,), lambda i: (i,)),
        out_shape=jax.ShapeDtypeStruct((_S_TC,), jnp.float32),
        compiler_params=pltpu.CompilerParams(
            dimension_semantics=("parallel",),
        ),
    )(t)
    out_sc = _sc_dot(t)
    return jnp.concatenate([out_tc, out_sc])

# --- scband reference (transcript-rebuilt; emitter-appended) ---
"""Pipeline reference for scband-disen-gcnmodel-7834020348429 (READ-ONLY COPY).

The authoritative reference and input builder live on the scoring server;
editing this copy changes nothing except your own understanding.
"""

import jax, jax.numpy as jnp
import numpy as np


def setup_inputs(seed: int = 0) -> dict:
    key = jax.random.key(seed)
    # Stacked (gu, gi) pair embeddings: forward does `gu, gi = inputs`,
    # which unpacks a [2, B, d] tensor along dim 0.
    inputs = jax.random.normal(key, (2, 800000, 64), dtype=jnp.float32)
    return {"inputs": inputs}


def reference(inputs):
    # Faithful translation of DisenGCNModel.forward:
    #   gu, gi = inputs
    #   gamma_u = torch.squeeze(gu); gamma_i = torch.squeeze(gi)
    #   xui = torch.sum(gamma_u * gamma_i, 1)
    gu = inputs[0]
    gi = inputs[1]
    gamma_u = jnp.squeeze(gu)
    gamma_i = jnp.squeeze(gi)
    xui = jnp.sum(gamma_u * gamma_i, axis=1)
    return xui

if __name__ == "__main__":
    import jax
    _d = setup_inputs()
    print(jax.jit(kernel)(*tuple(_d.values())))

</pallas_src>

<mosaic_0001>
#map = affine_map<(d0, d1) -> (0, 0, 0)>
#map1 = affine_map<(d0, d1) -> (0)>
module attributes {stable_mosaic.version = 14 : i64} {
  func.func @_sc_dot(%arg0: i32, %arg1: i32, %arg2: memref<2x64x800000xf32, #tpu.memory_space<hbm>>, %arg3: memref<212992xf32, #tpu.memory_space<hbm>>, %arg4: memref<64x256xf32, #tpu.memory_space<vmem>>, %arg5: memref<64x256xf32, #tpu.memory_space<vmem>>, %arg6: memref<64x256xf32, #tpu.memory_space<vmem>>, %arg7: memref<64x256xf32, #tpu.memory_space<vmem>>, %arg8: memref<256xf32, #tpu.memory_space<vmem>>, %arg9: memref<256xf32, #tpu.memory_space<vmem>>, %arg10: memref<!tpu.dma_semaphore, #tpu.memory_space<semaphore_mem>>, %arg11: memref<!tpu.dma_semaphore, #tpu.memory_space<semaphore_mem>>, %arg12: memref<!tpu.dma_semaphore, #tpu.memory_space<semaphore_mem>>, %arg13: memref<!tpu.dma_semaphore, #tpu.memory_space<semaphore_mem>>) attributes {dimension_semantics = [#tpu.dimension_semantics<core_parallel>, #tpu.dimension_semantics<subcore_parallel>], iteration_bounds = array<i64: 2, 16>, scalar_prefetch = 0 : i64, scratch_operands = 10 : i64, tpu.core_type = #tpu.core_type<sc_vector_subcore>, window_params = [{transform_indices = #map}, {transform_indices = #map1}]} {
    %mul3A = arith.constant 2 : i32
    %mul3A_0 = arith.muli %arg1, %mul3A : i32
    %add3A = arith.addi %mul3A_0, %arg0 : i32
    %mul3A_1 = arith.constant 6656 : i32
    %mul3A_2 = arith.muli %add3A, %mul3A_1 : i32
    %add3A_3 = arith.constant 587008 : i32
    %add3A_4 = arith.addi %add3A_3, %mul3A_2 : i32
    %mul3A_5 = arith.constant 6656 : i32
    %mul3A_6 = arith.muli %add3A, %mul3A_5 : i32
    %add3A_7 = arith.constant 0 : i32
    %add3A_8 = arith.addi %add3A_4, %add3A_7 : i32
    %dma_start3A = arith.constant 0 : i32
    %dma_start3A_9 = arith.constant 0 : i32
    %dma_start3A_10 = tpu.memref_slice %arg2[%dma_start3A, %dma_start3A_9, %add3A_8] : memref<2x64x800000xf32, #tpu.memory_space<hbm>> -> memref<1x64x256xf32, #tpu.memory_space<hbm>>
    %dma_start3A_11 = tpu.memref_squeeze %dma_start3A_10 : memref<1x64x256xf32, #tpu.memory_space<hbm>> -> memref<64x256xf32, #tpu.memory_space<hbm>>
    %dma_start3A_12 = arith.constant 0 : i32
    %dma_start3A_13 = tpu.memref_slice %arg2[%dma_start3A, %dma_start3A_12, %add3A_8] : memref<2x64x800000xf32, #tpu.memory_space<hbm>> -> memref<1x64x256xf32, #tpu.memory_space<hbm>>
    %dma_start3A_14 = tpu.memref_squeeze %dma_start3A_13 : memref<1x64x256xf32, #tpu.memory_space<hbm>> -> memref<64x256xf32, #tpu.memory_space<hbm>>
    tpu.enqueue_dma source(%dma_start3A_14 : memref<64x256xf32, #tpu.memory_space<hbm>>) target(%arg4 : memref<64x256xf32, #tpu.memory_space<vmem>>) target_semaphore(%arg10 : memref<!tpu.dma_semaphore, #tpu.memory_space<semaphore_mem>>)
    %dma_start3A_15 = arith.constant 1 : i32
    %dma_start3A_16 = arith.constant 0 : i32
    %dma_start3A_17 = tpu.memref_slice %arg2[%dma_start3A_15, %dma_start3A_16, %add3A_8] : memref<2x64x800000xf32, #tpu.memory_space<hbm>> -> memref<1x64x256xf32, #tpu.memory_space<hbm>>
    %dma_start3A_18 = tpu.memref_squeeze %dma_start3A_17 : memref<1x64x256xf32, #tpu.memory_space<hbm>> -> memref<64x256xf32, #tpu.memory_space<hbm>>
    %dma_start3A_19 = arith.constant 0 : i32
    %dma_start3A_20 = tpu.memref_slice %arg2[%dma_start3A_15, %dma_start3A_19, %add3A_8] : memref<2x64x800000xf32, #tpu.memory_space<hbm>> -> memref<1x64x256xf32, #tpu.memory_space<hbm>>
    %dma_start3A_21 = tpu.memref_squeeze %dma_start3A_20 : memref<1x64x256xf32, #tpu.memory_space<hbm>> -> memref<64x256xf32, #tpu.memory_space<hbm>>
    tpu.enqueue_dma source(%dma_start3A_21 : memref<64x256xf32, #tpu.memory_space<hbm>>) target(%arg5 : memref<64x256xf32, #tpu.memory_space<vmem>>) target_semaphore(%arg10 : memref<!tpu.dma_semaphore, #tpu.memory_space<semaphore_mem>>)
    %scan3A = arith.constant 0 : i32
    %scan3A_22 = arith.constant 0 : i32
    %scan3A_23 = arith.constant 13 : i32
    %scan3A_24 = arith.addi %scan3A_22, %scan3A_23 : i32
    %scan3A_25 = arith.constant 1 : i32
    scf.for %scan3A_30 = %scan3A_22 to %scan3A_24 step %scan3A_25  : i32 {
      %mul3A_31 = arith.constant 2 : i32
      %mul3A_32 = arith.muli %mul3A_31, %scan3A_30 : i32
      %add3A_33 = arith.constant 1 : i32
      %add3A_34 = arith.addi %mul3A_32, %add3A_33 : i32
      %mul3A_35 = arith.constant 256 : i32
      %mul3A_36 = arith.muli %add3A_34, %mul3A_35 : i32
      %add3A_37 = arith.addi %add3A_4, %mul3A_36 : i32
      %dma_start3A_38 = arith.constant 0 : i32
      %dma_start3A_39 = arith.constant 0 : i32
      %dma_start3A_40 = tpu.memref_slice %arg2[%dma_start3A_38, %dma_start3A_39, %add3A_37] : memref<2x64x800000xf32, #tpu.memory_space<hbm>> -> memref<1x64x256xf32, #tpu.memory_space<hbm>>
      %dma_start3A_41 = tpu.memref_squeeze %dma_start3A_40 : memref<1x64x256xf32, #tpu.memory_space<hbm>> -> memref<64x256xf32, #tpu.memory_space<hbm>>
      %dma_start3A_42 = arith.constant 0 : i32
      %dma_start3A_43 = tpu.memref_slice %arg2[%dma_start3A_38, %dma_start3A_42, %add3A_37] : memref<2x64x800000xf32, #tpu.memory_space<hbm>> -> memref<1x64x256xf32, #tpu.memory_space<hbm>>
      %dma_start3A_44 = tpu.memref_squeeze %dma_start3A_43 : memref<1x64x256xf32, #tpu.memory_space<hbm>> -> memref<64x256xf32, #tpu.memory_space<hbm>>
      tpu.enqueue_dma source(%dma_start3A_44 : memref<64x256xf32, #tpu.memory_space<hbm>>) target(%arg6 : memref<64x256xf32, #tpu.memory_space<vmem>>) target_semaphore(%arg11 : memref<!tpu.dma_semaphore, #tpu.memory_space<semaphore_mem>>)
      %dma_start3A_45 = arith.constant 1 : i32
      %dma_start3A_46 = arith.constant 0 : i32
      %dma_start3A_47 = tpu.memref_slice %arg2[%dma_start3A_45, %dma_start3A_46, %add3A_37] : memref<2x64x800000xf32, #tpu.memory_space<hbm>> -> memref<1x64x256xf32, #tpu.memory_space<hbm>>
      %dma_start3A_48 = tpu.memref_squeeze %dma_start3A_47 : memref<1x64x256xf32, #tpu.memory_space<hbm>> -> memref<64x256xf32, #tpu.memory_space<hbm>>
      %dma_start3A_49 = arith.constant 0 : i32
      %dma_start3A_50 = tpu.memref_slice %arg2[%dma_start3A_45, %dma_start3A_49, %add3A_37] : memref<2x64x800000xf32, #tpu.memory_space<hbm>> -> memref<1x64x256xf32, #tpu.memory_space<hbm>>
      %dma_start3A_51 = tpu.memref_squeeze %dma_start3A_50 : memref<1x64x256xf32, #tpu.memory_space<hbm>> -> memref<64x256xf32, #tpu.memory_space<hbm>>
      tpu.enqueue_dma source(%dma_start3A_51 : memref<64x256xf32, #tpu.memory_space<hbm>>) target(%arg7 : memref<64x256xf32, #tpu.memory_space<vmem>>) target_semaphore(%arg11 : memref<!tpu.dma_semaphore, #tpu.memory_space<semaphore_mem>>)
      %dma_wait3A_52 = arith.constant 0 : i32
      %dma_wait3A_53 = arith.constant 0 : i32
      %dma_wait3A_54 = tpu.memref_slice %arg2[%dma_wait3A_52, %dma_wait3A_53, %add3A_4] : memref<2x64x800000xf32, #tpu.memory_space<hbm>> -> memref<1x64x256xf32, #tpu.memory_space<hbm>>
      %dma_wait3A_55 = tpu.memref_squeeze %dma_wait3A_54 : memref<1x64x256xf32, #tpu.memory_space<hbm>> -> memref<64x256xf32, #tpu.memory_space<hbm>>
      %dma_wait3A_56 = arith.constant 0 : i32
      %dma_wait3A_57 = tpu.memref_slice %arg2[%dma_wait3A_52, %dma_wait3A_56, %add3A_4] : memref<2x64x800000xf32, #tpu.memory_space<hbm>> -> memref<1x64x256xf32, #tpu.memory_space<hbm>>
      %dma_wait3A_58 = tpu.memref_squeeze %dma_wait3A_57 : memref<1x64x256xf32, #tpu.memory_space<hbm>> -> memref<64x256xf32, #tpu.memory_space<hbm>>
      tpu.wait_dma2 semaphore(%arg10 : memref<!tpu.dma_semaphore, #tpu.memory_space<semaphore_mem>>) src(%dma_wait3A_58 : memref<64x256xf32, #tpu.memory_space<hbm>>) dst(%arg4 : memref<64x256xf32, #tpu.memory_space<vmem>>)
      %dma_wait3A_59 = arith.constant 1 : i32
      %dma_wait3A_60 = arith.constant 0 : i32
      %dma_wait3A_61 = tpu.memref_slice %arg2[%dma_wait3A_59, %dma_wait3A_60, %add3A_4] : memref<2x64x800000xf32, #tpu.memory_space<hbm>> -> memref<1x64x256xf32, #tpu.memory_space<hbm>>
      %dma_wait3A_62 = tpu.memref_squeeze %dma_wait3A_61 : memref<1x64x256xf32, #tpu.memory_space<hbm>> -> memref<64x256xf32, #tpu.memory_space<hbm>>
      %dma_wait3A_63 = arith.constant 0 : i32
      %dma_wait3A_64 = tpu.memref_slice %arg2[%dma_wait3A_59, %dma_wait3A_63, %add3A_4] : memref<2x64x800000xf32, #tpu.memory_space<hbm>> -> memref<1x64x256xf32, #tpu.memory_space<hbm>>
      %dma_wait3A_65 = tpu.memref_squeeze %dma_wait3A_64 : memref<1x64x256xf32, #tpu.memory_space<hbm>> -> memref<64x256xf32, #tpu.memory_space<hbm>>
      tpu.wait_dma2 semaphore(%arg10 : memref<!tpu.dma_semaphore, #tpu.memory_space<semaphore_mem>>) src(%dma_wait3A_65 : memref<64x256xf32, #tpu.memory_space<hbm>>) dst(%arg5 : memref<64x256xf32, #tpu.memory_space<vmem>>)
      %gt3A = arith.constant 0 : i32
      %gt3A_66 = arith.cmpi sgt, %scan3A_30, %gt3A : i32
      %convert_element_type3A = arith.extui %gt3A_66 : i1 to i32
      %cond3A = arith.constant 0 : i32
      %cond3A_67 = arith.cmpi ne, %convert_element_type3A, %cond3A : i32
      scf.if %cond3A_67 {
        %dma_wait3A_115 = tpu.memref_slice %arg3[%mul3A_6] : memref<212992xf32, #tpu.memory_space<hbm>> -> memref<256xf32, #tpu.memory_space<hbm>>
        %dma_wait3A_116 = tpu.memref_slice %arg3[%mul3A_6] : memref<212992xf32, #tpu.memory_space<hbm>> -> memref<256xf32, #tpu.memory_space<hbm>>
        tpu.wait_dma2 semaphore(%arg12 : memref<!tpu.dma_semaphore, #tpu.memory_space<semaphore_mem>>) src(%arg8 : memref<256xf32, #tpu.memory_space<vmem>>) dst(%dma_wait3A_116 : memref<256xf32, #tpu.memory_space<hbm>>)
      } else {
      }
      %scan3A_68 = arith.constant 0 : i32
      %scan3A_69 = arith.constant 0 : i32
      %scan3A_70 = arith.constant 16 : i32
      %scan3A_71 = arith.addi %scan3A_69, %scan3A_70 : i32
      %scan3A_72 = arith.constant 1 : i32
      scf.for %scan3A_115 = %scan3A_69 to %scan3A_71 step %scan3A_72  : i32 {
        %mul3A_116 = arith.constant 16 : i32
        %mul3A_117 = arith.muli %scan3A_115, %mul3A_116 : i32
        %get3A = arith.constant 0 : i32
        %get3A_118 = arith.index_cast %get3A : i32 to index
        %get3A_119 = arith.index_cast %mul3A_117 : i32 to index
        %get3A_120 = tpu.vector_load %arg4[%get3A_118, %get3A_119] {strides = array<i32>} : memref<64x256xf32, #tpu.memory_space<vmem>>, vector<1x16xf32>,
        %get3A_121 = vector.shape_cast %get3A_120 : vector<1x16xf32> to vector<16xf32>
        %get3A_122 = arith.constant 0 : i32
        %get3A_123 = arith.index_cast %get3A_122 : i32 to index
        %get3A_124 = arith.index_cast %mul3A_117 : i32 to index
        %get3A_125 = tpu.vector_load %arg5[%get3A_123, %get3A_124] {strides = array<i32>} : memref<64x256xf32, #tpu.memory_space<vmem>>, vector<1x16xf32>,
        %get3A_126 = vector.shape_cast %get3A_125 : vector<1x16xf32> to vector<16xf32>
        %mul3A_127 = arith.mulf %get3A_121, %get3A_126 : vector<16xf32>
        %get3A_128 = arith.constant 1 : i32
        %get3A_129 = arith.index_cast %get3A_128 : i32 to index
        %get3A_130 = arith.index_cast %mul3A_117 : i32 to index
        %get3A_131 = tpu.vector_load %arg4[%get3A_129, %get3A_130] {strides = array<i32>} : memref<64x256xf32, #tpu.memory_space<vmem>>, vector<1x16xf32>,
        %get3A_132 = vector.shape_cast %get3A_131 : vector<1x16xf32> to vector<16xf32>
        %get3A_133 = arith.constant 1 : i32
        %get3A_134 = arith.index_cast %get3A_133 : i32 to index
        %get3A_135 = arith.index_cast %mul3A_117 : i32 to index
        %get3A_136 = tpu.vector_load %arg5[%get3A_134, %get3A_135] {strides = array<i32>} : memref<64x256xf32, #tpu.memory_space<vmem>>, vector<1x16xf32>,
        %get3A_137 = vector.shape_cast %get3A_136 : vector<1x16xf32> to vector<16xf32>
        %mul3A_138 = arith.mulf %get3A_132, %get3A_137 : vector<16xf32>
        %get3A_139 = arith.constant 2 : i32
        %get3A_140 = arith.index_cast %get3A_139 : i32 to index
        %get3A_141 = arith.index_cast %mul3A_117 : i32 to index
        %get3A_142 = tpu.vector_load %arg4[%get3A_140, %get3A_141] {strides = array<i32>} : memref<64x256xf32, #tpu.memory_space<vmem>>, vector<1x16xf32>,
        %get3A_143 = vector.shape_cast %get3A_142 : vector<1x16xf32> to vector<16xf32>
        %get3A_144 = arith.constant 2 : i32
        %get3A_145 = arith.index_cast %get3A_144 : i32 to index
        %get3A_146 = arith.index_cast %mul3A_117 : i32 to index
        %get3A_147 = tpu.vector_load %arg5[%get3A_145, %get3A_146] {strides = array<i32>} : memref<64x256xf32, #tpu.memory_space<vmem>>, vector<1x16xf32>,
        %get3A_148 = vector.shape_cast %get3A_147 : vector<1x16xf32> to vector<16xf32>
        %mul3A_149 = arith.mulf %get3A_143, %get3A_148 : vector<16xf32>
        %get3A_150 = arith.constant 3 : i32
        %get3A_151 = arith.index_cast %get3A_150 : i32 to index
        %get3A_152 = arith.index_cast %mul3A_117 : i32 to index
        %get3A_153 = tpu.vector_load %arg4[%get3A_151, %get3A_152] {strides = array<i32>} : memref<64x256xf32, #tpu.memory_space<vmem>>, vector<1x16xf32>,
        %get3A_154 = vector.shape_cast %get3A_153 : vector<1x16xf32> to vector<16xf32>
        %get3A_155 = arith.constant 3 : i32
        %get3A_156 = arith.index_cast %get3A_155 : i32 to index
        %get3A_157 = arith.index_cast %mul3A_117 : i32 to index
        %get3A_158 = tpu.vector_load %arg5[%get3A_156, %get3A_157] {strides = array<i32>} : memref<64x256xf32, #tpu.memory_space<vmem>>, vector<1x16xf32>,
        %get3A_159 = vector.shape_cast %get3A_158 : vector<1x16xf32> to vector<16xf32>
        %mul3A_160 = arith.mulf %get3A_154, %get3A_159 : vector<16xf32>
        %get3A_161 = arith.constant 4 : i32
        %get3A_162 = arith.index_cast %get3A_161 : i32 to index
        %get3A_163 = arith.index_cast %mul3A_117 : i32 to index
        %get3A_164 = tpu.vector_load %arg4[%get3A_162, %get3A_163] {strides = array<i32>} : memref<64x256xf32, #tpu.memory_space<vmem>>, vector<1x16xf32>,
        %get3A_165 = vector.shape_cast %get3A_164 : vector<1x16xf32> to vector<16xf32>
        %get3A_166 = arith.constant 4 : i32
        %get3A_167 = arith.index_cast %get3A_166 : i32 to index
        %get3A_168 = arith.index_cast %mul3A_117 : i32 to index
        %get3A_169 = tpu.vector_load %arg5[%get3A_167, %get3A_168] {strides = array<i32>} : memref<64x256xf32, #tpu.memory_space<vmem>>, vector<1x16xf32>,
        %get3A_170 = vector.shape_cast %get3A_169 : vector<1x16xf32> to vector<16xf32>
        %mul3A_171 = arith.mulf %get3A_165, %get3A_170 : vector<16xf32>
        %add3A_172 = arith.addf %mul3A_127, %mul3A_171 : vector<16xf32>
        %get3A_173 = arith.constant 5 : i32
        %get3A_174 = arith.index_cast %get3A_173 : i32 to index
        %get3A_175 = arith.index_cast %mul3A_117 : i32 to index
        %get3A_176 = tpu.vector_load %arg4[%get3A_174, %get3A_175] {strides = array<i32>} : memref<64x256xf32, #tpu.memory_space<vmem>>, vector<1x16xf32>,
        %get3A_177 = vector.shape_cast %get3A_176 : vector<1x16xf32> to vector<16xf32>
        %get3A_178 = arith.constant 5 : i32
        %get3A_179 = arith.index_cast %get3A_178 : i32 to index
        %get3A_180 = arith.index_cast %mul3A_117 : i32 to index
        %get3A_181 = tpu.vector_load %arg5[%get3A_179, %get3A_180] {strides = array<i32>} : memref<64x256xf32, #tpu.memory_space<vmem>>, vector<1x16xf32>,
        %get3A_182 = vector.shape_cast %get3A_181 : vector<1x16xf32> to vector<16xf32>
        %mul3A_183 = arith.mulf %get3A_177, %get3A_182 : vector<16xf32>
        %add3A_184 = arith.addf %mul3A_138, %mul3A_183 : vector<16xf32>
        %get3A_185 = arith.constant 6 : i32
        %get3A_186 = arith.index_cast %get3A_185 : i32 to index
        %get3A_187 = arith.index_cast %mul3A_117 : i32 to index
        %get3A_188 = tpu.vector_load %arg4[%get3A_186, %get3A_187] {strides = array<i32>} : memref<64x256xf32, #tpu.memory_space<vmem>>, vector<1x16xf32>,
        %get3A_189 = vector.shape_cast %get3A_188 : vector<1x16xf32> to vector<16xf32>
        %get3A_190 = arith.constant 6 : i32
        %get3A_191 = arith.index_cast %get3A_190 : i32 to index
        %get3A_192 = arith.index_cast %mul3A_117 : i32 to index
        %get3A_193 = tpu.vector_load %arg5[%get3A_191, %get3A_192] {strides = array<i32>} : memref<64x256xf32, #tpu.memory_space<vmem>>, vector<1x16xf32>,
        %get3A_194 = vector.shape_cast %get3A_193 : vector<1x16xf32> to vector<16xf32>
        %mul3A_195 = arith.mulf %get3A_189, %get3A_194 : vector<16xf32>
        %add3A_196 = arith.addf %mul3A_149, %mul3A_195 : vector<16xf32>
        %get3A_197 = arith.constant 7 : i32
        %get3A_198 = arith.index_cast %get3A_197 : i32 to index
        %get3A_199 = arith.index_cast %mul3A_117 : i32 to index
        %get3A_200 = tpu.vector_load %arg4[%get3A_198, %get3A_199] {strides = array<i32>} : memref<64x256xf32, #tpu.memory_space<vmem>>, vector<1x16xf32>,
        %get3A_201 = vector.shape_cast %get3A_200 : vector<1x16xf32> to vector<16xf32>
        %get3A_202 = arith.constant 7 : i32
        %get3A_203 = arith.index_cast %get3A_202 : i32 to index
        %get3A_204 = arith.index_cast %mul3A_117 : i32 to index
        %get3A_205 = tpu.vector_load %arg5[%get3A_203, %get3A_204] {strides = array<i32>} : memref<64x256xf32, #tpu.memory_space<vmem>>, vector<1x16xf32>,
        %get3A_206 = vector.shape_cast %get3A_205 : vector<1x16xf32> to vector<16xf32>
        %mul3A_207 = arith.mulf %get3A_201, %get3A_206 : vector<16xf32>
        %add3A_208 = arith.addf %mul3A_160, %mul3A_207 : vector<16xf32>
        %get3A_209 = arith.constant 8 : i32
        %get3A_210 = arith.index_cast %get3A_209 : i32 to index
        %get3A_211 = arith.index_cast %mul3A_117 : i32 to index
        %get3A_212 = tpu.vector_load %arg4[%get3A_210, %get3A_211] {strides = array<i32>} : memref<64x256xf32, #tpu.memory_space<vmem>>, vector<1x16xf32>,
        %get3A_213 = vector.shape_cast %get3A_212 : vector<1x16xf32> to vector<16xf32>
        %get3A_214 = arith.constant 8 : i32
        %get3A_215 = arith.index_cast %get3A_214 : i32 to index
        %get3A_216 = arith.index_cast %mul3A_117 : i32 to index
        %get3A_217 = tpu.vector_load %arg5[%get3A_215, %get3A_216] {strides = array<i32>} : memref<64x256xf32, #tpu.memory_space<vmem>>, vector<1x16xf32>,
        %get3A_218 = vector.shape_cast %get3A_217 : vector<1x16xf32> to vector<16xf32>
        %mul3A_219 = arith.mulf %get3A_213, %get3A_218 : vector<16xf32>
        %add3A_220 = arith.addf %add3A_172, %mul3A_219 : vector<16xf32>
        %get3A_221 = arith.constant 9 : i32
        %get3A_222 = arith.index_cast %get3A_221 : i32 to index
        %get3A_223 = arith.index_cast %mul3A_117 : i32 to index
        %get3A_224 = tpu.vector_load %arg4[%get3A_222, %get3A_223] {strides = array<i32>} : memref<64x256xf32, #tpu.memory_space<vmem>>, vector<1x16xf32>,
        %get3A_225 = vector.shape_cast %get3A_224 : vector<1x16xf32> to vector<16xf32>
        %get3A_226 = arith.constant 9 : i32
        %get3A_227 = arith.index_cast %get3A_226 : i32 to index
        %get3A_228 = arith.index_cast %mul3A_117 : i32 to index
        %get3A_229 = tpu.vector_load %arg5[%get3A_227, %get3A_228] {strides = array<i32>} : memref<64x256xf32, #tpu.memory_space<vmem>>, vector<1x16xf32>,
        %get3A_230 = vector.shape_cast %get3A_229 : vector<1x16xf32> to vector<16xf32>
        %mul3A_231 = arith.mulf %get3A_225, %get3A_230 : vector<16xf32>
        %add3A_232 = arith.addf %add3A_184, %mul3A_231 : vector<16xf32>
        %get3A_233 = arith.constant 10 : i32
        %get3A_234 = arith.index_cast %get3A_233 : i32 to index
        %get3A_235 = arith.index_cast %mul3A_117 : i32 to index
        %get3A_236 = tpu.vector_load %arg4[%get3A_234, %get3A_235] {strides = array<i32>} : memref<64x256xf32, #tpu.memory_space<vmem>>, vector<1x16xf32>,
        %get3A_237 = vector.shape_cast %get3A_236 : vector<1x16xf32> to vector<16xf32>
        %get3A_238 = arith.constant 10 : i32
        %get3A_239 = arith.index_cast %get3A_238 : i32 to index
        %get3A_240 = arith.index_cast %mul3A_117 : i32 to index
        %get3A_241 = tpu.vector_load %arg5[%get3A_239, %get3A_240] {strides = array<i32>} : memref<64x256xf32, #tpu.memory_space<vmem>>, vector<1x16xf32>,
        %get3A_242 = vector.shape_cast %get3A_241 : vector<1x16xf32> to vector<16xf32>
        %mul3A_243 = arith.mulf %get3A_237, %get3A_242 : vector<16xf32>
        %add3A_244 = arith.addf %add3A_196, %mul3A_243 : vector<16xf32>
        %get3A_245 = arith.constant 11 : i32
        %get3A_246 = arith.index_cast %get3A_245 : i32 to index
        %get3A_247 = arith.index_cast %mul3A_117 : i32 to index
        %get3A_248 = tpu.vector_load %arg4[%get3A_246, %get3A_247] {strides = array<i32>} : memref<64x256xf32, #tpu.memory_space<vmem>>, vector<1x16xf32>,
        %get3A_249 = vector.shape_cast %get3A_248 : vector<1x16xf32> to vector<16xf32>
        %get3A_250 = arith.constant 11 : i32
        %get3A_251 = arith.index_cast %get3A_250 : i32 to index
        %get3A_252 = arith.index_cast %mul3A_117 : i32 to index
        %get3A_253 = tpu.vector_load %arg5[%get3A_251, %get3A_252] {strides = array<i32>} : memref<64x256xf32, #tpu.memory_space<vmem>>, vector<1x16xf32>,
        %get3A_254 = vector.shape_cast %get3A_253 : vector<1x16xf32> to vector<16xf32>
        %mul3A_255 = arith.mulf %get3A_249, %get3A_254 : vector<16xf32>
        %add3A_256 = arith.addf %add3A_208, %mul3A_255 : vector<16xf32>
        %get3A_257 = arith.constant 12 : i32
        %get3A_258 = arith.index_cast %get3A_257 : i32 to index
        %get3A_259 = arith.index_cast %mul3A_117 : i32 to index
        %get3A_260 = tpu.vector_load %arg4[%get3A_258, %get3A_259] {strides = array<i32>} : memref<64x256xf32, #tpu.memory_space<vmem>>, vector<1x16xf32>,
        %get3A_261 = vector.shape_cast %get3A_260 : vector<1x16xf32> to vector<16xf32>
        %get3A_262 = arith.constant 12 : i32
        %get3A_263 = arith.index_cast %get3A_262 : i32 to index
        %get3A_264 = arith.index_cast %mul3A_117 : i32 to index
        %get3A_265 = tpu.vector_load %arg5[%get3A_263, %get3A_264] {strides = array<i32>} : memref<64x256xf32, #tpu.memory_space<vmem>>, vector<1x16xf32>,
        %get3A_266 = vector.shape_cast %get3A_265 : vector<1x16xf32> to vector<16xf32>
        %mul3A_267 = arith.mulf %get3A_261, %get3A_266 : vector<16xf32>
        %add3A_268 = arith.addf %add3A_220, %mul3A_267 : vector<16xf32>
        %get3A_269 = arith.constant 13 : i32
        %get3A_270 = arith.index_cast %get3A_269 : i32 to index
        %get3A_271 = arith.index_cast %mul3A_117 : i32 to index
        %get3A_272 = tpu.vector_load %arg4[%get3A_270, %get3A_271] {strides = array<i32>} : memref<64x256xf32, #tpu.memory_space<vmem>>, vector<1x16xf32>,
        %get3A_273 = vector.shape_cast %get3A_272 : vector<1x16xf32> to vector<16xf32>
        %get3A_274 = arith.constant 13 : i32
        %get3A_275 = arith.index_cast %get3A_274 : i32 to index
        %get3A_276 = arith.index_cast %mul3A_117 : i32 to index
        %get3A_277 = tpu.vector_load %arg5[%get3A_275, %get3A_276] {strides = array<i32>} : memref<64x256xf32, #tpu.memory_space<vmem>>, vector<1x16xf32>,
        %get3A_278 = vector.shape_cast %get3A_277 : vector<1x16xf32> to vector<16xf32>
        %mul3A_279 = arith.mulf %get3A_273, %get3A_278 : vector<16xf32>
        %add3A_280 = arith.addf %add3A_232, %mul3A_279 : vector<16xf32>
        %get3A_281 = arith.constant 14 : i32
        %get3A_282 = arith.index_cast %get3A_281 : i32 to index
        %get3A_283 = arith.index_cast %mul3A_117 : i32 to index
        %get3A_284 = tpu.vector_load %arg4[%get3A_282, %get3A_283] {strides = array<i32>} : memref<64x256xf32, #tpu.memory_space<vmem>>, vector<1x16xf32>,
        %get3A_285 = vector.shape_cast %get3A_284 : vector<1x16xf32> to vector<16xf32>
        %get3A_286 = arith.constant 14 : i32
        %get3A_287 = arith.index_cast %get3A_286 : i32 to index
        %get3A_288 = arith.index_cast %mul3A_117 : i32 to index
        %get3A_289 = tpu.vector_load %arg5[%get3A_287, %get3A_288] {strides = array<i32>} : memref<64x256xf32, #tpu.memory_space<vmem>>, vector<1x16xf32>,
        %get3A_290 = vector.shape_cast %get3A_289 : vector<1x16xf32> to vector<16xf32>
        %mul3A_291 = arith.mulf %get3A_285, %get3A_290 : vector<16xf32>
        %add3A_292 = arith.addf %add3A_244, %mul3A_291 : vector<16xf32>
        %get3A_293 = arith.constant 15 : i32
        %get3A_294 = arith.index_cast %get3A_293 : i32 to index
        %get3A_295 = arith.index_cast %mul3A_117 : i32 to index
        %get3A_296 = tpu.vector_load %arg4[%get3A_294, %get3A_295] {strides = array<i32>} : memref<64x256xf32, #tpu.memory_space<vmem>>, vector<1x16xf32>,
        %get3A_297 = vector.shape_cast %get3A_296 : vector<1x16xf32> to vector<16xf32>
        %get3A_298 = arith.constant 15 : i32
        %get3A_299 = arith.index_cast %get3A_298 : i32 to index
        %get3A_300 = arith.index_cast %mul3A_117 : i32 to index
        %get3A_301 = tpu.vector_load %arg5[%get3A_299, %get3A_300] {strides = array<i32>} : memref<64x256xf32, #tpu.memory_space<vmem>>, vector<1x16xf32>,
        %get3A_302 = vector.shape_cast %get3A_301 : vector<1x16xf32> to vector<16xf32>
        %mul3A_303 = arith.mulf %get3A_297, %get3A_302 : vector<16xf32>
        %add3A_304 = arith.addf %add3A_256, %mul3A_303 : vector<16xf32>
        %get3A_305 = arith.constant 16 : i32
        %get3A_306 = arith.index_cast %get3A_305 : i32 to index
        %get3A_307 = arith.index_cast %mul3A_117 : i32 to index
        %get3A_308 = tpu.vector_load %arg4[%get3A_306, %get3A_307] {strides = array<i32>} : memref<64x256xf32, #tpu.memory_space<vmem>>, vector<1x16xf32>,
        %get3A_309 = vector.shape_cast %get3A_308 : vector<1x16xf32> to vector<16xf32>
        %get3A_310 = arith.constant 16 : i32
        %get3A_311 = arith.index_cast %get3A_310 : i32 to index
        %get3A_312 = arith.index_cast %mul3A_117 : i32 to index
        %get3A_313 = tpu.vector_load %arg5[%get3A_311, %get3A_312] {strides = array<i32>} : memref<64x256xf32, #tpu.memory_space<vmem>>, vector<1x16xf32>,
        %get3A_314 = vector.shape_cast %get3A_313 : vector<1x16xf32> to vector<16xf32>
        %mul3A_315 = arith.mulf %get3A_309, %get3A_314 : vector<16xf32>
        %add3A_316 = arith.addf %add3A_268, %mul3A_315 : vector<16xf32>
        %get3A_317 = arith.constant 17 : i32
        %get3A_318 = arith.index_cast %get3A_317 : i32 to index
        %get3A_319 = arith.index_cast %mul3A_117 : i32 to index
        %get3A_320 = tpu.vector_load %arg4[%get3A_318, %get3A_319] {strides = array<i32>} : memref<64x256xf32, #tpu.memory_space<vmem>>, vector<1x16xf32>,
        %get3A_321 = vector.shape_cast %get3A_320 : vector<1x16xf32> to vector<16xf32>
        %get3A_322 = arith.constant 17 : i32
        %get3A_323 = arith.index_cast %get3A_322 : i32 to index
        %get3A_324 = arith.index_cast %mul3A_117 : i32 to index
        %get3A_325 = tpu.vector_load %arg5[%get3A_323, %get3A_324] {strides = array<i32>} : memref<64x256xf32, #tpu.memory_space<vmem>>, vector<1x16xf32>,
        %get3A_326 = vector.shape_cast %get3A_325 : vector<1x16xf32> to vector<16xf32>
        %mul3A_327 = arith.mulf %get3A_321, %get3A_326 : vector<16xf32>
        %add3A_328 = arith.addf %add3A_280, %mul3A_327 : vector<16xf32>
        %get3A_329 = arith.constant 18 : i32
        %get3A_330 = arith.index_cast %get3A_329 : i32 to index
        %get3A_331 = arith.index_cast %mul3A_117 : i32 to index
        %get3A_332 = tpu.vector_load %arg4[%get3A_330, %get3A_331] {strides = array<i32>} : memref<64x256xf32, #tpu.memory_space<vmem>>, vector<1x16xf32>,
        %get3A_333 = vector.shape_cast %get3A_332 : vector<1x16xf32> to vector<16xf32>
        %get3A_334 = arith.constant 18 : i32
        %get3A_335 = arith.index_cast %get3A_334 : i32 to index
        %get3A_336 = arith.index_cast %mul3A_117 : i32 to index
        %get3A_337 = tpu.vector_load %arg5[%get3A_335, %get3A_336] {strides = array<i32>} : memref<64x256xf32, #tpu.memory_space<vmem>>, vector<1x16xf32>,
        %get3A_338 = vector.shape_cast %get3A_337 : vector<1x16xf32> to vector<16xf32>
        %mul3A_339 = arith.mulf %get3A_333, %get3A_338 : vector<16xf32>
        %add3A_340 = arith.addf %add3A_292, %mul3A_339 : vector<16xf32>
        %get3A_341 = arith.constant 19 : i32
        %get3A_342 = arith.index_cast %get3A_341 : i32 to index
        %get3A_343 = arith.index_cast %mul3A_117 : i32 to index
        %get3A_344 = tpu.vector_load %arg4[%get3A_342, %get3A_343] {strides = array<i32>} : memref<64x256xf32, #tpu.memory_space<vmem>>, vector<1x16xf32>,
        %get3A_345 = vector.shape_cast %get3A_344 : vector<1x16xf32> to vector<16xf32>
        %get3A_346 = arith.constant 19 : i32
        %get3A_347 = arith.index_cast %get3A_346 : i32 to index
        %get3A_348 = arith.index_cast %mul3A_117 : i32 to index
        %get3A_349 = tpu.vector_load %arg5[%get3A_347, %get3A_348] {strides = array<i32>} : memref<64x256xf32, #tpu.memory_space<vmem>>, vector<1x16xf32>,
        %get3A_350 = vector.shape_cast %get3A_349 : vector<1x16xf32> to vector<16xf32>
        %mul3A_351 = arith.mulf %get3A_345, %get3A_350 : vector<16xf32>
        %add3A_352 = arith.addf %add3A_304, %mul3A_351 : vector<16xf32>
        %get3A_353 = arith.constant 20 : i32
        %get3A_354 = arith.index_cast %get3A_353 : i32 to index
        %get3A_355 = arith.index_cast %mul3A_117 : i32 to index
        %get3A_356 = tpu.vector_load %arg4[%get3A_354, %get3A_355] {strides = array<i32>} : memref<64x256xf32, #tpu.memory_space<vmem>>, vector<1x16xf32>,
        %get3A_357 = vector.shape_cast %get3A_356 : vector<1x16xf32> to vector<16xf32>
        %get3A_358 = arith.constant 20 : i32
        %get3A_359 = arith.index_cast %get3A_358 : i32 to index
        %get3A_360 = arith.index_cast %mul3A_117 : i32 to index
        %get3A_361 = tpu.vector_load %arg5[%get3A_359, %get3A_360] {strides = array<i32>} : memref<64x256xf32, #tpu.memory_space<vmem>>, vector<1x16xf32>,
        %get3A_362 = vector.shape_cast %get3A_361 : vector<1x16xf32> to vector<16xf32>
        %mul3A_363 = arith.mulf %get3A_357, %get3A_362 : vector<16xf32>
        %add3A_364 = arith.addf %add3A_316, %mul3A_363 : vector<16xf32>
        %get3A_365 = arith.constant 21 : i32
        %get3A_366 = arith.index_cast %get3A_365 : i32 to index
        %get3A_367 = arith.index_cast %mul3A_117 : i32 to index
        %get3A_368 = tpu.vector_load %arg4[%get3A_366, %get3A_367] {strides = array<i32>} : memref<64x256xf32, #tpu.memory_space<vmem>>, vector<1x16xf32>,
        %get3A_369 = vector.shape_cast %get3A_368 : vector<1x16xf32> to vector<16xf32>
        %get3A_370 = arith.constant 21 : i32
        %get3A_371 = arith.index_cast %get3A_370 : i32 to index
        %get3A_372 = arith.index_cast %mul3A_117 : i32 to index
        %get3A_373 = tpu.vector_load %arg5[%get3A_371, %get3A_372] {strides = array<i32>} : memref<64x256xf32, #tpu.memory_space<vmem>>, vector<1x16xf32>,
        %get3A_374 = vector.shape_cast %get3A_373 : vector<1x16xf32> to vector<16xf32>
        %mul3A_375 = arith.mulf %get3A_369, %get3A_374 : vector<16xf32>
        %add3A_376 = arith.addf %add3A_328, %mul3A_375 : vector<16xf32>
        %get3A_377 = arith.constant 22 : i32
        %get3A_378 = arith.index_cast %get3A_377 : i32 to index
        %get3A_379 = arith.index_cast %mul3A_117 : i32 to index
        %get3A_380 = tpu.vector_load %arg4[%get3A_378, %get3A_379] {strides = array<i32>} : memref<64x256xf32, #tpu.memory_space<vmem>>, vector<1x16xf32>,
        %get3A_381 = vector.shape_cast %get3A_380 : vector<1x16xf32> to vector<16xf32>
        %get3A_382 = arith.constant 22 : i32
        %get3A_383 = arith.index_cast %get3A_382 : i32 to index
        %get3A_384 = arith.index_cast %mul3A_117 : i32 to index
        %get3A_385 = tpu.vector_load %arg5[%get3A_383, %get3A_384] {strides = array<i32>} : memref<64x256xf32, #tpu.memory_space<vmem>>, vector<1x16xf32>,
        %get3A_386 = vector.shape_cast %get3A_385 : vector<1x16xf32> to vector<16xf32>
        %mul3A_387 = arith.mulf %get3A_381, %get3A_386 : vector<16xf32>
        %add3A_388 = arith.addf %add3A_340, %mul3A_387 : vector<16xf32>
        %get3A_389 = arith.constant 23 : i32
        %get3A_390 = arith.index_cast %get3A_389 : i32 to index
        %get3A_391 = arith.index_cast %mul3A_117 : i32 to index
        %get3A_392 = tpu.vector_load %arg4[%get3A_390, %get3A_391] {strides = array<i32>} : memref<64x256xf32, #tpu.memory_space<vmem>>, vector<1x16xf32>,
        %get3A_393 = vector.shape_cast %get3A_392 : vector<1x16xf32> to vector<16xf32>
        %get3A_394 = arith.constant 23 : i32
        %get3A_395 = arith.index_cast %get3A_394 : i32 to index
        %get3A_396 = arith.index_cast %mul3A_117 : i32 to index
        %get3A_397 = tpu.vector_load %arg5[%get3A_395, %get3A_396] {strides = array<i32>} : memref<64x256xf32, #tpu.memory_space<vmem>>, vector<1x16xf32>,
        %get3A_398 = vector.shape_cast %get3A_397 : vector<1x16xf32> to vector<16xf32>
        %mul3A_399 = arith.mulf %get3A_393, %get3A_398 : vector<16xf32>
        %add3A_400 = arith.addf %add3A_352, %mul3A_399 : vector<16xf32>
        %get3A_401 = arith.constant 24 : i32
        %get3A_402 = arith.index_cast %get3A_401 : i32 to index
        %get3A_403 = arith.index_cast %mul3A_117 : i32 to index
        %get3A_404 = tpu.vector_load %arg4[%get3A_402, %get3A_403] {strides = array<i32>} : memref<64x256xf32, #tpu.memory_space<vmem>>, vector<1x16xf32>,
        %get3A_405 = vector.shape_cast %get3A_404 : vector<1x16xf32> to vector<16xf32>
        %get3A_406 = arith.constant 24 : i32
        %get3A_407 = arith.index_cast %get3A_406 : i32 to index
        %get3A_408 = arith.index_cast %mul3A_117 : i32 to index
        %get3A_409 = tpu.vector_load %arg5[%get3A_407, %get3A_408] {strides = array<i32>} : memref<64x256xf32, #tpu.memory_space<vmem>>, vector<1x16xf32>,
        %get3A_410 = vector.shape_cast %get3A_409 : vector<1x16xf32> to vector<16xf32>
        %mul3A_411 = arith.mulf %get3A_405, %get3A_410 : vector<16xf32>
        %add3A_412 = arith.addf %add3A_364, %mul3A_411 : vector<16xf32>
        %get3A_413 = arith.constant 25 : i32
        %get3A_414 = arith.index_cast %get3A_413 : i32 to index
        %get3A_415 = arith.index_cast %mul3A_117 : i32 to index
        %get3A_416 = tpu.vector_load %arg4[%get3A_414, %get3A_415] {strides = array<i32>} : memref<64x256xf32, #tpu.memory_space<vmem>>, vector<1x16xf32>,
        %get3A_417 = vector.shape_cast %get3A_416 : vector<1x16xf32> to vector<16xf32>
        %get3A_418 = arith.constant 25 : i32
        %get3A_419 = arith.index_cast %get3A_418 : i32 to index
        %get3A_420 = arith.index_cast %mul3A_117 : i32 to index
        %get3A_421 = tpu.vector_load %arg5[%get3A_419, %get3A_420] {strides = array<i32>} : memref<64x256xf32, #tpu.memory_space<vmem>>, vector<1x16xf32>,
        %get3A_422 = vector.shape_cast %get3A_421 : vector<1x16xf32> to vector<16xf32>
        %mul3A_423 = arith.mulf %get3A_417, %get3A_422 : vector<16xf32>
        %add3A_424 = arith.addf %add3A_376, %mul3A_423 : vector<16xf32>
        %get3A_425 = arith.constant 26 : i32
        %get3A_426 = arith.index_cast %get3A_425 : i32 to index
        %get3A_427 = arith.index_cast %mul3A_117 : i32 to index
        %get3A_428 = tpu.vector_load %arg4[%get3A_426, %get3A_427] {strides = array<i32>} : memref<64x256xf32, #tpu.memory_space<vmem>>, vector<1x16xf32>,
        %get3A_429 = vector.shape_cast %get3A_428 : vector<1x16xf32> to vector<16xf32>
        %get3A_430 = arith.constant 26 : i32
        %get3A_431 = arith.index_cast %get3A_430 : i32 to index
        %get3A_432 = arith.index_cast %mul3A_117 : i32 to index
        %get3A_433 = tpu.vector_load %arg5[%get3A_431, %get3A_432] {strides = array<i32>} : memref<64x256xf32, #tpu.memory_space<vmem>>, vector<1x16xf32>,
        %get3A_434 = vector.shape_cast %get3A_433 : vector<1x16xf32> to vector<16xf32>
        %mul3A_435 = arith.mulf %get3A_429, %get3A_434 : vector<16xf32>
        %add3A_436 = arith.addf %add3A_388, %mul3A_435 : vector<16xf32>
        %get3A_437 = arith.constant 27 : i32
        %get3A_438 = arith.index_cast %get3A_437 : i32 to index
        %get3A_439 = arith.index_cast %mul3A_117 : i32 to index
        %get3A_440 = tpu.vector_load %arg4[%get3A_438, %get3A_439] {strides = array<i32>} : memref<64x256xf32, #tpu.memory_space<vmem>>, vector<1x16xf32>,
        %get3A_441 = vector.shape_cast %get3A_440 : vector<1x16xf32> to vector<16xf32>
        %get3A_442 = arith.constant 27 : i32
        %get3A_443 = arith.index_cast %get3A_442 : i32 to index
        %get3A_444 = arith.index_cast %mul3A_117 : i32 to index
        %get3A_445 = tpu.vector_load %arg5[%get3A_443, %get3A_444] {strides = array<i32>} : memref<64x256xf32, #tpu.memory_space<vmem>>, vector<1x16xf32>,
        %get3A_446 = vector.shape_cast %get3A_445 : vector<1x16xf32> to vector<16xf32>
        %mul3A_447 = arith.mulf %get3A_441, %get3A_446 : vector<16xf32>
        %add3A_448 = arith.addf %add3A_400, %mul3A_447 : vector<16xf32>
        %get3A_449 = arith.constant 28 : i32
        %get3A_450 = arith.index_cast %get3A_449 : i32 to index
        %get3A_451 = arith.index_cast %mul3A_117 : i32 to index
        %get3A_452 = tpu.vector_load %arg4[%get3A_450, %get3A_451] {strides = array<i32>} : memref<64x256xf32, #tpu.memory_space<vmem>>, vector<1x16xf32>,
        %get3A_453 = vector.shape_cast %get3A_452 : vector<1x16xf32> to vector<16xf32>
        %get3A_454 = arith.constant 28 : i32
        %get3A_455 = arith.index_cast %get3A_454 : i32 to index
        %get3A_456 = arith.index_cast %mul3A_117 : i32 to index
        %get3A_457 = tpu.vector_load %arg5[%get3A_455, %get3A_456] {strides = array<i32>} : memref<64x256xf32, #tpu.memory_space<vmem>>, vector<1x16xf32>,
        %get3A_458 = vector.shape_cast %get3A_457 : vector<1x16xf32> to vector<16xf32>
        %mul3A_459 = arith.mulf %get3A_453, %get3A_458 : vector<16xf32>
        %add3A_460 = arith.addf %add3A_412, %mul3A_459 : vector<16xf32>
        %get3A_461 = arith.constant 29 : i32
        %get3A_462 = arith.index_cast %get3A_461 : i32 to index
        %get3A_463 = arith.index_cast %mul3A_117 : i32 to index
        %get3A_464 = tpu.vector_load %arg4[%get3A_462, %get3A_463] {strides = array<i32>} : memref<64x256xf32, #tpu.memory_space<vmem>>, vector<1x16xf32>,
        %get3A_465 = vector.shape_cast %get3A_464 : vector<1x16xf32> to vector<16xf32>
        %get3A_466 = arith.constant 29 : i32
        %get3A_467 = arith.index_cast %get3A_466 : i32 to index
        %get3A_468 = arith.index_cast %mul3A_117 : i32 to index
        %get3A_469 = tpu.vector_load %arg5[%get3A_467, %get3A_468] {strides = array<i32>} : memref<64x256xf32, #tpu.memory_space<vmem>>, vector<1x16xf32>,
        %get3A_470 = vector.shape_cast %get3A_469 : vector<1x16xf32> to vector<16xf32>
        %mul3A_471 = arith.mulf %get3A_465, %get3A_470 : vector<16xf32>
        %add3A_472 = arith.addf %add3A_424, %mul3A_471 : vector<16xf32>
        %get3A_473 = arith.constant 30 : i32
        %get3A_474 = arith.index_cast %get3A_473 : i32 to index
        %get3A_475 = arith.index_cast %mul3A_117 : i32 to index
        %get3A_476 = tpu.vector_load %arg4[%get3A_474, %get3A_475] {strides = array<i32>} : memref<64x256xf32, #tpu.memory_space<vmem>>, vector<1x16xf32>,
        %get3A_477 = vector.shape_cast %get3A_476 : vector<1x16xf32> to vector<16xf32>
        %get3A_478 = arith.constant 30 : i32
        %get3A_479 = arith.index_cast %get3A_478 : i32 to index
        %get3A_480 = arith.index_cast %mul3A_117 : i32 to index
        %get3A_481 = tpu.vector_load %arg5[%get3A_479, %get3A_480] {strides = array<i32>} : memref<64x256xf32, #tpu.memory_space<vmem>>, vector<1x16xf32>,
        %get3A_482 = vector.shape_cast %get3A_481 : vector<1x16xf32> to vector<16xf32>
        %mul3A_483 = arith.mulf %get3A_477, %get3A_482 : vector<16xf32>
        %add3A_484 = arith.addf %add3A_436, %mul3A_483 : vector<16xf32>
        %get3A_485 = arith.constant 31 : i32
        %get3A_486 = arith.index_cast %get3A_485 : i32 to index
        %get3A_487 = arith.index_cast %mul3A_117 : i32 to index
        %get3A_488 = tpu.vector_load %arg4[%get3A_486, %get3A_487] {strides = array<i32>} : memref<64x256xf32, #tpu.memory_space<vmem>>, vector<1x16xf32>,
        %get3A_489 = vector.shape_cast %get3A_488 : vector<1x16xf32> to vector<16xf32>
        %get3A_490 = arith.constant 31 : i32
        %get3A_491 = arith.index_cast %get3A_490 : i32 to index
        %get3A_492 = arith.index_cast %mul3A_117 : i32 to index
        %get3A_493 = tpu.vector_load %arg5[%get3A_491, %get3A_492] {strides = array<i32>} : memref<64x256xf32, #tpu.memory_space<vmem>>, vector<1x16xf32>,
        %get3A_494 = vector.shape_cast %get3A_493 : vector<1x16xf32> to vector<16xf32>
        %mul3A_495 = arith.mulf %get3A_489, %get3A_494 : vector<16xf32>
        %add3A_496 = arith.addf %add3A_448, %mul3A_495 : vector<16xf32>
        %get3A_497 = arith.constant 32 : i32
        %get3A_498 = arith.index_cast %get3A_497 : i32 to index
        %get3A_499 = arith.index_cast %mul3A_117 : i32 to index
        %get3A_500 = tpu.vector_load %arg4[%get3A_498, %get3A_499] {strides = array<i32>} : memref<64x256xf32, #tpu.memory_space<vmem>>, vector<1x16xf32>,
        %get3A_501 = vector.shape_cast %get3A_500 : vector<1x16xf32> to vector<16xf32>
        %get3A_502 = arith.constant 32 : i32
        %get3A_503 = arith.index_cast %get3A_502 : i32 to index
        %get3A_504 = arith.index_cast %mul3A_117 : i32 to index
        %get3A_505 = tpu.vector_load %arg5[%get3A_503, %get3A_504] {strides = array<i32>} : memref<64x256xf32, #tpu.memory_space<vmem>>, vector<1x16xf32>,
        %get3A_506 = vector.shape_cast %get3A_505 : vector<1x16xf32> to vector<16xf32>
        %mul3A_507 = arith.mulf %get3A_501, %get3A_506 : vector<16xf32>
        %add3A_508 = arith.addf %add3A_460, %mul3A_507 : vector<16xf32>
        %get3A_509 = arith.constant 33 : i32
        %get3A_510 = arith.index_cast %get3A_509 : i32 to index
        %get3A_511 = arith.index_cast %mul3A_117 : i32 to index
        %get3A_512 = tpu.vector_load %arg4[%get3A_510, %get3A_511] {strides = array<i32>} : memref<64x256xf32, #tpu.memory_space<vmem>>, vector<1x16xf32>,
        %get3A_513 = vector.shape_cast %get3A_512 : vector<1x16xf32> to vector<16xf32>
        %get3A_514 = arith.constant 33 : i32
        %get3A_515 = arith.index_cast %get3A_514 : i32 to index
        %get3A_516 = arith.index_cast %mul3A_117 : i32 to index
        %get3A_517 = tpu.vector_load %arg5[%get3A_515, %get3A_516] {strides = array<i32>} : memref<64x256xf32, #tpu.memory_space<vmem>>, vector<1x16xf32>,
        %get3A_518 = vector.shape_cast %get3A_517 : vector<1x16xf32> to vector<16xf32>
        %mul3A_519 = arith.mulf %get3A_513, %get3A_518 : vector<16xf32>
        %add3A_520 = arith.addf %add3A_472, %mul3A_519 : vector<16xf32>
        %get3A_521 = arith.constant 34 : i32
        %get3A_522 = arith.index_cast %get3A_521 : i32 to index
        %get3A_523 = arith.index_cast %mul3A_117 : i32 to index
        %get3A_524 = tpu.vector_load %arg4[%get3A_522, %get3A_523] {strides = array<i32>} : memref<64x256xf32, #tpu.memory_space<vmem>>, vector<1x16xf32>,
        %get3A_525 = vector.shape_cast %get3A_524 : vector<1x16xf32> to vector<16xf32>
        %get3A_526 = arith.constant 34 : i32
        %get3A_527 = arith.index_cast %get3A_526 : i32 to index
        %get3A_528 = arith.index_cast %mul3A_117 : i32 to index
        %get3A_529 = tpu.vector_load %arg5[%get3A_527, %get3A_528] {strides = array<i32>} : memref<64x256xf32, #tpu.memory_space<vmem>>, vector<1x16xf32>,
        %get3A_530 = vector.shape_cast %get3A_529 : vector<1x16xf32> to vector<16xf32>
        %mul3A_531 = arith.mulf %get3A_525, %get3A_530 : vector<16xf32>
        %add3A_532 = arith.addf %add3A_484, %mul3A_531 : vector<16xf32>
        %get3A_533 = arith.constant 35 : i32
        %get3A_534 = arith.index_cast %get3A_533 : i32 to index
        %get3A_535 = arith.index_cast %mul3A_117 : i32 to index
        %get3A_536 = tpu.vector_load %arg4[%get3A_534, %get3A_535] {strides = array<i32>} : memref<64x256xf32, #tpu.memory_space<vmem>>, vector<1x16xf32>,
        %get3A_537 = vector.shape_cast %get3A_536 : vector<1x16xf32> to vector<16xf32>
        %get3A_538 = arith.constant 35 : i32
        %get3A_539 = arith.index_cast %get3A_538 : i32 to index
        %get3A_540 = arith.index_cast %mul3A_117 : i32 to index
        %get3A_541 = tpu.vector_load %arg5[%get3A_539, %get3A_540] {strides = array<i32>} : memref<64x256xf32, #tpu.memory_space<vmem>>, vector<1x16xf32>,
        %get3A_542 = vector.shape_cast %get3A_541 : vector<1x16xf32> to vector<16xf32>
        %mul3A_543 = arith.mulf %get3A_537, %get3A_542 : vector<16xf32>
        %add3A_544 = arith.addf %add3A_496, %mul3A_543 : vector<16xf32>
        %get3A_545 = arith.constant 36 : i32
        %get3A_546 = arith.index_cast %get3A_545 : i32 to index
        %get3A_547 = arith.index_cast %mul3A_117 : i32 to index
        %get3A_548 = tpu.vector_load %arg4[%get3A_546, %get3A_547] {strides = array<i32>} : memref<64x256xf32, #tpu.memory_space<vmem>>, vector<1x16xf32>,
        %get3A_549 = vector.shape_cast %get3A_548 : vector<1x16xf32> to vector<16xf32>
        %get3A_550 = arith.constant 36 : i32
        %get3A_551 = arith.index_cast %get3A_550 : i32 to index
        %get3A_552 = arith.index_cast %mul3A_117 : i32 to index
        %get3A_553 = tpu.vector_load %arg5[%get3A_551, %get3A_552] {strides = array<i32>} : memref<64x256xf32, #tpu.memory_space<vmem>>, vector<1x16xf32>,
        %get3A_554 = vector.shape_cast %get3A_553 : vector<1x16xf32> to vector<16xf32>
        %mul3A_555 = arith.mulf %get3A_549, %get3A_554 : vector<16xf32>
        %add3A_556 = arith.addf %add3A_508, %mul3A_555 : vector<16xf32>
        %get3A_557 = arith.constant 37 : i32
        %get3A_558 = arith.index_cast %get3A_557 : i32 to index
        %get3A_559 = arith.index_cast %mul3A_117 : i32 to index
        %get3A_560 = tpu.vector_load %arg4[%get3A_558, %get3A_559] {strides = array<i32>} : memref<64x256xf32, #tpu.memory_space<vmem>>, vector<1x16xf32>,
        %get3A_561 = vector.shape_cast %get3A_560 : vector<1x16xf32> to vector<16xf32>
        %get3A_562 = arith.constant 37 : i32
        %get3A_563 = arith.index_cast %get3A_562 : i32 to index
        %get3A_564 = arith.index_cast %mul3A_117 : i32 to index
        %get3A_565 = tpu.vector_load %arg5[%get3A_563, %get3A_564] {strides = array<i32>} : memref<64x256xf32, #tpu.memory_space<vmem>>, vector<1x16xf32>,
        %get3A_566 = vector.shape_cast %get3A_565 : vector<1x16xf32> to vector<16xf32>
        %mul3A_567 = arith.mulf %get3A_561, %get3A_566 : vector<16xf32>
        %add3A_568 = arith.addf %add3A_520, %mul3A_567 : vector<16xf32>
        %get3A_569 = arith.constant 38 : i32
        %get3A_570 = arith.index_cast %get3A_569 : i32 to index
        %get3A_571 = arith.index_cast %mul3A_117 : i32 to index
        %get3A_572 = tpu.vector_load %arg4[%get3A_570, %get3A_571] {strides = array<i32>} : memref<64x256xf32, #tpu.memory_space<vmem>>, vector<1x16xf32>,
        %get3A_573 = vector.shape_cast %get3A_572 : vector<1x16xf32> to vector<16xf32>
        %get3A_574 = arith.constant 38 : i32
        %get3A_575 = arith.index_cast %get3A_574 : i32 to index
        %get3A_576 = arith.index_cast %mul3A_117 : i32 to index
        %get3A_577 = tpu.vector_load %arg5[%get3A_575, %get3A_576] {strides = array<i32>} : memref<64x256xf32, #tpu.memory_space<vmem>>, vector<1x16xf32>,
        %get3A_578 = vector.shape_cast %get3A_577 : vector<1x16xf32> to vector<16xf32>
        %mul3A_579 = arith.mulf %get3A_573, %get3A_578 : vector<16xf32>
        %add3A_580 = arith.addf %add3A_532, %mul3A_579 : vector<16xf32>
        %get3A_581 = arith.constant 39 : i32
        %get3A_582 = arith.index_cast %get3A_581 : i32 to index
        %get3A_583 = arith.index_cast %mul3A_117 : i32 to index
        %get3A_584 = tpu.vector_load %arg4[%get3A_582, %get3A_583] {strides = array<i32>} : memref<64x256xf32, #tpu.memory_space<vmem>>, vector<1x16xf32>,
        %get3A_585 = vector.shape_cast %get3A_584 : vector<1x16xf32> to vector<16xf32>
        %get3A_586 = arith.constant 39 : i32
        %get3A_587 = arith.index_cast %get3A_586 : i32 to index
        %get3A_588 = arith.index_cast %mul3A_117 : i32 to index
        %get3A_589 = tpu.vector_load %arg5[%get3A_587, %get3A_588] {strides = array<i32>} : memref<64x256xf32, #tpu.memory_space<vmem>>, vector<1x16xf32>,
        %get3A_590 = vector.shape_cast %get3A_589 : vector<1x16xf32> to vector<16xf32>
        %mul3A_591 = arith.mulf %get3A_585, %get3A_590 : vector<16xf32>
        %add3A_592 = arith.addf %add3A_544, %mul3A_591 : vector<16xf32>
        %get3A_593 = arith.constant 40 : i32
        %get3A_594 = arith.index_cast %get3A_593 : i32 to index
        %get3A_595 = arith.index_cast %mul3A_117 : i32 to index
        %get3A_596 = tpu.vector_load %arg4[%get3A_594, %get3A_595] {strides = array<i32>} : memref<64x256xf32, #tpu.memory_space<vmem>>, vector<1x16xf32>,
        %get3A_597 = vector.shape_cast %get3A_596 : vector<1x16xf32> to vector<16xf32>
        %get3A_598 = arith.constant 40 : i32
        %get3A_599 = arith.index_cast %get3A_598 : i32 to index
        %get3A_600 = arith.index_cast %mul3A_117 : i32 to index
        %get3A_601 = tpu.vector_load %arg5[%get3A_599, %get3A_600] {strides = array<i32>} : memref<64x256xf32, #tpu.memory_space<vmem>>, vector<1x16xf32>,
        %get3A_602 = vector.shape_cast %get3A_601 : vector<1x16xf32> to vector<16xf32>
        %mul3A_603 = arith.mulf %get3A_597, %get3A_602 : vector<16xf32>
        %add3A_604 = arith.addf %add3A_556, %mul3A_603 : vector<16xf32>
        %get3A_605 = arith.constant 41 : i32
        %get3A_606 = arith.index_cast %get3A_605 : i32 to index
        %get3A_607 = arith.index_cast %mul3A_117 : i32 to index
        %get3A_608 = tpu.vector_load %arg4[%get3A_606, %get3A_607] {strides = array<i32>} : memref<64x256xf32, #tpu.memory_space<vmem>>, vector<1x16xf32>,
        %get3A_609 = vector.shape_cast %get3A_608 : vector<1x16xf32> to vector<16xf32>
        %get3A_610 = arith.constant 41 : i32
        %get3A_611 = arith.index_cast %get3A_610 : i32 to index
        %get3A_612 = arith.index_cast %mul3A_117 : i32 to index
        %get3A_613 = tpu.vector_load %arg5[%get3A_611, %get3A_612] {strides = array<i32>} : memref<64x256xf32, #tpu.memory_space<vmem>>, vector<1x16xf32>,
        %get3A_614 = vector.shape_cast %get3A_613 : vector<1x16xf32> to vector<16xf32>
        %mul3A_615 = arith.mulf %get3A_609, %get3A_614 : vector<16xf32>
        %add3A_616 = arith.addf %add3A_568, %mul3A_615 : vector<16xf32>
        %get3A_617 = arith.constant 42 : i32
        %get3A_618 = arith.index_cast %get3A_617 : i32 to index
        %get3A_619 = arith.index_cast %mul3A_117 : i32 to index
        %get3A_620 = tpu.vector_load %arg4[%get3A_618, %get3A_619] {strides = array<i32>} : memref<64x256xf32, #tpu.memory_space<vmem>>, vector<1x16xf32>,
        %get3A_621 = vector.shape_cast %get3A_620 : vector<1x16xf32> to vector<16xf32>
        %get3A_622 = arith.constant 42 : i32
        %get3A_623 = arith.index_cast %get3A_622 : i32 to index
        %get3A_624 = arith.index_cast %mul3A_117 : i32 to index
        %get3A_625 = tpu.vector_load %arg5[%get3A_623, %get3A_624] {strides = array<i32>} : memref<64x256xf32, #tpu.memory_space<vmem>>, vector<1x16xf32>,
        %get3A_626 = vector.shape_cast %get3A_625 : vector<1x16xf32> to vector<16xf32>
        %mul3A_627 = arith.mulf %get3A_621, %get3A_626 : vector<16xf32>
        %add3A_628 = arith.addf %add3A_580, %mul3A_627 : vector<16xf32>
        %get3A_629 = arith.constant 43 : i32
        %get3A_630 = arith.index_cast %get3A_629 : i32 to index
        %get3A_631 = arith.index_cast %mul3A_117 : i32 to index
        %get3A_632 = tpu.vector_load %arg4[%get3A_630, %get3A_631] {strides = array<i32>} : memref<64x256xf32, #tpu.memory_space<vmem>>, vector<1x16xf32>,
        %get3A_633 = vector.shape_cast %get3A_632 : vector<1x16xf32> to vector<16xf32>
        %get3A_634 = arith.constant 43 : i32
        %get3A_635 = arith.index_cast %get3A_634 : i32 to index
        %get3A_636 = arith.index_cast %mul3A_117 : i32 to index
        %get3A_637 = tpu.vector_load %arg5[%get3A_635, %get3A_636] {strides = array<i32>} : memref<64x256xf32, #tpu.memory_space<vmem>>, vector<1x16xf32>,
        %get3A_638 = vector.shape_cast %get3A_637 : vector<1x16xf32> to vector<16xf32>
        %mul3A_639 = arith.mulf %get3A_633, %get3A_638 : vector<16xf32>
        %add3A_640 = arith.addf %add3A_592, %mul3A_639 : vector<16xf32>
        %get3A_641 = arith.constant 44 : i32
        %get3A_642 = arith.index_cast %get3A_641 : i32 to index
        %get3A_643 = arith.index_cast %mul3A_117 : i32 to index
        %get3A_644 = tpu.vector_load %arg4[%get3A_642, %get3A_643] {strides = array<i32>} : memref<64x256xf32, #tpu.memory_space<vmem>>, vector<1x16xf32>,
        %get3A_645 = vector.shape_cast %get3A_644 : vector<1x16xf32> to vector<16xf32>
        %get3A_646 = arith.constant 44 : i32
        %get3A_647 = arith.index_cast %get3A_646 : i32 to index
        %get3A_648 = arith.index_cast %mul3A_117 : i32 to index
        %get3A_649 = tpu.vector_load %arg5[%get3A_647, %get3A_648] {strides = array<i32>} : memref<64x256xf32, #tpu.memory_space<vmem>>, vector<1x16xf32>,
        %get3A_650 = vector.shape_cast %get3A_649 : vector<1x16xf32> to vector<16xf32>
        %mul3A_651 = arith.mulf %get3A_645, %get3A_650 : vector<16xf32>
        %add3A_652 = arith.addf %add3A_604, %mul3A_651 : vector<16xf32>
        %get3A_653 = arith.constant 45 : i32
        %get3A_654 = arith.index_cast %get3A_653 : i32 to index
        %get3A_655 = arith.index_cast %mul3A_117 : i32 to index
        %get3A_656 = tpu.vector_load %arg4[%get3A_654, %get3A_655] {strides = array<i32>} : memref<64x256xf32, #tpu.memory_space<vmem>>, vector<1x16xf32>,
        %get3A_657 = vector.shape_cast %get3A_656 : vector<1x16xf32> to vector<16xf32>
        %get3A_658 = arith.constant 45 : i32
        %get3A_659 = arith.index_cast %get3A_658 : i32 to index
        %get3A_660 = arith.index_cast %mul3A_117 : i32 to index
        %get3A_661 = tpu.vector_load %arg5[%get3A_659, %get3A_660] {strides = array<i32>} : memref<64x256xf32, #tpu.memory_space<vmem>>, vector<1x16xf32>,
        %get3A_662 = vector.shape_cast %get3A_661 : vector<1x16xf32> to vector<16xf32>
        %mul3A_663 = arith.mulf %get3A_657, %get3A_662 : vector<16xf32>
        %add3A_664 = arith.addf %add3A_616, %mul3A_663 : vector<16xf32>
        %get3A_665 = arith.constant 46 : i32
        %get3A_666 = arith.index_cast %get3A_665 : i32 to index
        %get3A_667 = arith.index_cast %mul3A_117 : i32 to index
        %get3A_668 = tpu.vector_load %arg4[%get3A_666, %get3A_667] {strides = array<i32>} : memref<64x256xf32, #tpu.memory_space<vmem>>, vector<1x16xf32>,
        %get3A_669 = vector.shape_cast %get3A_668 : vector<1x16xf32> to vector<16xf32>
        %get3A_670 = arith.constant 46 : i32
        %get3A_671 = arith.index_cast %get3A_670 : i32 to index
        %get3A_672 = arith.index_cast %mul3A_117 : i32 to index
        %get3A_673 = tpu.vector_load %arg5[%get3A_671, %get3A_672] {strides = array<i32>} : memref<64x256xf32, #tpu.memory_space<vmem>>, vector<1x16xf32>,
        %get3A_674 = vector.shape_cast %get3A_673 : vector<1x16xf32> to vector<16xf32>
        %mul3A_675 = arith.mulf %get3A_669, %get3A_674 : vector<16xf32>
        %add3A_676 = arith.addf %add3A_628, %mul3A_675 : vector<16xf32>
        %get3A_677 = arith.constant 47 : i32
        %get3A_678 = arith.index_cast %get3A_677 : i32 to index
        %get3A_679 = arith.index_cast %mul3A_117 : i32 to index
        %get3A_680 = tpu.vector_load %arg4[%get3A_678, %get3A_679] {strides = array<i32>} : memref<64x256xf32, #tpu.memory_space<vmem>>, vector<1x16xf32>,
        %get3A_681 = vector.shape_cast %get3A_680 : vector<1x16xf32> to vector<16xf32>
        %get3A_682 = arith.constant 47 : i32
        %get3A_683 = arith.index_cast %get3A_682 : i32 to index
        %get3A_684 = arith.index_cast %mul3A_117 : i32 to index
        %get3A_685 = tpu.vector_load %arg5[%get3A_683, %get3A_684] {strides = array<i32>} : memref<64x256xf32, #tpu.memory_space<vmem>>, vector<1x16xf32>,
        %get3A_686 = vector.shape_cast %get3A_685 : vector<1x16xf32> to vector<16xf32>
        %mul3A_687 = arith.mulf %get3A_681, %get3A_686 : vector<16xf32>
        %add3A_688 = arith.addf %add3A_640, %mul3A_687 : vector<16xf32>
        %get3A_689 = arith.constant 48 : i32
        %get3A_690 = arith.index_cast %get3A_689 : i32 to index
        %get3A_691 = arith.index_cast %mul3A_117 : i32 to index
        %get3A_692 = tpu.vector_load %arg4[%get3A_690, %get3A_691] {strides = array<i32>} : memref<64x256xf32, #tpu.memory_space<vmem>>, vector<1x16xf32>,
        %get3A_693 = vector.shape_cast %get3A_692 : vector<1x16xf32> to vector<16xf32>
        %get3A_694 = arith.constant 48 : i32
        %get3A_695 = arith.index_cast %get3A_694 : i32 to index
        %get3A_696 = arith.index_cast %mul3A_117 : i32 to index
        %get3A_697 = tpu.vector_load %arg5[%get3A_695, %get3A_696] {strides = array<i32>} : memref<64x256xf32, #tpu.memory_space<vmem>>, vector<1x16xf32>,
        %get3A_698 = vector.shape_cast %get3A_697 : vector<1x16xf32> to vector<16xf32>
        %mul3A_699 = arith.mulf %get3A_693, %get3A_698 : vector<16xf32>
        %add3A_700 = arith.addf %add3A_652, %mul3A_699 : vector<16xf32>
        %get3A_701 = arith.constant 49 : i32
        %get3A_702 = arith.index_cast %get3A_701 : i32 to index
        %get3A_703 = arith.index_cast %mul3A_117 : i32 to index
        %get3A_704 = tpu.vector_load %arg4[%get3A_702, %get3A_703] {strides = array<i32>} : memref<64x256xf32, #tpu.memory_space<vmem>>, vector<1x16xf32>,
        %get3A_705 = vector.shape_cast %get3A_704 : vector<1x16xf32> to vector<16xf32>
        %get3A_706 = arith.constant 49 : i32
        %get3A_707 = arith.index_cast %get3A_706 : i32 to index
        %get3A_708 = arith.index_cast %mul3A_117 : i32 to index
        %get3A_709 = tpu.vector_load %arg5[%get3A_707, %get3A_708] {strides = array<i32>} : memref<64x256xf32, #tpu.memory_space<vmem>>, vector<1x16xf32>,
        %get3A_710 = vector.shape_cast %get3A_709 : vector<1x16xf32> to vector<16xf32>
        %mul3A_711 = arith.mulf %get3A_705, %get3A_710 : vector<16xf32>
        %add3A_712 = arith.addf %add3A_664, %mul3A_711 : vector<16xf32>
        %get3A_713 = arith.constant 50 : i32
        %get3A_714 = arith.index_cast %get3A_713 : i32 to index
        %get3A_715 = arith.index_cast %mul3A_117 : i32 to index
        %get3A_716 = tpu.vector_load %arg4[%get3A_714, %get3A_715] {strides = array<i32>} : memref<64x256xf32, #tpu.memory_space<vmem>>, vector<1x16xf32>,
        %get3A_717 = vector.shape_cast %get3A_716 : vector<1x16xf32> to vector<16xf32>
        %get3A_718 = arith.constant 50 : i32
        %get3A_719 = arith.index_cast %get3A_718 : i32 to index
        %get3A_720 = arith.index_cast %mul3A_117 : i32 to index
        %get3A_721 = tpu.vector_load %arg5[%get3A_719, %get3A_720] {strides = array<i32>} : memref<64x256xf32, #tpu.memory_space<vmem>>, vector<1x16xf32>,
        %get3A_722 = vector.shape_cast %get3A_721 : vector<1x16xf32> to vector<16xf32>
        %mul3A_723 = arith.mulf %get3A_717, %get3A_722 : vector<16xf32>
        %add3A_724 = arith.addf %add3A_676, %mul3A_723 : vector<16xf32>
        %get3A_725 = arith.constant 51 : i32
        %get3A_726 = arith.index_cast %get3A_725 : i32 to index
        %get3A_727 = arith.index_cast %mul3A_117 : i32 to index
        %get3A_728 = tpu.vector_load %arg4[%get3A_726, %get3A_727] {strides = array<i32>} : memref<64x256xf32, #tpu.memory_space<vmem>>, vector<1x16xf32>,
        %get3A_729 = vector.shape_cast %get3A_728 : vector<1x16xf32> to vector<16xf32>
        %get3A_730 = arith.constant 51 : i32
        %get3A_731 = arith.index_cast %get3A_730 : i32 to index
        %get3A_732 = arith.index_cast %mul3A_117 : i32 to index
        %get3A_733 = tpu.vector_load %arg5[%get3A_731, %get3A_732] {strides = array<i32>} : memref<64x256xf32, #tpu.memory_space<vmem>>, vector<1x16xf32>,
        %get3A_734 = vector.shape_cast %get3A_733 : vector<1x16xf32> to vector<16xf32>
        %mul3A_735 = arith.mulf %get3A_729, %get3A_734 : vector<16xf32>
        %add3A_736 = arith.addf %add3A_688, %mul3A_735 : vector<16xf32>
        %get3A_737 = arith.constant 52 : i32
        %get3A_738 = arith.index_cast %get3A_737 : i32 to index
        %get3A_739 = arith.index_cast %mul3A_117 : i32 to index
        %get3A_740 = tpu.vector_load %arg4[%get3A_738, %get3A_739] {strides = array<i32>} : memref<64x256xf32, #tpu.memory_space<vmem>>, vector<1x16xf32>,
        %get3A_741 = vector.shape_cast %get3A_740 : vector<1x16xf32> to vector<16xf32>
        %get3A_742 = arith.constant 52 : i32
        %get3A_743 = arith.index_cast %get3A_742 : i32 to index
        %get3A_744 = arith.index_cast %mul3A_117 : i32 to index
        %get3A_745 = tpu.vector_load %arg5[%get3A_743, %get3A_744] {strides = array<i32>} : memref<64x256xf32, #tpu.memory_space<vmem>>, vector<1x16xf32>,
        %get3A_746 = vector.shape_cast %get3A_745 : vector<1x16xf32> to vector<16xf32>
        %mul3A_747 = arith.mulf %get3A_741, %get3A_746 : vector<16xf32>
        %add3A_748 = arith.addf %add3A_700, %mul3A_747 : vector<16xf32>
        %get3A_749 = arith.constant 53 : i32
        %get3A_750 = arith.index_cast %get3A_749 : i32 to index
        %get3A_751 = arith.index_cast %mul3A_117 : i32 to index
        %get3A_752 = tpu.vector_load %arg4[%get3A_750, %get3A_751] {strides = array<i32>} : memref<64x256xf32, #tpu.memory_space<vmem>>, vector<1x16xf32>,
        %get3A_753 = vector.shape_cast %get3A_752 : vector<1x16xf32> to vector<16xf32>
        %get3A_754 = arith.constant 53 : i32
        %get3A_755 = arith.index_cast %get3A_754 : i32 to index
        %get3A_756 = arith.index_cast %mul3A_117 : i32 to index
        %get3A_757 = tpu.vector_load %arg5[%get3A_755, %get3A_756] {strides = array<i32>} : memref<64x256xf32, #tpu.memory_space<vmem>>, vector<1x16xf32>,
        %get3A_758 = vector.shape_cast %get3A_757 : vector<1x16xf32> to vector<16xf32>
        %mul3A_759 = arith.mulf %get3A_753, %get3A_758 : vector<16xf32>
        %add3A_760 = arith.addf %add3A_712, %mul3A_759 : vector<16xf32>
        %get3A_761 = arith.constant 54 : i32
        %get3A_762 = arith.index_cast %get3A_761 : i32 to index
        %get3A_763 = arith.index_cast %mul3A_117 : i32 to index
        %get3A_764 = tpu.vector_load %arg4[%get3A_762, %get3A_763] {strides = array<i32>} : memref<64x256xf32, #tpu.memory_space<vmem>>, vector<1x16xf32>,
        %get3A_765 = vector.shape_cast %get3A_764 : vector<1x16xf32> to vector<16xf32>
        %get3A_766 = arith.constant 54 : i32
        %get3A_767 = arith.index_cast %get3A_766 : i32 to index
        %get3A_768 = arith.index_cast %mul3A_117 : i32 to index
        %get3A_769 = tpu.vector_load %arg5[%get3A_767, %get3A_768] {strides = array<i32>} : memref<64x256xf32, #tpu.memory_space<vmem>>, vector<1x16xf32>,
        %get3A_770 = vector.shape_cast %get3A_769 : vector<1x16xf32> to vector<16xf32>
        %mul3A_771 = arith.mulf %get3A_765, %get3A_770 : vector<16xf32>
        %add3A_772 = arith.addf %add3A_724, %mul3A_771 : vector<16xf32>
        %get3A_773 = arith.constant 55 : i32
        %get3A_774 = arith.index_cast %get3A_773 : i32 to index
        %get3A_775 = arith.index_cast %mul3A_117 : i32 to index
        %get3A_776 = tpu.vector_load %arg4[%get3A_774, %get3A_775] {strides = array<i32>} : memref<64x256xf32, #tpu.memory_space<vmem>>, vector<1x16xf32>,
        %get3A_777 = vector.shape_cast %get3A_776 : vector<1x16xf32> to vector<16xf32>
        %get3A_778 = arith.constant 55 : i32
        %get3A_779 = arith.index_cast %get3A_778 : i32 to index
        %get3A_780 = arith.index_cast %mul3A_117 : i32 to index
        %get3A_781 = tpu.vector_load %arg5[%get3A_779, %get3A_780] {strides = array<i32>} : memref<64x256xf32, #tpu.memory_space<vmem>>, vector<1x16xf32>,
        %get3A_782 = vector.shape_cast %get3A_781 : vector<1x16xf32> to vector<16xf32>
        %mul3A_783 = arith.mulf %get3A_777, %get3A_782 : vector<16xf32>
        %add3A_784 = arith.addf %add3A_736, %mul3A_783 : vector<16xf32>
        %get3A_785 = arith.constant 56 : i32
        %get3A_786 = arith.index_cast %get3A_785 : i32 to index
        %get3A_787 = arith.index_cast %mul3A_117 : i32 to index
        %get3A_788 = tpu.vector_load %arg4[%get3A_786, %get3A_787] {strides = array<i32>} : memref<64x256xf32, #tpu.memory_space<vmem>>, vector<1x16xf32>,
        %get3A_789 = vector.shape_cast %get3A_788 : vector<1x16xf32> to vector<16xf32>
        %get3A_790 = arith.constant 56 : i32
        %get3A_791 = arith.index_cast %get3A_790 : i32 to index
        %get3A_792 = arith.index_cast %mul3A_117 : i32 to index
        %get3A_793 = tpu.vector_load %arg5[%get3A_791, %get3A_792] {strides = array<i32>} : memref<64x256xf32, #tpu.memory_space<vmem>>, vector<1x16xf32>,
        %get3A_794 = vector.shape_cast %get3A_793 : vector<1x16xf32> to vector<16xf32>
        %mul3A_795 = arith.mulf %get3A_789, %get3A_794 : vector<16xf32>
        %add3A_796 = arith.addf %add3A_748, %mul3A_795 : vector<16xf32>
        %get3A_797 = arith.constant 57 : i32
        %get3A_798 = arith.index_cast %get3A_797 : i32 to index
        %get3A_799 = arith.index_cast %mul3A_117 : i32 to index
        %get3A_800 = tpu.vector_load %arg4[%get3A_798, %get3A_799] {strides = array<i32>} : memref<64x256xf32, #tpu.memory_space<vmem>>, vector<1x16xf32>,
        %get3A_801 = vector.shape_cast %get3A_800 : vector<1x16xf32> to vector<16xf32>
        %get3A_802 = arith.constant 57 : i32
        %get3A_803 = arith.index_cast %get3A_802 : i32 to index
        %get3A_804 = arith.index_cast %mul3A_117 : i32 to index
        %get3A_805 = tpu.vector_load %arg5[%get3A_803, %get3A_804] {strides = array<i32>} : memref<64x256xf32, #tpu.memory_space<vmem>>, vector<1x16xf32>,
        %get3A_806 = vector.shape_cast %get3A_805 : vector<1x16xf32> to vector<16xf32>
        %mul3A_807 = arith.mulf %get3A_801, %get3A_806 : vector<16xf32>
        %add3A_808 = arith.addf %add3A_760, %mul3A_807 : vector<16xf32>
        %get3A_809 = arith.constant 58 : i32
        %get3A_810 = arith.index_cast %get3A_809 : i32 to index
        %get3A_811 = arith.index_cast %mul3A_117 : i32 to index
        %get3A_812 = tpu.vector_load %arg4[%get3A_810, %get3A_811] {strides = array<i32>} : memref<64x256xf32, #tpu.memory_space<vmem>>, vector<1x16xf32>,
        %get3A_813 = vector.shape_cast %get3A_812 : vector<1x16xf32> to vector<16xf32>
        %get3A_814 = arith.constant 58 : i32
        %get3A_815 = arith.index_cast %get3A_814 : i32 to index
        %get3A_816 = arith.index_cast %mul3A_117 : i32 to index
        %get3A_817 = tpu.vector_load %arg5[%get3A_815, %get3A_816] {strides = array<i32>} : memref<64x256xf32, #tpu.memory_space<vmem>>, vector<1x16xf32>,
        %get3A_818 = vector.shape_cast %get3A_817 : vector<1x16xf32> to vector<16xf32>
        %mul3A_819 = arith.mulf %get3A_813, %get3A_818 : vector<16xf32>
        %add3A_820 = arith.addf %add3A_772, %mul3A_819 : vector<16xf32>
        %get3A_821 = arith.constant 59 : i32
        %get3A_822 = arith.index_cast %get3A_821 : i32 to index
        %get3A_823 = arith.index_cast %mul3A_117 : i32 to index
        %get3A_824 = tpu.vector_load %arg4[%get3A_822, %get3A_823] {strides = array<i32>} : memref<64x256xf32, #tpu.memory_space<vmem>>, vector<1x16xf32>,
        %get3A_825 = vector.shape_cast %get3A_824 : vector<1x16xf32> to vector<16xf32>
        %get3A_826 = arith.constant 59 : i32
        %get3A_827 = arith.index_cast %get3A_826 : i32 to index
        %get3A_828 = arith.index_cast %mul3A_117 : i32 to index
        %get3A_829 = tpu.vector_load %arg5[%get3A_827, %get3A_828] {strides = array<i32>} : memref<64x256xf32, #tpu.memory_space<vmem>>, vector<1x16xf32>,
        %get3A_830 = vector.shape_cast %get3A_829 : vector<1x16xf32> to vector<16xf32>
        %mul3A_831 = arith.mulf %get3A_825, %get3A_830 : vector<16xf32>
        %add3A_832 = arith.addf %add3A_784, %mul3A_831 : vector<16xf32>
        %get3A_833 = arith.constant 60 : i32
        %get3A_834 = arith.index_cast %get3A_833 : i32 to index
        %get3A_835 = arith.index_cast %mul3A_117 : i32 to index
        %get3A_836 = tpu.vector_load %arg4[%get3A_834, %get3A_835] {strides = array<i32>} : memref<64x256xf32, #tpu.memory_space<vmem>>, vector<1x16xf32>,
        %get3A_837 = vector.shape_cast %get3A_836 : vector<1x16xf32> to vector<16xf32>
        %get3A_838 = arith.constant 60 : i32
        %get3A_839 = arith.index_cast %get3A_838 : i32 to index
        %get3A_840 = arith.index_cast %mul3A_117 : i32 to index
        %get3A_841 = tpu.vector_load %arg5[%get3A_839, %get3A_840] {strides = array<i32>} : memref<64x256xf32, #tpu.memory_space<vmem>>, vector<1x16xf32>,
        %get3A_842 = vector.shape_cast %get3A_841 : vector<1x16xf32> to vector<16xf32>
        %mul3A_843 = arith.mulf %get3A_837, %get3A_842 : vector<16xf32>
        %add3A_844 = arith.addf %add3A_796, %mul3A_843 : vector<16xf32>
        %get3A_845 = arith.constant 61 : i32
        %get3A_846 = arith.index_cast %get3A_845 : i32 to index
        %get3A_847 = arith.index_cast %mul3A_117 : i32 to index
        %get3A_848 = tpu.vector_load %arg4[%get3A_846, %get3A_847] {strides = array<i32>} : memref<64x256xf32, #tpu.memory_space<vmem>>, vector<1x16xf32>,
        %get3A_849 = vector.shape_cast %get3A_848 : vector<1x16xf32> to vector<16xf32>
        %get3A_850 = arith.constant 61 : i32
        %get3A_851 = arith.index_cast %get3A_850 : i32 to index
        %get3A_852 = arith.index_cast %mul3A_117 : i32 to index
        %get3A_853 = tpu.vector_load %arg5[%get3A_851, %get3A_852] {strides = array<i32>} : memref<64x256xf32, #tpu.memory_space<vmem>>, vector<1x16xf32>,
        %get3A_854 = vector.shape_cast %get3A_853 : vector<1x16xf32> to vector<16xf32>
        %mul3A_855 = arith.mulf %get3A_849, %get3A_854 : vector<16xf32>
        %add3A_856 = arith.addf %add3A_808, %mul3A_855 : vector<16xf32>
        %get3A_857 = arith.constant 62 : i32
        %get3A_858 = arith.index_cast %get3A_857 : i32 to index
        %get3A_859 = arith.index_cast %mul3A_117 : i32 to index
        %get3A_860 = tpu.vector_load %arg4[%get3A_858, %get3A_859] {strides = array<i32>} : memref<64x256xf32, #tpu.memory_space<vmem>>, vector<1x16xf32>,
        %get3A_861 = vector.shape_cast %get3A_860 : vector<1x16xf32> to vector<16xf32>
        %get3A_862 = arith.constant 62 : i32
        %get3A_863 = arith.index_cast %get3A_862 : i32 to index
        %get3A_864 = arith.index_cast %mul3A_117 : i32 to index
        %get3A_865 = tpu.vector_load %arg5[%get3A_863, %get3A_864] {strides = array<i32>} : memref<64x256xf32, #tpu.memory_space<vmem>>, vector<1x16xf32>,
        %get3A_866 = vector.shape_cast %get3A_865 : vector<1x16xf32> to vector<16xf32>
        %mul3A_867 = arith.mulf %get3A_861, %get3A_866 : vector<16xf32>
        %add3A_868 = arith.addf %add3A_820, %mul3A_867 : vector<16xf32>
        %get3A_869 = arith.constant 63 : i32
        %get3A_870 = arith.index_cast %get3A_869 : i32 to index
        %get3A_871 = arith.index_cast %mul3A_117 : i32 to index
        %get3A_872 = tpu.vector_load %arg4[%get3A_870, %get3A_871] {strides = array<i32>} : memref<64x256xf32, #tpu.memory_space<vmem>>, vector<1x16xf32>,
        %get3A_873 = vector.shape_cast %get3A_872 : vector<1x16xf32> to vector<16xf32>
        %get3A_874 = arith.constant 63 : i32
        %get3A_875 = arith.index_cast %get3A_874 : i32 to index
        %get3A_876 = arith.index_cast %mul3A_117 : i32 to index
        %get3A_877 = tpu.vector_load %arg5[%get3A_875, %get3A_876] {strides = array<i32>} : memref<64x256xf32, #tpu.memory_space<vmem>>, vector<1x16xf32>,
        %get3A_878 = vector.shape_cast %get3A_877 : vector<1x16xf32> to vector<16xf32>
        %mul3A_879 = arith.mulf %get3A_873, %get3A_878 : vector<16xf32>
        %add3A_880 = arith.addf %add3A_832, %mul3A_879 : vector<16xf32>
        %add3A_881 = arith.addf %add3A_844, %add3A_856 : vector<16xf32>
        %add3A_882 = arith.addf %add3A_868, %add3A_880 : vector<16xf32>
        %add3A_883 = arith.addf %add3A_881, %add3A_882 : vector<16xf32>
        %swap3A = arith.index_cast %mul3A_117 : i32 to index
        %swap3A_884 = tpu.vector_load %arg8[%swap3A] {strides = array<i32>} : memref<256xf32, #tpu.memory_space<vmem>>, vector<16xf32>,
        %swap3A_885 = vector.shape_cast %swap3A_884 : vector<16xf32> to vector<16xf32>
        %swap3A_886 = vector.shape_cast %add3A_883 : vector<16xf32> to vector<16xf32>
        tpu.vector_store %arg8[%swap3A], %swap3A_886 {strides = array<i32>} : memref<256xf32, #tpu.memory_space<vmem>>, vector<16xf32>,
      }
      %scan3A_73 = arith.constant 16 : i32
      %mul3A_74 = arith.constant 256 : i32
      %mul3A_75 = arith.muli %mul3A_32, %mul3A_74 : i32
      %add3A_76 = arith.addi %mul3A_6, %mul3A_75 : i32
      %dma_start3A_77 = tpu.memref_slice %arg3[%add3A_76] : memref<212992xf32, #tpu.memory_space<hbm>> -> memref<256xf32, #tpu.memory_space<hbm>>
      %dma_start3A_78 = tpu.memref_slice %arg3[%add3A_76] : memref<212992xf32, #tpu.memory_space<hbm>> -> memref<256xf32, #tpu.memory_space<hbm>>
      tpu.enqueue_dma source(%arg8 : memref<256xf32, #tpu.memory_space<vmem>>) target(%dma_start3A_78 : memref<256xf32, #tpu.memory_space<hbm>>) target_semaphore(%arg12 : memref<!tpu.dma_semaphore, #tpu.memory_space<semaphore_mem>>)
      %lt3A = arith.constant 12 : i32
      %lt3A_79 = arith.cmpi slt, %scan3A_30, %lt3A : i32
      %convert_element_type3A_80 = arith.extui %lt3A_79 : i1 to i32
      %cond3A_81 = arith.constant 0 : i32
      %cond3A_82 = arith.cmpi ne, %convert_element_type3A_80, %cond3A_81 : i32
      scf.if %cond3A_82 {
        %add3A_115 = arith.constant 2 : i32
        %add3A_116 = arith.addi %mul3A_32, %add3A_115 : i32
        %mul3A_117 = arith.constant 256 : i32
        %mul3A_118 = arith.muli %add3A_116, %mul3A_117 : i32
        %add3A_119 = arith.addi %add3A_4, %mul3A_118 : i32
        %dma_start3A_120 = arith.constant 0 : i32
        %dma_start3A_121 = arith.constant 0 : i32
        %dma_start3A_122 = tpu.memref_slice %arg2[%dma_start3A_120, %dma_start3A_121, %add3A_119] : memref<2x64x800000xf32, #tpu.memory_space<hbm>> -> memref<1x64x256xf32, #tpu.memory_space<hbm>>
        %dma_start3A_123 = tpu.memref_squeeze %dma_start3A_122 : memref<1x64x256xf32, #tpu.memory_space<hbm>> -> memref<64x256xf32, #tpu.memory_space<hbm>>
        %dma_start3A_124 = arith.constant 0 : i32
        %dma_start3A_125 = tpu.memref_slice %arg2[%dma_start3A_120, %dma_start3A_124, %add3A_119] : memref<2x64x800000xf32, #tpu.memory_space<hbm>> -> memref<1x64x256xf32, #tpu.memory_space<hbm>>
        %dma_start3A_126 = tpu.memref_squeeze %dma_start3A_125 : memref<1x64x256xf32, #tpu.memory_space<hbm>> -> memref<64x256xf32, #tpu.memory_space<hbm>>
        tpu.enqueue_dma source(%dma_start3A_126 : memref<64x256xf32, #tpu.memory_space<hbm>>) target(%arg4 : memref<64x256xf32, #tpu.memory_space<vmem>>) target_semaphore(%arg10 : memref<!tpu.dma_semaphore, #tpu.memory_space<semaphore_mem>>)
        %dma_start3A_127 = arith.constant 1 : i32
        %dma_start3A_128 = arith.constant 0 : i32
        %dma_start3A_129 = tpu.memref_slice %arg2[%dma_start3A_127, %dma_start3A_128, %add3A_119] : memref<2x64x800000xf32, #tpu.memory_space<hbm>> -> memref<1x64x256xf32, #tpu.memory_space<hbm>>
        %dma_start3A_130 = tpu.memref_squeeze %dma_start3A_129 : memref<1x64x256xf32, #tpu.memory_space<hbm>> -> memref<64x256xf32, #tpu.memory_space<hbm>>
        %dma_start3A_131 = arith.constant 0 : i32
        %dma_start3A_132 = tpu.memref_slice %arg2[%dma_start3A_127, %dma_start3A_131, %add3A_119] : memref<2x64x800000xf32, #tpu.memory_space<hbm>> -> memref<1x64x256xf32, #tpu.memory_space<hbm>>
        %dma_start3A_133 = tpu.memref_squeeze %dma_start3A_132 : memref<1x64x256xf32, #tpu.memory_space<hbm>> -> memref<64x256xf32, #tpu.memory_space<hbm>>
        tpu.enqueue_dma source(%dma_start3A_133 : memref<64x256xf32, #tpu.memory_space<hbm>>) target(%arg5 : memref<64x256xf32, #tpu.memory_space<vmem>>) target_semaphore(%arg10 : memref<!tpu.dma_semaphore, #tpu.memory_space<semaphore_mem>>)
      } else {
      }
      %dma_wait3A_83 = arith.constant 0 : i32
      %dma_wait3A_84 = arith.constant 0 : i32
      %dma_wait3A_85 = tpu.memref_slice %arg2[%dma_wait3A_83, %dma_wait3A_84, %add3A_4] : memref<2x64x800000xf32, #tpu.memory_space<hbm>> -> memref<1x64x256xf32, #tpu.memory_space<hbm>>
      %dma_wait3A_86 = tpu.memref_squeeze %dma_wait3A_85 : memref<1x64x256xf32, #tpu.memory_space<hbm>> -> memref<64x256xf32, #tpu.memory_space<hbm>>
      %dma_wait3A_87 = arith.constant 0 : i32
      %dma_wait3A_88 = tpu.memref_slice %arg2[%dma_wait3A_83, %dma_wait3A_87, %add3A_4] : memref<2x64x800000xf32, #tpu.memory_space<hbm>> -> memref<1x64x256xf32, #tpu.memory_space<hbm>>
      %dma_wait3A_89 = tpu.memref_squeeze %dma_wait3A_88 : memref<1x64x256xf32, #tpu.memory_space<hbm>> -> memref<64x256xf32, #tpu.memory_space<hbm>>
      tpu.wait_dma2 semaphore(%arg11 : memref<!tpu.dma_semaphore, #tpu.memory_space<semaphore_mem>>) src(%dma_wait3A_89 : memref<64x256xf32, #tpu.memory_space<hbm>>) dst(%arg6 : memref<64x256xf32, #tpu.memory_space<vmem>>)
      %dma_wait3A_90 = arith.constant 1 : i32
      %dma_wait3A_91 = arith.constant 0 : i32
      %dma_wait3A_92 = tpu.memref_slice %arg2[%dma_wait3A_90, %dma_wait3A_91, %add3A_4] : memref<2x64x800000xf32, #tpu.memory_space<hbm>> -> memref<1x64x256xf32, #tpu.memory_space<hbm>>
      %dma_wait3A_93 = tpu.memref_squeeze %dma_wait3A_92 : memref<1x64x256xf32, #tpu.memory_space<hbm>> -> memref<64x256xf32, #tpu.memory_space<hbm>>
      %dma_wait3A_94 = arith.constant 0 : i32
      %dma_wait3A_95 = tpu.memref_slice %arg2[%dma_wait3A_90, %dma_wait3A_94, %add3A_4] : memref<2x64x800000xf32, #tpu.memory_space<hbm>> -> memref<1x64x256xf32, #tpu.memory_space<hbm>>
      %dma_wait3A_96 = tpu.memref_squeeze %dma_wait3A_95 : memref<1x64x256xf32, #tpu.memory_space<hbm>> -> memref<64x256xf32, #tpu.memory_space<hbm>>
      tpu.wait_dma2 semaphore(%arg11 : memref<!tpu.dma_semaphore, #tpu.memory_space<semaphore_mem>>) src(%dma_wait3A_96 : memref<64x256xf32, #tpu.memory_space<hbm>>) dst(%arg7 : memref<64x256xf32, #tpu.memory_space<vmem>>)
      %gt3A_97 = arith.constant 0 : i32
      %gt3A_98 = arith.cmpi sgt, %scan3A_30, %gt3A_97 : i32
      %convert_element_type3A_99 = arith.extui %gt3A_98 : i1 to i32
      %cond3A_100 = arith.constant 0 : i32
      %cond3A_101 = arith.cmpi ne, %convert_element_type3A_99, %cond3A_100 : i32
      scf.if %cond3A_101 {
        %dma_wait3A_115 = tpu.memref_slice %arg3[%mul3A_6] : memref<212992xf32, #tpu.memory_space<hbm>> -> memref<256xf32, #tpu.memory_space<hbm>>
        %dma_wait3A_116 = tpu.memref_slice %arg3[%mul3A_6] : memref<212992xf32, #tpu.memory_space<hbm>> -> memref<256xf32, #tpu.memory_space<hbm>>
        tpu.wait_dma2 semaphore(%arg13 : memref<!tpu.dma_semaphore, #tpu.memory_space<semaphore_mem>>) src(%arg9 : memref<256xf32, #tpu.memory_space<vmem>>) dst(%dma_wait3A_116 : memref<256xf32, #tpu.memory_space<hbm>>)
      } else {
      }
      %scan3A_102 = arith.constant 0 : i32
      %scan3A_103 = arith.constant 0 : i32
      %scan3A_104 = arith.constant 16 : i32
      %scan3A_105 = arith.addi %scan3A_103, %scan3A_104 : i32
      %scan3A_106 = arith.constant 1 : i32
      scf.for %scan3A_115 = %scan3A_103 to %scan3A_105 step %scan3A_106  : i32 {
        %mul3A_116 = arith.constant 16 : i32
        %mul3A_117 = arith.muli %scan3A_115, %mul3A_116 : i32
        %get3A = arith.constant 0 : i32
        %get3A_118 = arith.index_cast %get3A : i32 to index
        %get3A_119 = arith.index_cast %mul3A_117 : i32 to index
        %get3A_120 = tpu.vector_load %arg6[%get3A_118, %get3A_119] {strides = array<i32>} : memref<64x256xf32, #tpu.memory_space<vmem>>, vector<1x16xf32>,
        %get3A_121 = vector.shape_cast %get3A_120 : vector<1x16xf32> to vector<16xf32>
        %get3A_122 = arith.constant 0 : i32
        %get3A_123 = arith.index_cast %get3A_122 : i32 to index
        %get3A_124 = arith.index_cast %mul3A_117 : i32 to index
        %get3A_125 = tpu.vector_load %arg7[%get3A_123, %get3A_124] {strides = array<i32>} : memref<64x256xf32, #tpu.memory_space<vmem>>, vector<1x16xf32>,
        %get3A_126 = vector.shape_cast %get3A_125 : vector<1x16xf32> to vector<16xf32>
        %mul3A_127 = arith.mulf %get3A_121, %get3A_126 : vector<16xf32>
        %get3A_128 = arith.constant 1 : i32
        %get3A_129 = arith.index_cast %get3A_128 : i32 to index
        %get3A_130 = arith.index_cast %mul3A_117 : i32 to index
        %get3A_131 = tpu.vector_load %arg6[%get3A_129, %get3A_130] {strides = array<i32>} : memref<64x256xf32, #tpu.memory_space<vmem>>, vector<1x16xf32>,
        %get3A_132 = vector.shape_cast %get3A_131 : vector<1x16xf32> to vector<16xf32>
        %get3A_133 = arith.constant 1 : i32
        %get3A_134 = arith.index_cast %get3A_133 : i32 to index
        %get3A_135 = arith.index_cast %mul3A_117 : i32 to index
        %get3A_136 = tpu.vector_load %arg7[%get3A_134, %get3A_135] {strides = array<i32>} : memref<64x256xf32, #tpu.memory_space<vmem>>, vector<1x16xf32>,
        %get3A_137 = vector.shape_cast %get3A_136 : vector<1x16xf32> to vector<16xf32>
        %mul3A_138 = arith.mulf %get3A_132, %get3A_137 : vector<16xf32>
        %get3A_139 = arith.constant 2 : i32
        %get3A_140 = arith.index_cast %get3A_139 : i32 to index
        %get3A_141 = arith.index_cast %mul3A_117 : i32 to index
        %get3A_142 = tpu.vector_load %arg6[%get3A_140, %get3A_141] {strides = array<i32>} : memref<64x256xf32, #tpu.memory_space<vmem>>, vector<1x16xf32>,
        %get3A_143 = vector.shape_cast %get3A_142 : vector<1x16xf32> to vector<16xf32>
        %get3A_144 = arith.constant 2 : i32
        %get3A_145 = arith.index_cast %get3A_144 : i32 to index
        %get3A_146 = arith.index_cast %mul3A_117 : i32 to index
        %get3A_147 = tpu.vector_load %arg7[%get3A_145, %get3A_146] {strides = array<i32>} : memref<64x256xf32, #tpu.memory_space<vmem>>, vector<1x16xf32>,
        %get3A_148 = vector.shape_cast %get3A_147 : vector<1x16xf32> to vector<16xf32>
        %mul3A_149 = arith.mulf %get3A_143, %get3A_148 : vector<16xf32>
        %get3A_150 = arith.constant 3 : i32
        %get3A_151 = arith.index_cast %get3A_150 : i32 to index
        %get3A_152 = arith.index_cast %mul3A_117 : i32 to index
        %get3A_153 = tpu.vector_load %arg6[%get3A_151, %get3A_152] {strides = array<i32>} : memref<64x256xf32, #tpu.memory_space<vmem>>, vector<1x16xf32>,
        %get3A_154 = vector.shape_cast %get3A_153 : vector<1x16xf32> to vector<16xf32>
        %get3A_155 = arith.constant 3 : i32
        %get3A_156 = arith.index_cast %get3A_155 : i32 to index
        %get3A_157 = arith.index_cast %mul3A_117 : i32 to index
        %get3A_158 = tpu.vector_load %arg7[%get3A_156, %get3A_157] {strides = array<i32>} : memref<64x256xf32, #tpu.memory_space<vmem>>, vector<1x16xf32>,
        %get3A_159 = vector.shape_cast %get3A_158 : vector<1x16xf32> to vector<16xf32>
        %mul3A_160 = arith.mulf %get3A_154, %get3A_159 : vector<16xf32>
        %get3A_161 = arith.constant 4 : i32
        %get3A_162 = arith.index_cast %get3A_161 : i32 to index
        %get3A_163 = arith.index_cast %mul3A_117 : i32 to index
        %get3A_164 = tpu.vector_load %arg6[%get3A_162, %get3A_163] {strides = array<i32>} : memref<64x256xf32, #tpu.memory_space<vmem>>, vector<1x16xf32>,
        %get3A_165 = vector.shape_cast %get3A_164 : vector<1x16xf32> to vector<16xf32>
        %get3A_166 = arith.constant 4 : i32
        %get3A_167 = arith.index_cast %get3A_166 : i32 to index
        %get3A_168 = arith.index_cast %mul3A_117 : i32 to index
        %get3A_169 = tpu.vector_load %arg7[%get3A_167, %get3A_168] {strides = array<i32>} : memref<64x256xf32, #tpu.memory_space<vmem>>, vector<1x16xf32>,
        %get3A_170 = vector.shape_cast %get3A_169 : vector<1x16xf32> to vector<16xf32>
        %mul3A_171 = arith.mulf %get3A_165, %get3A_170 : vector<16xf32>
        %add3A_172 = arith.addf %mul3A_127, %mul3A_171 : vector<16xf32>
        %get3A_173 = arith.constant 5 : i32
        %get3A_174 = arith.index_cast %get3A_173 : i32 to index
        %get3A_175 = arith.index_cast %mul3A_117 : i32 to index
        %get3A_176 = tpu.vector_load %arg6[%get3A_174, %get3A_175] {strides = array<i32>} : memref<64x256xf32, #tpu.memory_space<vmem>>, vector<1x16xf32>,
        %get3A_177 = vector.shape_cast %get3A_176 : vector<1x16xf32> to vector<16xf32>
        %get3A_178 = arith.constant 5 : i32
        %get3A_179 = arith.index_cast %get3A_178 : i32 to index
        %get3A_180 = arith.index_cast %mul3A_117 : i32 to index
        %get3A_181 = tpu.vector_load %arg7[%get3A_179, %get3A_180] {strides = array<i32>} : memref<64x256xf32, #tpu.memory_space<vmem>>, vector<1x16xf32>,
        %get3A_182 = vector.shape_cast %get3A_181 : vector<1x16xf32> to vector<16xf32>
        %mul3A_183 = arith.mulf %get3A_177, %get3A_182 : vector<16xf32>
        %add3A_184 = arith.addf %mul3A_138, %mul3A_183 : vector<16xf32>
        %get3A_185 = arith.constant 6 : i32
        %get3A_186 = arith.index_cast %get3A_185 : i32 to index
        %get3A_187 = arith.index_cast %mul3A_117 : i32 to index
        %get3A_188 = tpu.vector_load %arg6[%get3A_186, %get3A_187] {strides = array<i32>} : memref<64x256xf32, #tpu.memory_space<vmem>>, vector<1x16xf32>,
        %get3A_189 = vector.shape_cast %get3A_188 : vector<1x16xf32> to vector<16xf32>
        %get3A_190 = arith.constant 6 : i32
        %get3A_191 = arith.index_cast %get3A_190 : i32 to index
        %get3A_192 = arith.index_cast %mul3A_117 : i32 to index
        %get3A_193 = tpu.vector_load %arg7[%get3A_191, %get3A_192] {strides = array<i32>} : memref<64x256xf32, #tpu.memory_space<vmem>>, vector<1x16xf32>,
        %get3A_194 = vector.shape_cast %get3A_193 : vector<1x16xf32> to vector<16xf32>
        %mul3A_195 = arith.mulf %get3A_189, %get3A_194 : vector<16xf32>
        %add3A_196 = arith.addf %mul3A_149, %mul3A_195 : vector<16xf32>
        %get3A_197 = arith.constant 7 : i32
        %get3A_198 = arith.index_cast %get3A_197 : i32 to index
        %get3A_199 = arith.index_cast %mul3A_117 : i32 to index
        %get3A_200 = tpu.vector_load %arg6[%get3A_198, %get3A_199] {strides = array<i32>} : memref<64x256xf32, #tpu.memory_space<vmem>>, vector<1x16xf32>,
        %get3A_201 = vector.shape_cast %get3A_200 : vector<1x16xf32> to vector<16xf32>
        %get3A_202 = arith.constant 7 : i32
        %get3A_203 = arith.index_cast %get3A_202 : i32 to index
        %get3A_204 = arith.index_cast %mul3A_117 : i32 to index
        %get3A_205 = tpu.vector_load %arg7[%get3A_203, %get3A_204] {strides = array<i32>} : memref<64x256xf32, #tpu.memory_space<vmem>>, vector<1x16xf32>,
        %get3A_206 = vector.shape_cast %get3A_205 : vector<1x16xf32> to vector<16xf32>
        %mul3A_207 = arith.mulf %get3A_201, %get3A_206 : vector<16xf32>
        %add3A_208 = arith.addf %mul3A_160, %mul3A_207 : vector<16xf32>
        %get3A_209 = arith.constant 8 : i32
        %get3A_210 = arith.index_cast %get3A_209 : i32 to index
        %get3A_211 = arith.index_cast %mul3A_117 : i32 to index
        %get3A_212 = tpu.vector_load %arg6[%get3A_210, %get3A_211] {strides = array<i32>} : memref<64x256xf32, #tpu.memory_space<vmem>>, vector<1x16xf32>,
        %get3A_213 = vector.shape_cast %get3A_212 : vector<1x16xf32> to vector<16xf32>
        %get3A_214 = arith.constant 8 : i32
        %get3A_215 = arith.index_cast %get3A_214 : i32 to index
        %get3A_216 = arith.index_cast %mul3A_117 : i32 to index
        %get3A_217 = tpu.vector_load %arg7[%get3A_215, %get3A_216] {strides = array<i32>} : memref<64x256xf32, #tpu.memory_space<vmem>>, vector<1x16xf32>,
        %get3A_218 = vector.shape_cast %get3A_217 : vector<1x16xf32> to vector<16xf32>
        %mul3A_219 = arith.mulf %get3A_213, %get3A_218 : vector<16xf32>
        %add3A_220 = arith.addf %add3A_172, %mul3A_219 : vector<16xf32>
        %get3A_221 = arith.constant 9 : i32
        %get3A_222 = arith.index_cast %get3A_221 : i32 to index
        %get3A_223 = arith.index_cast %mul3A_117 : i32 to index
        %get3A_224 = tpu.vector_load %arg6[%get3A_222, %get3A_223] {strides = array<i32>} : memref<64x256xf32, #tpu.memory_space<vmem>>, vector<1x16xf32>,
        %get3A_225 = vector.shape_cast %get3A_224 : vector<1x16xf32> to vector<16xf32>
        %get3A_226 = arith.constant 9 : i32
        %get3A_227 = arith.index_cast %get3A_226 : i32 to index
        %get3A_228 = arith.index_cast %mul3A_117 : i32 to index
        %get3A_229 = tpu.vector_load %arg7[%get3A_227, %get3A_228] {strides = array<i32>} : memref<64x256xf32, #tpu.memory_space<vmem>>, vector<1x16xf32>,
        %get3A_230 = vector.shape_cast %get3A_229 : vector<1x16xf32> to vector<16xf32>
        %mul3A_231 = arith.mulf %get3A_225, %get3A_230 : vector<16xf32>
        %add3A_232 = arith.addf %add3A_184, %mul3A_231 : vector<16xf32>
        %get3A_233 = arith.constant 10 : i32
        %get3A_234 = arith.index_cast %get3A_233 : i32 to index
        %get3A_235 = arith.index_cast %mul3A_117 : i32 to index
        %get3A_236 = tpu.vector_load %arg6[%get3A_234, %get3A_235] {strides = array<i32>} : memref<64x256xf32, #tpu.memory_space<vmem>>, vector<1x16xf32>,
        %get3A_237 = vector.shape_cast %get3A_236 : vector<1x16xf32> to vector<16xf32>
        %get3A_238 = arith.constant 10 : i32
        %get3A_239 = arith.index_cast %get3A_238 : i32 to index
        %get3A_240 = arith.index_cast %mul3A_117 : i32 to index
        %get3A_241 = tpu.vector_load %arg7[%get3A_239, %get3A_240] {strides = array<i32>} : memref<64x256xf32, #tpu.memory_space<vmem>>, vector<1x16xf32>,
        %get3A_242 = vector.shape_cast %get3A_241 : vector<1x16xf32> to vector<16xf32>
        %mul3A_243 = arith.mulf %get3A_237, %get3A_242 : vector<16xf32>
        %add3A_244 = arith.addf %add3A_196, %mul3A_243 : vector<16xf32>
        %get3A_245 = arith.constant 11 : i32
        %get3A_246 = arith.index_cast %get3A_245 : i32 to index
        %get3A_247 = arith.index_cast %mul3A_117 : i32 to index
        %get3A_248 = tpu.vector_load %arg6[%get3A_246, %get3A_247] {strides = array<i32>} : memref<64x256xf32, #tpu.memory_space<vmem>>, vector<1x16xf32>,
        %get3A_249 = vector.shape_cast %get3A_248 : vector<1x16xf32> to vector<16xf32>
        %get3A_250 = arith.constant 11 : i32
        %get3A_251 = arith.index_cast %get3A_250 : i32 to index
        %get3A_252 = arith.index_cast %mul3A_117 : i32 to index
        %get3A_253 = tpu.vector_load %arg7[%get3A_251, %get3A_252] {strides = array<i32>} : memref<64x256xf32, #tpu.memory_space<vmem>>, vector<1x16xf32>,
        %get3A_254 = vector.shape_cast %get3A_253 : vector<1x16xf32> to vector<16xf32>
        %mul3A_255 = arith.mulf %get3A_249, %get3A_254 : vector<16xf32>
        %add3A_256 = arith.addf %add3A_208, %mul3A_255 : vector<16xf32>
        %get3A_257 = arith.constant 12 : i32
        %get3A_258 = arith.index_cast %get3A_257 : i32 to index
        %get3A_259 = arith.index_cast %mul3A_117 : i32 to index
        %get3A_260 = tpu.vector_load %arg6[%get3A_258, %get3A_259] {strides = array<i32>} : memref<64x256xf32, #tpu.memory_space<vmem>>, vector<1x16xf32>,
        %get3A_261 = vector.shape_cast %get3A_260 : vector<1x16xf32> to vector<16xf32>
        %get3A_262 = arith.constant 12 : i32
        %get3A_263 = arith.index_cast %get3A_262 : i32 to index
        %get3A_264 = arith.index_cast %mul3A_117 : i32 to index
        %get3A_265 = tpu.vector_load %arg7[%get3A_263, %get3A_264] {strides = array<i32>} : memref<64x256xf32, #tpu.memory_space<vmem>>, vector<1x16xf32>,
        %get3A_266 = vector.shape_cast %get3A_265 : vector<1x16xf32> to vector<16xf32>
        %mul3A_267 = arith.mulf %get3A_261, %get3A_266 : vector<16xf32>
        %add3A_268 = arith.addf %add3A_220, %mul3A_267 : vector<16xf32>
        %get3A_269 = arith.constant 13 : i32
        %get3A_270 = arith.index_cast %get3A_269 : i32 to index
        %get3A_271 = arith.index_cast %mul3A_117 : i32 to index
        %get3A_272 = tpu.vector_load %arg6[%get3A_270, %get3A_271] {strides = array<i32>} : memref<64x256xf32, #tpu.memory_space<vmem>>, vector<1x16xf32>,
        %get3A_273 = vector.shape_cast %get3A_272 : vector<1x16xf32> to vector<16xf32>
        %get3A_274 = arith.constant 13 : i32
        %get3A_275 = arith.index_cast %get3A_274 : i32 to index
        %get3A_276 = arith.index_cast %mul3A_117 : i32 to index
        %get3A_277 = tpu.vector_load %arg7[%get3A_275, %get3A_276] {strides = array<i32>} : memref<64x256xf32, #tpu.memory_space<vmem>>, vector<1x16xf32>,
        %get3A_278 = vector.shape_cast %get3A_277 : vector<1x16xf32> to vector<16xf32>
        %mul3A_279 = arith.mulf %get3A_273, %get3A_278 : vector<16xf32>
        %add3A_280 = arith.addf %add3A_232, %mul3A_279 : vector<16xf32>
        %get3A_281 = arith.constant 14 : i32
        %get3A_282 = arith.index_cast %get3A_281 : i32 to index
        %get3A_283 = arith.index_cast %mul3A_117 : i32 to index
        %get3A_284 = tpu.vector_load %arg6[%get3A_282, %get3A_283] {strides = array<i32>} : memref<64x256xf32, #tpu.memory_space<vmem>>, vector<1x16xf32>,
        %get3A_285 = vector.shape_cast %get3A_284 : vector<1x16xf32> to vector<16xf32>
        %get3A_286 = arith.constant 14 : i32
        %get3A_287 = arith.index_cast %get3A_286 : i32 to index
        %get3A_288 = arith.index_cast %mul3A_117 : i32 to index
        %get3A_289 = tpu.vector_load %arg7[%get3A_287, %get3A_288] {strides = array<i32>} : memref<64x256xf32, #tpu.memory_space<vmem>>, vector<1x16xf32>,
        %get3A_290 = vector.shape_cast %get3A_289 : vector<1x16xf32> to vector<16xf32>
        %mul3A_291 = arith.mulf %get3A_285, %get3A_290 : vector<16xf32>
        %add3A_292 = arith.addf %add3A_244, %mul3A_291 : vector<16xf32>
        %get3A_293 = arith.constant 15 : i32
        %get3A_294 = arith.index_cast %get3A_293 : i32 to index
        %get3A_295 = arith.index_cast %mul3A_117 : i32 to index
        %get3A_296 = tpu.vector_load %arg6[%get3A_294, %get3A_295] {strides = array<i32>} : memref<64x256xf32, #tpu.memory_space<vmem>>, vector<1x16xf32>,
        %get3A_297 = vector.shape_cast %get3A_296 : vector<1x16xf32> to vector<16xf32>
        %get3A_298 = arith.constant 15 : i32
        %get3A_299 = arith.index_cast %get3A_298 : i32 to index
        %get3A_300 = arith.index_cast %mul3A_117 : i32 to index
        %get3A_301 = tpu.vector_load %arg7[%get3A_299, %get3A_300] {strides = array<i32>} : memref<64x256xf32, #tpu.memory_space<vmem>>, vector<1x16xf32>,
        %get3A_302 = vector.shape_cast %get3A_301 : vector<1x16xf32> to vector<16xf32>
        %mul3A_303 = arith.mulf %get3A_297, %get3A_302 : vector<16xf32>
        %add3A_304 = arith.addf %add3A_256, %mul3A_303 : vector<16xf32>
        %get3A_305 = arith.constant 16 : i32
        %get3A_306 = arith.index_cast %get3A_305 : i32 to index
        %get3A_307 = arith.index_cast %mul3A_117 : i32 to index
        %get3A_308 = tpu.vector_load %arg6[%get3A_306, %get3A_307] {strides = array<i32>} : memref<64x256xf32, #tpu.memory_space<vmem>>, vector<1x16xf32>,
        %get3A_309 = vector.shape_cast %get3A_308 : vector<1x16xf32> to vector<16xf32>
        %get3A_310 = arith.constant 16 : i32
        %get3A_311 = arith.index_cast %get3A_310 : i32 to index
        %get3A_312 = arith.index_cast %mul3A_117 : i32 to index
        %get3A_313 = tpu.vector_load %arg7[%get3A_311, %get3A_312] {strides = array<i32>} : memref<64x256xf32, #tpu.memory_space<vmem>>, vector<1x16xf32>,
        %get3A_314 = vector.shape_cast %get3A_313 : vector<1x16xf32> to vector<16xf32>
        %mul3A_315 = arith.mulf %get3A_309, %get3A_314 : vector<16xf32>
        %add3A_316 = arith.addf %add3A_268, %mul3A_315 : vector<16xf32>
        %get3A_317 = arith.constant 17 : i32
        %get3A_318 = arith.index_cast %get3A_317 : i32 to index
        %get3A_319 = arith.index_cast %mul3A_117 : i32 to index
        %get3A_320 = tpu.vector_load %arg6[%get3A_318, %get3A_319] {strides = array<i32>} : memref<64x256xf32, #tpu.memory_space<vmem>>, vector<1x16xf32>,
        %get3A_321 = vector.shape_cast %get3A_320 : vector<1x16xf32> to vector<16xf32>
        %get3A_322 = arith.constant 17 : i32
        %get3A_323 = arith.index_cast %get3A_322 : i32 to index
        %get3A_324 = arith.index_cast %mul3A_117 : i32 to index
        %get3A_325 = tpu.vector_load %arg7[%get3A_323, %get3A_324] {strides = array<i32>} : memref<64x256xf32, #tpu.memory_space<vmem>>, vector<1x16xf32>,
        %get3A_326 = vector.shape_cast %get3A_325 : vector<1x16xf32> to vector<16xf32>
        %mul3A_327 = arith.mulf %get3A_321, %get3A_326 : vector<16xf32>
        %add3A_328 = arith.addf %add3A_280, %mul3A_327 : vector<16xf32>
        %get3A_329 = arith.constant 18 : i32
        %get3A_330 = arith.index_cast %get3A_329 : i32 to index
        %get3A_331 = arith.index_cast %mul3A_117 : i32 to index
        %get3A_332 = tpu.vector_load %arg6[%get3A_330, %get3A_331] {strides = array<i32>} : memref<64x256xf32, #tpu.memory_space<vmem>>, vector<1x16xf32>,
        %get3A_333 = vector.shape_cast %get3A_332 : vector<1x16xf32> to vector<16xf32>
        %get3A_334 = arith.constant 18 : i32
        %get3A_335 = arith.index_cast %get3A_334 : i32 to index
        %get3A_336 = arith.index_cast %mul3A_117 : i32 to index
        %get3A_337 = tpu.vector_load %arg7[%get3A_335, %get3A_336] {strides = array<i32>} : memref<64x256xf32, #tpu.memory_space<vmem>>, vector<1x16xf32>,
        %get3A_338 = vector.shape_cast %get3A_337 : vector<1x16xf32> to vector<16xf32>
        %mul3A_339 = arith.mulf %get3A_333, %get3A_338 : vector<16xf32>
        %add3A_340 = arith.addf %add3A_292, %mul3A_339 : vector<16xf32>
        %get3A_341 = arith.constant 19 : i32
        %get3A_342 = arith.index_cast %get3A_341 : i32 to index
        %get3A_343 = arith.index_cast %mul3A_117 : i32 to index
        %get3A_344 = tpu.vector_load %arg6[%get3A_342, %get3A_343] {strides = array<i32>} : memref<64x256xf32, #tpu.memory_space<vmem>>, vector<1x16xf32>,
        %get3A_345 = vector.shape_cast %get3A_344 : vector<1x16xf32> to vector<16xf32>
        %get3A_346 = arith.constant 19 : i32
        %get3A_347 = arith.index_cast %get3A_346 : i32 to index
        %get3A_348 = arith.index_cast %mul3A_117 : i32 to index
        %get3A_349 = tpu.vector_load %arg7[%get3A_347, %get3A_348] {strides = array<i32>} : memref<64x256xf32, #tpu.memory_space<vmem>>, vector<1x16xf32>,
        %get3A_350 = vector.shape_cast %get3A_349 : vector<1x16xf32> to vector<16xf32>
        %mul3A_351 = arith.mulf %get3A_345, %get3A_350 : vector<16xf32>
        %add3A_352 = arith.addf %add3A_304, %mul3A_351 : vector<16xf32>
        %get3A_353 = arith.constant 20 : i32
        %get3A_354 = arith.index_cast %get3A_353 : i32 to index
        %get3A_355 = arith.index_cast %mul3A_117 : i32 to index
        %get3A_356 = tpu.vector_load %arg6[%get3A_354, %get3A_355] {strides = array<i32>} : memref<64x256xf32, #tpu.memory_space<vmem>>, vector<1x16xf32>,
        %get3A_357 = vector.shape_cast %get3A_356 : vector<1x16xf32> to vector<16xf32>
        %get3A_358 = arith.constant 20 : i32
        %get3A_359 = arith.index_cast %get3A_358 : i32 to index
        %get3A_360 = arith.index_cast %mul3A_117 : i32 to index
        %get3A_361 = tpu.vector_load %arg7[%get3A_359, %get3A_360] {strides = array<i32>} : memref<64x256xf32, #tpu.memory_space<vmem>>, vector<1x16xf32>,
        %get3A_362 = vector.shape_cast %get3A_361 : vector<1x16xf32> to vector<16xf32>
        %mul3A_363 = arith.mulf %get3A_357, %get3A_362 : vector<16xf32>
        %add3A_364 = arith.addf %add3A_316, %mul3A_363 : vector<16xf32>
        %get3A_365 = arith.constant 21 : i32
        %get3A_366 = arith.index_cast %get3A_365 : i32 to index
        %get3A_367 = arith.index_cast %mul3A_117 : i32 to index
        %get3A_368 = tpu.vector_load %arg6[%get3A_366, %get3A_367] {strides = array<i32>} : memref<64x256xf32, #tpu.memory_space<vmem>>, vector<1x16xf32>,
        %get3A_369 = vector.shape_cast %get3A_368 : vector<1x16xf32> to vector<16xf32>
        %get3A_370 = arith.constant 21 : i32
        %get3A_371 = arith.index_cast %get3A_370 : i32 to index
        %get3A_372 = arith.index_cast %mul3A_117 : i32 to index
        %get3A_373 = tpu.vector_load %arg7[%get3A_371, %get3A_372] {strides = array<i32>} : memref<64x256xf32, #tpu.memory_space<vmem>>, vector<1x16xf32>,
        %get3A_374 = vector.shape_cast %get3A_373 : vector<1x16xf32> to vector<16xf32>
        %mul3A_375 = arith.mulf %get3A_369, %get3A_374 : vector<16xf32>
        %add3A_376 = arith.addf %add3A_328, %mul3A_375 : vector<16xf32>
        %get3A_377 = arith.constant 22 : i32
        %get3A_378 = arith.index_cast %get3A_377 : i32 to index
        %get3A_379 = arith.index_cast %mul3A_117 : i32 to index
        %get3A_380 = tpu.vector_load %arg6[%get3A_378, %get3A_379] {strides = array<i32>} : memref<64x256xf32, #tpu.memory_space<vmem>>, vector<1x16xf32>,
        %get3A_381 = vector.shape_cast %get3A_380 : vector<1x16xf32> to vector<16xf32>
        %get3A_382 = arith.constant 22 : i32
        %get3A_383 = arith.index_cast %get3A_382 : i32 to index
        %get3A_384 = arith.index_cast %mul3A_117 : i32 to index
        %get3A_385 = tpu.vector_load %arg7[%get3A_383, %get3A_384] {strides = array<i32>} : memref<64x256xf32, #tpu.memory_space<vmem>>, vector<1x16xf32>,
        %get3A_386 = vector.shape_cast %get3A_385 : vector<1x16xf32> to vector<16xf32>
        %mul3A_387 = arith.mulf %get3A_381, %get3A_386 : vector<16xf32>
        %add3A_388 = arith.addf %add3A_340, %mul3A_387 : vector<16xf32>
        %get3A_389 = arith.constant 23 : i32
        %get3A_390 = arith.index_cast %get3A_389 : i32 to index
        %get3A_391 = arith.index_cast %mul3A_117 : i32 to index
        %get3A_392 = tpu.vector_load %arg6[%get3A_390, %get3A_391] {strides = array<i32>} : memref<64x256xf32, #tpu.memory_space<vmem>>, vector<1x16xf32>,
        %get3A_393 = vector.shape_cast %get3A_392 : vector<1x16xf32> to vector<16xf32>
        %get3A_394 = arith.constant 23 : i32
        %get3A_395 = arith.index_cast %get3A_394 : i32 to index
        %get3A_396 = arith.index_cast %mul3A_117 : i32 to index
        %get3A_397 = tpu.vector_load %arg7[%get3A_395, %get3A_396] {strides = array<i32>} : memref<64x256xf32, #tpu.memory_space<vmem>>, vector<1x16xf32>,
        %get3A_398 = vector.shape_cast %get3A_397 : vector<1x16xf32> to vector<16xf32>
        %mul3A_399 = arith.mulf %get3A_393, %get3A_398 : vector<16xf32>
        %add3A_400 = arith.addf %add3A_352, %mul3A_399 : vector<16xf32>
        %get3A_401 = arith.constant 24 : i32
        %get3A_402 = arith.index_cast %get3A_401 : i32 to index
        %get3A_403 = arith.index_cast %mul3A_117 : i32 to index
        %get3A_404 = tpu.vector_load %arg6[%get3A_402, %get3A_403] {strides = array<i32>} : memref<64x256xf32, #tpu.memory_space<vmem>>, vector<1x16xf32>,
        %get3A_405 = vector.shape_cast %get3A_404 : vector<1x16xf32> to vector<16xf32>
        %get3A_406 = arith.constant 24 : i32
        %get3A_407 = arith.index_cast %get3A_406 : i32 to index
        %get3A_408 = arith.index_cast %mul3A_117 : i32 to index
        %get3A_409 = tpu.vector_load %arg7[%get3A_407, %get3A_408] {strides = array<i32>} : memref<64x256xf32, #tpu.memory_space<vmem>>, vector<1x16xf32>,
        %get3A_410 = vector.shape_cast %get3A_409 : vector<1x16xf32> to vector<16xf32>
        %mul3A_411 = arith.mulf %get3A_405, %get3A_410 : vector<16xf32>
        %add3A_412 = arith.addf %add3A_364, %mul3A_411 : vector<16xf32>
        %get3A_413 = arith.constant 25 : i32
        %get3A_414 = arith.index_cast %get3A_413 : i32 to index
        %get3A_415 = arith.index_cast %mul3A_117 : i32 to index
        %get3A_416 = tpu.vector_load %arg6[%get3A_414, %get3A_415] {strides = array<i32>} : memref<64x256xf32, #tpu.memory_space<vmem>>, vector<1x16xf32>,
        %get3A_417 = vector.shape_cast %get3A_416 : vector<1x16xf32> to vector<16xf32>
        %get3A_418 = arith.constant 25 : i32
        %get3A_419 = arith.index_cast %get3A_418 : i32 to index
        %get3A_420 = arith.index_cast %mul3A_117 : i32 to index
        %get3A_421 = tpu.vector_load %arg7[%get3A_419, %get3A_420] {strides = array<i32>} : memref<64x256xf32, #tpu.memory_space<vmem>>, vector<1x16xf32>,
        %get3A_422 = vector.shape_cast %get3A_421 : vector<1x16xf32> to vector<16xf32>
        %mul3A_423 = arith.mulf %get3A_417, %get3A_422 : vector<16xf32>
        %add3A_424 = arith.addf %add3A_376, %mul3A_423 : vector<16xf32>
        %get3A_425 = arith.constant 26 : i32
        %get3A_426 = arith.index_cast %get3A_425 : i32 to index
        %get3A_427 = arith.index_cast %mul3A_117 : i32 to index
        %get3A_428 = tpu.vector_load %arg6[%get3A_426, %get3A_427] {strides = array<i32>} : memref<64x256xf32, #tpu.memory_space<vmem>>, vector<1x16xf32>,
        %get3A_429 = vector.shape_cast %get3A_428 : vector<1x16xf32> to vector<16xf32>
        %get3A_430 = arith.constant 26 : i32
        %get3A_431 = arith.index_cast %get3A_430 : i32 to index
        %get3A_432 = arith.index_cast %mul3A_117 : i32 to index
        %get3A_433 = tpu.vector_load %arg7[%get3A_431, %get3A_432] {strides = array<i32>} : memref<64x256xf32, #tpu.memory_space<vmem>>, vector<1x16xf32>,
        %get3A_434 = vector.shape_cast %get3A_433 : vector<1x16xf32> to vector<16xf32>
        %mul3A_435 = arith.mulf %get3A_429, %get3A_434 : vector<16xf32>
        %add3A_436 = arith.addf %add3A_388, %mul3A_435 : vector<16xf32>
        %get3A_437 = arith.constant 27 : i32
        %get3A_438 = arith.index_cast %get3A_437 : i32 to index
        %get3A_439 = arith.index_cast %mul3A_117 : i32 to index
        %get3A_440 = tpu.vector_load %arg6[%get3A_438, %get3A_439] {strides = array<i32>} : memref<64x256xf32, #tpu.memory_space<vmem>>, vector<1x16xf32>,
        %get3A_441 = vector.shape_cast %get3A_440 : vector<1x16xf32> to vector<16xf32>
        %get3A_442 = arith.constant 27 : i32
        %get3A_443 = arith.index_cast %get3A_442 : i32 to index
        %get3A_444 = arith.index_cast %mul3A_117 : i32 to index
        %get3A_445 = tpu.vector_load %arg7[%get3A_443, %get3A_444] {strides = array<i32>} : memref<64x256xf32, #tpu.memory_space<vmem>>, vector<1x16xf32>,
        %get3A_446 = vector.shape_cast %get3A_445 : vector<1x16xf32> to vector<16xf32>
        %mul3A_447 = arith.mulf %get3A_441, %get3A_446 : vector<16xf32>
        %add3A_448 = arith.addf %add3A_400, %mul3A_447 : vector<16xf32>
        %get3A_449 = arith.constant 28 : i32
        %get3A_450 = arith.index_cast %get3A_449 : i32 to index
        %get3A_451 = arith.index_cast %mul3A_117 : i32 to index
        %get3A_452 = tpu.vector_load %arg6[%get3A_450, %get3A_451] {strides = array<i32>} : memref<64x256xf32, #tpu.memory_space<vmem>>, vector<1x16xf32>,
        %get3A_453 = vector.shape_cast %get3A_452 : vector<1x16xf32> to vector<16xf32>
        %get3A_454 = arith.constant 28 : i32
        %get3A_455 = arith.index_cast %get3A_454 : i32 to index
        %get3A_456 = arith.index_cast %mul3A_117 : i32 to index
        %get3A_457 = tpu.vector_load %arg7[%get3A_455, %get3A_456] {strides = array<i32>} : memref<64x256xf32, #tpu.memory_space<vmem>>, vector<1x16xf32>,
        %get3A_458 = vector.shape_cast %get3A_457 : vector<1x16xf32> to vector<16xf32>
        %mul3A_459 = arith.mulf %get3A_453, %get3A_458 : vector<16xf32>
        %add3A_460 = arith.addf %add3A_412, %mul3A_459 : vector<16xf32>
        %get3A_461 = arith.constant 29 : i32
        %get3A_462 = arith.index_cast %get3A_461 : i32 to index
        %get3A_463 = arith.index_cast %mul3A_117 : i32 to index
        %get3A_464 = tpu.vector_load %arg6[%get3A_462, %get3A_463] {strides = array<i32>} : memref<64x256xf32, #tpu.memory_space<vmem>>, vector<1x16xf32>,
        %get3A_465 = vector.shape_cast %get3A_464 : vector<1x16xf32> to vector<16xf32>
        %get3A_466 = arith.constant 29 : i32
        %get3A_467 = arith.index_cast %get3A_466 : i32 to index
        %get3A_468 = arith.index_cast %mul3A_117 : i32 to index
        %get3A_469 = tpu.vector_load %arg7[%get3A_467, %get3A_468] {strides = array<i32>} : memref<64x256xf32, #tpu.memory_space<vmem>>, vector<1x16xf32>,
        %get3A_470 = vector.shape_cast %get3A_469 : vector<1x16xf32> to vector<16xf32>
        %mul3A_471 = arith.mulf %get3A_465, %get3A_470 : vector<16xf32>
        %add3A_472 = arith.addf %add3A_424, %mul3A_471 : vector<16xf32>
        %get3A_473 = arith.constant 30 : i32
        %get3A_474 = arith.index_cast %get3A_473 : i32 to index
        %get3A_475 = arith.index_cast %mul3A_117 : i32 to index
        %get3A_476 = tpu.vector_load %arg6[%get3A_474, %get3A_475] {strides = array<i32>} : memref<64x256xf32, #tpu.memory_space<vmem>>, vector<1x16xf32>,
        %get3A_477 = vector.shape_cast %get3A_476 : vector<1x16xf32> to vector<16xf32>
        %get3A_478 = arith.constant 30 : i32
        %get3A_479 = arith.index_cast %get3A_478 : i32 to index
        %get3A_480 = arith.index_cast %mul3A_117 : i32 to index
        %get3A_481 = tpu.vector_load %arg7[%get3A_479, %get3A_480] {strides = array<i32>} : memref<64x256xf32, #tpu.memory_space<vmem>>, vector<1x16xf32>,
        %get3A_482 = vector.shape_cast %get3A_481 : vector<1x16xf32> to vector<16xf32>
        %mul3A_483 = arith.mulf %get3A_477, %get3A_482 : vector<16xf32>
        %add3A_484 = arith.addf %add3A_436, %mul3A_483 : vector<16xf32>
        %get3A_485 = arith.constant 31 : i32
        %get3A_486 = arith.index_cast %get3A_485 : i32 to index
        %get3A_487 = arith.index_cast %mul3A_117 : i32 to index
        %get3A_488 = tpu.vector_load %arg6[%get3A_486, %get3A_487] {strides = array<i32>} : memref<64x256xf32, #tpu.memory_space<vmem>>, vector<1x16xf32>,
        %get3A_489 = vector.shape_cast %get3A_488 : vector<1x16xf32> to vector<16xf32>
        %get3A_490 = arith.constant 31 : i32
        %get3A_491 = arith.index_cast %get3A_490 : i32 to index
        %get3A_492 = arith.index_cast %mul3A_117 : i32 to index
        %get3A_493 = tpu.vector_load %arg7[%get3A_491, %get3A_492] {strides = array<i32>} : memref<64x256xf32, #tpu.memory_space<vmem>>, vector<1x16xf32>,
        %get3A_494 = vector.shape_cast %get3A_493 : vector<1x16xf32> to vector<16xf32>
        %mul3A_495 = arith.mulf %get3A_489, %get3A_494 : vector<16xf32>
        %add3A_496 = arith.addf %add3A_448, %mul3A_495 : vector<16xf32>
        %get3A_497 = arith.constant 32 : i32
        %get3A_498 = arith.index_cast %get3A_497 : i32 to index
        %get3A_499 = arith.index_cast %mul3A_117 : i32 to index
        %get3A_500 = tpu.vector_load %arg6[%get3A_498, %get3A_499] {strides = array<i32>} : memref<64x256xf32, #tpu.memory_space<vmem>>, vector<1x16xf32>,
        %get3A_501 = vector.shape_cast %get3A_500 : vector<1x16xf32> to vector<16xf32>
        %get3A_502 = arith.constant 32 : i32
        %get3A_503 = arith.index_cast %get3A_502 : i32 to index
        %get3A_504 = arith.index_cast %mul3A_117 : i32 to index
        %get3A_505 = tpu.vector_load %arg7[%get3A_503, %get3A_504] {strides = array<i32>} : memref<64x256xf32, #tpu.memory_space<vmem>>, vector<1x16xf32>,
        %get3A_506 = vector.shape_cast %get3A_505 : vector<1x16xf32> to vector<16xf32>
        %mul3A_507 = arith.mulf %get3A_501, %get3A_506 : vector<16xf32>
        %add3A_508 = arith.addf %add3A_460, %mul3A_507 : vector<16xf32>
        %get3A_509 = arith.constant 33 : i32
        %get3A_510 = arith.index_cast %get3A_509 : i32 to index
        %get3A_511 = arith.index_cast %mul3A_117 : i32 to index
        %get3A_512 = tpu.vector_load %arg6[%get3A_510, %get3A_511] {strides = array<i32>} : memref<64x256xf32, #tpu.memory_space<vmem>>, vector<1x16xf32>,
        %get3A_513 = vector.shape_cast %get3A_512 : vector<1x16xf32> to vector<16xf32>
        %get3A_514 = arith.constant 33 : i32
        %get3A_515 = arith.index_cast %get3A_514 : i32 to index
        %get3A_516 = arith.index_cast %mul3A_117 : i32 to index
        %get3A_517 = tpu.vector_load %arg7[%get3A_515, %get3A_516] {strides = array<i32>} : memref<64x256xf32, #tpu.memory_space<vmem>>, vector<1x16xf32>,
        %get3A_518 = vector.shape_cast %get3A_517 : vector<1x16xf32> to vector<16xf32>
        %mul3A_519 = arith.mulf %get3A_513, %get3A_518 : vector<16xf32>
        %add3A_520 = arith.addf %add3A_472, %mul3A_519 : vector<16xf32>
        %get3A_521 = arith.constant 34 : i32
        %get3A_522 = arith.index_cast %get3A_521 : i32 to index
        %get3A_523 = arith.index_cast %mul3A_117 : i32 to index
        %get3A_524 = tpu.vector_load %arg6[%get3A_522, %get3A_523] {strides = array<i32>} : memref<64x256xf32, #tpu.memory_space<vmem>>, vector<1x16xf32>,
        %get3A_525 = vector.shape_cast %get3A_524 : vector<1x16xf32> to vector<16xf32>
        %get3A_526 = arith.constant 34 : i32
        %get3A_527 = arith.index_cast %get3A_526 : i32 to index
        %get3A_528 = arith.index_cast %mul3A_117 : i32 to index
        %get3A_529 = tpu.vector_load %arg7[%get3A_527, %get3A_528] {strides = array<i32>} : memref<64x256xf32, #tpu.memory_space<vmem>>, vector<1x16xf32>,
        %get3A_530 = vector.shape_cast %get3A_529 : vector<1x16xf32> to vector<16xf32>
        %mul3A_531 = arith.mulf %get3A_525, %get3A_530 : vector<16xf32>
        %add3A_532 = arith.addf %add3A_484, %mul3A_531 : vector<16xf32>
        %get3A_533 = arith.constant 35 : i32
        %get3A_534 = arith.index_cast %get3A_533 : i32 to index
        %get3A_535 = arith.index_cast %mul3A_117 : i32 to index
        %get3A_536 = tpu.vector_load %arg6[%get3A_534, %get3A_535] {strides = array<i32>} : memref<64x256xf32, #tpu.memory_space<vmem>>, vector<1x16xf32>,
        %get3A_537 = vector.shape_cast %get3A_536 : vector<1x16xf32> to vector<16xf32>
        %get3A_538 = arith.constant 35 : i32
        %get3A_539 = arith.index_cast %get3A_538 : i32 to index
        %get3A_540 = arith.index_cast %mul3A_117 : i32 to index
        %get3A_541 = tpu.vector_load %arg7[%get3A_539, %get3A_540] {strides = array<i32>} : memref<64x256xf32, #tpu.memory_space<vmem>>, vector<1x16xf32>,
        %get3A_542 = vector.shape_cast %get3A_541 : vector<1x16xf32> to vector<16xf32>
        %mul3A_543 = arith.mulf %get3A_537, %get3A_542 : vector<16xf32>
        %add3A_544 = arith.addf %add3A_496, %mul3A_543 : vector<16xf32>
        %get3A_545 = arith.constant 36 : i32
        %get3A_546 = arith.index_cast %get3A_545 : i32 to index
        %get3A_547 = arith.index_cast %mul3A_117 : i32 to index
        %get3A_548 = tpu.vector_load %arg6[%get3A_546, %get3A_547] {strides = array<i32>} : memref<64x256xf32, #tpu.memory_space<vmem>>, vector<1x16xf32>,
        %get3A_549 = vector.shape_cast %get3A_548 : vector<1x16xf32> to vector<16xf32>
        %get3A_550 = arith.constant 36 : i32
        %get3A_551 = arith.index_cast %get3A_550 : i32 to index
        %get3A_552 = arith.index_cast %mul3A_117 : i32 to index
        %get3A_553 = tpu.vector_load %arg7[%get3A_551, %get3A_552] {strides = array<i32>} : memref<64x256xf32, #tpu.memory_space<vmem>>, vector<1x16xf32>,
        %get3A_554 = vector.shape_cast %get3A_553 : vector<1x16xf32> to vector<16xf32>
        %mul3A_555 = arith.mulf %get3A_549, %get3A_554 : vector<16xf32>
        %add3A_556 = arith.addf %add3A_508, %mul3A_555 : vector<16xf32>
        %get3A_557 = arith.constant 37 : i32
        %get3A_558 = arith.index_cast %get3A_557 : i32 to index
        %get3A_559 = arith.index_cast %mul3A_117 : i32 to index
        %get3A_560 = tpu.vector_load %arg6[%get3A_558, %get3A_559] {strides = array<i32>} : memref<64x256xf32, #tpu.memory_space<vmem>>, vector<1x16xf32>,
        %get3A_561 = vector.shape_cast %get3A_560 : vector<1x16xf32> to vector<16xf32>
        %get3A_562 = arith.constant 37 : i32
        %get3A_563 = arith.index_cast %get3A_562 : i32 to index
        %get3A_564 = arith.index_cast %mul3A_117 : i32 to index
        %get3A_565 = tpu.vector_load %arg7[%get3A_563, %get3A_564] {strides = array<i32>} : memref<64x256xf32, #tpu.memory_space<vmem>>, vector<1x16xf32>,
        %get3A_566 = vector.shape_cast %get3A_565 : vector<1x16xf32> to vector<16xf32>
        %mul3A_567 = arith.mulf %get3A_561, %get3A_566 : vector<16xf32>
        %add3A_568 = arith.addf %add3A_520, %mul3A_567 : vector<16xf32>
        %get3A_569 = arith.constant 38 : i32
        %get3A_570 = arith.index_cast %get3A_569 : i32 to index
        %get3A_571 = arith.index_cast %mul3A_117 : i32 to index
        %get3A_572 = tpu.vector_load %arg6[%get3A_570, %get3A_571] {strides = array<i32>} : memref<64x256xf32, #tpu.memory_space<vmem>>, vector<1x16xf32>,
        %get3A_573 = vector.shape_cast %get3A_572 : vector<1x16xf32> to vector<16xf32>
        %get3A_574 = arith.constant 38 : i32
        %get3A_575 = arith.index_cast %get3A_574 : i32 to index
        %get3A_576 = arith.index_cast %mul3A_117 : i32 to index
        %get3A_577 = tpu.vector_load %arg7[%get3A_575, %get3A_576] {strides = array<i32>} : memref<64x256xf32, #tpu.memory_space<vmem>>, vector<1x16xf32>,
        %get3A_578 = vector.shape_cast %get3A_577 : vector<1x16xf32> to vector<16xf32>
        %mul3A_579 = arith.mulf %get3A_573, %get3A_578 : vector<16xf32>
        %add3A_580 = arith.addf %add3A_532, %mul3A_579 : vector<16xf32>
        %get3A_581 = arith.constant 39 : i32
        %get3A_582 = arith.index_cast %get3A_581 : i32 to index
        %get3A_583 = arith.index_cast %mul3A_117 : i32 to index
        %get3A_584 = tpu.vector_load %arg6[%get3A_582, %get3A_583] {strides = array<i32>} : memref<64x256xf32, #tpu.memory_space<vmem>>, vector<1x16xf32>,
        %get3A_585 = vector.shape_cast %get3A_584 : vector<1x16xf32> to vector<16xf32>
        %get3A_586 = arith.constant 39 : i32
        %get3A_587 = arith.index_cast %get3A_586 : i32 to index
        %get3A_588 = arith.index_cast %mul3A_117 : i32 to index
        %get3A_589 = tpu.vector_load %arg7[%get3A_587, %get3A_588] {strides = array<i32>} : memref<64x256xf32, #tpu.memory_space<vmem>>, vector<1x16xf32>,
        %get3A_590 = vector.shape_cast %get3A_589 : vector<1x16xf32> to vector<16xf32>
        %mul3A_591 = arith.mulf %get3A_585, %get3A_590 : vector<16xf32>
        %add3A_592 = arith.addf %add3A_544, %mul3A_591 : vector<16xf32>
        %get3A_593 = arith.constant 40 : i32
        %get3A_594 = arith.index_cast %get3A_593 : i32 to index
        %get3A_595 = arith.index_cast %mul3A_117 : i32 to index
        %get3A_596 = tpu.vector_load %arg6[%get3A_594, %get3A_595] {strides = array<i32>} : memref<64x256xf32, #tpu.memory_space<vmem>>, vector<1x16xf32>,
        %get3A_597 = vector.shape_cast %get3A_596 : vector<1x16xf32> to vector<16xf32>
        %get3A_598 = arith.constant 40 : i32
        %get3A_599 = arith.index_cast %get3A_598 : i32 to index
        %get3A_600 = arith.index_cast %mul3A_117 : i32 to index
        %get3A_601 = tpu.vector_load %arg7[%get3A_599, %get3A_600] {strides = array<i32>} : memref<64x256xf32, #tpu.memory_space<vmem>>, vector<1x16xf32>,
        %get3A_602 = vector.shape_cast %get3A_601 : vector<1x16xf32> to vector<16xf32>
        %mul3A_603 = arith.mulf %get3A_597, %get3A_602 : vector<16xf32>
        %add3A_604 = arith.addf %add3A_556, %mul3A_603 : vector<16xf32>
        %get3A_605 = arith.constant 41 : i32
        %get3A_606 = arith.index_cast %get3A_605 : i32 to index
        %get3A_607 = arith.index_cast %mul3A_117 : i32 to index
        %get3A_608 = tpu.vector_load %arg6[%get3A_606, %get3A_607] {strides = array<i32>} : memref<64x256xf32, #tpu.memory_space<vmem>>, vector<1x16xf32>,
        %get3A_609 = vector.shape_cast %get3A_608 : vector<1x16xf32> to vector<16xf32>
        %get3A_610 = arith.constant 41 : i32
        %get3A_611 = arith.index_cast %get3A_610 : i32 to index
        %get3A_612 = arith.index_cast %mul3A_117 : i32 to index
        %get3A_613 = tpu.vector_load %arg7[%get3A_611, %get3A_612] {strides = array<i32>} : memref<64x256xf32, #tpu.memory_space<vmem>>, vector<1x16xf32>,
        %get3A_614 = vector.shape_cast %get3A_613 : vector<1x16xf32> to vector<16xf32>
        %mul3A_615 = arith.mulf %get3A_609, %get3A_614 : vector<16xf32>
        %add3A_616 = arith.addf %add3A_568, %mul3A_615 : vector<16xf32>
        %get3A_617 = arith.constant 42 : i32
        %get3A_618 = arith.index_cast %get3A_617 : i32 to index
        %get3A_619 = arith.index_cast %mul3A_117 : i32 to index
        %get3A_620 = tpu.vector_load %arg6[%get3A_618, %get3A_619] {strides = array<i32>} : memref<64x256xf32, #tpu.memory_space<vmem>>, vector<1x16xf32>,
        %get3A_621 = vector.shape_cast %get3A_620 : vector<1x16xf32> to vector<16xf32>
        %get3A_622 = arith.constant 42 : i32
        %get3A_623 = arith.index_cast %get3A_622 : i32 to index
        %get3A_624 = arith.index_cast %mul3A_117 : i32 to index
        %get3A_625 = tpu.vector_load %arg7[%get3A_623, %get3A_624] {strides = array<i32>} : memref<64x256xf32, #tpu.memory_space<vmem>>, vector<1x16xf32>,
        %get3A_626 = vector.shape_cast %get3A_625 : vector<1x16xf32> to vector<16xf32>
        %mul3A_627 = arith.mulf %get3A_621, %get3A_626 : vector<16xf32>
        %add3A_628 = arith.addf %add3A_580, %mul3A_627 : vector<16xf32>
        %get3A_629 = arith.constant 43 : i32
        %get3A_630 = arith.index_cast %get3A_629 : i32 to index
        %get3A_631 = arith.index_cast %mul3A_117 : i32 to index
        %get3A_632 = tpu.vector_load %arg6[%get3A_630, %get3A_631] {strides = array<i32>} : memref<64x256xf32, #tpu.memory_space<vmem>>, vector<1x16xf32>,
        %get3A_633 = vector.shape_cast %get3A_632 : vector<1x16xf32> to vector<16xf32>
        %get3A_634 = arith.constant 43 : i32
        %get3A_635 = arith.index_cast %get3A_634 : i32 to index
        %get3A_636 = arith.index_cast %mul3A_117 : i32 to index
        %get3A_637 = tpu.vector_load %arg7[%get3A_635, %get3A_636] {strides = array<i32>} : memref<64x256xf32, #tpu.memory_space<vmem>>, vector<1x16xf32>,
        %get3A_638 = vector.shape_cast %get3A_637 : vector<1x16xf32> to vector<16xf32>
        %mul3A_639 = arith.mulf %get3A_633, %get3A_638 : vector<16xf32>
        %add3A_640 = arith.addf %add3A_592, %mul3A_639 : vector<16xf32>
        %get3A_641 = arith.constant 44 : i32
        %get3A_642 = arith.index_cast %get3A_641 : i32 to index
        %get3A_643 = arith.index_cast %mul3A_117 : i32 to index
        %get3A_644 = tpu.vector_load %arg6[%get3A_642, %get3A_643] {strides = array<i32>} : memref<64x256xf32, #tpu.memory_space<vmem>>, vector<1x16xf32>,
        %get3A_645 = vector.shape_cast %get3A_644 : vector<1x16xf32> to vector<16xf32>
        %get3A_646 = arith.constant 44 : i32
        %get3A_647 = arith.index_cast %get3A_646 : i32 to index
        %get3A_648 = arith.index_cast %mul3A_117 : i32 to index
        %get3A_649 = tpu.vector_load %arg7[%get3A_647, %get3A_648] {strides = array<i32>} : memref<64x256xf32, #tpu.memory_space<vmem>>, vector<1x16xf32>,
        %get3A_650 = vector.shape_cast %get3A_649 : vector<1x16xf32> to vector<16xf32>
        %mul3A_651 = arith.mulf %get3A_645, %get3A_650 : vector<16xf32>
        %add3A_652 = arith.addf %add3A_604, %mul3A_651 : vector<16xf32>
        %get3A_653 = arith.constant 45 : i32
        %get3A_654 = arith.index_cast %get3A_653 : i32 to index
        %get3A_655 = arith.index_cast %mul3A_117 : i32 to index
        %get3A_656 = tpu.vector_load %arg6[%get3A_654, %get3A_655] {strides = array<i32>} : memref<64x256xf32, #tpu.memory_space<vmem>>, vector<1x16xf32>,
        %get3A_657 = vector.shape_cast %get3A_656 : vector<1x16xf32> to vector<16xf32>
        %get3A_658 = arith.constant 45 : i32
        %get3A_659 = arith.index_cast %get3A_658 : i32 to index
        %get3A_660 = arith.index_cast %mul3A_117 : i32 to index
        %get3A_661 = tpu.vector_load %arg7[%get3A_659, %get3A_660] {strides = array<i32>} : memref<64x256xf32, #tpu.memory_space<vmem>>, vector<1x16xf32>,
        %get3A_662 = vector.shape_cast %get3A_661 : vector<1x16xf32> to vector<16xf32>
        %mul3A_663 = arith.mulf %get3A_657, %get3A_662 : vector<16xf32>
        %add3A_664 = arith.addf %add3A_616, %mul3A_663 : vector<16xf32>
        %get3A_665 = arith.constant 46 : i32
        %get3A_666 = arith.index_cast %get3A_665 : i32 to index
        %get3A_667 = arith.index_cast %mul3A_117 : i32 to index
        %get3A_668 = tpu.vector_load %arg6[%get3A_666, %get3A_667] {strides = array<i32>} : memref<64x256xf32, #tpu.memory_space<vmem>>, vector<1x16xf32>,
        %get3A_669 = vector.shape_cast %get3A_668 : vector<1x16xf32> to vector<16xf32>
        %get3A_670 = arith.constant 46 : i32
        %get3A_671 = arith.index_cast %get3A_670 : i32 to index
        %get3A_672 = arith.index_cast %mul3A_117 : i32 to index
        %get3A_673 = tpu.vector_load %arg7[%get3A_671, %get3A_672] {strides = array<i32>} : memref<64x256xf32, #tpu.memory_space<vmem>>, vector<1x16xf32>,
        %get3A_674 = vector.shape_cast %get3A_673 : vector<1x16xf32> to vector<16xf32>
        %mul3A_675 = arith.mulf %get3A_669, %get3A_674 : vector<16xf32>
        %add3A_676 = arith.addf %add3A_628, %mul3A_675 : vector<16xf32>
        %get3A_677 = arith.constant 47 : i32
        %get3A_678 = arith.index_cast %get3A_677 : i32 to index
        %get3A_679 = arith.index_cast %mul3A_117 : i32 to index
        %get3A_680 = tpu.vector_load %arg6[%get3A_678, %get3A_679] {strides = array<i32>} : memref<64x256xf32, #tpu.memory_space<vmem>>, vector<1x16xf32>,
        %get3A_681 = vector.shape_cast %get3A_680 : vector<1x16xf32> to vector<16xf32>
        %get3A_682 = arith.constant 47 : i32
        %get3A_683 = arith.index_cast %get3A_682 : i32 to index
        %get3A_684 = arith.index_cast %mul3A_117 : i32 to index
        %get3A_685 = tpu.vector_load %arg7[%get3A_683, %get3A_684] {strides = array<i32>} : memref<64x256xf32, #tpu.memory_space<vmem>>, vector<1x16xf32>,
        %get3A_686 = vector.shape_cast %get3A_685 : vector<1x16xf32> to vector<16xf32>
        %mul3A_687 = arith.mulf %get3A_681, %get3A_686 : vector<16xf32>
        %add3A_688 = arith.addf %add3A_640, %mul3A_687 : vector<16xf32>
        %get3A_689 = arith.constant 48 : i32
        %get3A_690 = arith.index_cast %get3A_689 : i32 to index
        %get3A_691 = arith.index_cast %mul3A_117 : i32 to index
        %get3A_692 = tpu.vector_load %arg6[%get3A_690, %get3A_691] {strides = array<i32>} : memref<64x256xf32, #tpu.memory_space<vmem>>, vector<1x16xf32>,
        %get3A_693 = vector.shape_cast %get3A_692 : vector<1x16xf32> to vector<16xf32>
        %get3A_694 = arith.constant 48 : i32
        %get3A_695 = arith.index_cast %get3A_694 : i32 to index
        %get3A_696 = arith.index_cast %mul3A_117 : i32 to index
        %get3A_697 = tpu.vector_load %arg7[%get3A_695, %get3A_696] {strides = array<i32>} : memref<64x256xf32, #tpu.memory_space<vmem>>, vector<1x16xf32>,
        %get3A_698 = vector.shape_cast %get3A_697 : vector<1x16xf32> to vector<16xf32>
        %mul3A_699 = arith.mulf %get3A_693, %get3A_698 : vector<16xf32>
        %add3A_700 = arith.addf %add3A_652, %mul3A_699 : vector<16xf32>
        %get3A_701 = arith.constant 49 : i32
        %get3A_702 = arith.index_cast %get3A_701 : i32 to index
        %get3A_703 = arith.index_cast %mul3A_117 : i32 to index
        %get3A_704 = tpu.vector_load %arg6[%get3A_702, %get3A_703] {strides = array<i32>} : memref<64x256xf32, #tpu.memory_space<vmem>>, vector<1x16xf32>,
        %get3A_705 = vector.shape_cast %get3A_704 : vector<1x16xf32> to vector<16xf32>
        %get3A_706 = arith.constant 49 : i32
        %get3A_707 = arith.index_cast %get3A_706 : i32 to index
        %get3A_708 = arith.index_cast %mul3A_117 : i32 to index
        %get3A_709 = tpu.vector_load %arg7[%get3A_707, %get3A_708] {strides = array<i32>} : memref<64x256xf32, #tpu.memory_space<vmem>>, vector<1x16xf32>,
        %get3A_710 = vector.shape_cast %get3A_709 : vector<1x16xf32> to vector<16xf32>
        %mul3A_711 = arith.mulf %get3A_705, %get3A_710 : vector<16xf32>
        %add3A_712 = arith.addf %add3A_664, %mul3A_711 : vector<16xf32>
        %get3A_713 = arith.constant 50 : i32
        %get3A_714 = arith.index_cast %get3A_713 : i32 to index
        %get3A_715 = arith.index_cast %mul3A_117 : i32 to index
        %get3A_716 = tpu.vector_load %arg6[%get3A_714, %get3A_715] {strides = array<i32>} : memref<64x256xf32, #tpu.memory_space<vmem>>, vector<1x16xf32>,
        %get3A_717 = vector.shape_cast %get3A_716 : vector<1x16xf32> to vector<16xf32>
        %get3A_718 = arith.constant 50 : i32
        %get3A_719 = arith.index_cast %get3A_718 : i32 to index
        %get3A_720 = arith.index_cast %mul3A_117 : i32 to index
        %get3A_721 = tpu.vector_load %arg7[%get3A_719, %get3A_720] {strides = array<i32>} : memref<64x256xf32, #tpu.memory_space<vmem>>, vector<1x16xf32>,
        %get3A_722 = vector.shape_cast %get3A_721 : vector<1x16xf32> to vector<16xf32>
        %mul3A_723 = arith.mulf %get3A_717, %get3A_722 : vector<16xf32>
        %add3A_724 = arith.addf %add3A_676, %mul3A_723 : vector<16xf32>
        %get3A_725 = arith.constant 51 : i32
        %get3A_726 = arith.index_cast %get3A_725 : i32 to index
        %get3A_727 = arith.index_cast %mul3A_117 : i32 to index
        %get3A_728 = tpu.vector_load %arg6[%get3A_726, %get3A_727] {strides = array<i32>} : memref<64x256xf32, #tpu.memory_space<vmem>>, vector<1x16xf32>,
        %get3A_729 = vector.shape_cast %get3A_728 : vector<1x16xf32> to vector<16xf32>
        %get3A_730 = arith.constant 51 : i32
        %get3A_731 = arith.index_cast %get3A_730 : i32 to index
        %get3A_732 = arith.index_cast %mul3A_117 : i32 to index
        %get3A_733 = tpu.vector_load %arg7[%get3A_731, %get3A_732] {strides = array<i32>} : memref<64x256xf32, #tpu.memory_space<vmem>>, vector<1x16xf32>,
        %get3A_734 = vector.shape_cast %get3A_733 : vector<1x16xf32> to vector<16xf32>
        %mul3A_735 = arith.mulf %get3A_729, %get3A_734 : vector<16xf32>
        %add3A_736 = arith.addf %add3A_688, %mul3A_735 : vector<16xf32>
        %get3A_737 = arith.constant 52 : i32
        %get3A_738 = arith.index_cast %get3A_737 : i32 to index
        %get3A_739 = arith.index_cast %mul3A_117 : i32 to index
        %get3A_740 = tpu.vector_load %arg6[%get3A_738, %get3A_739] {strides = array<i32>} : memref<64x256xf32, #tpu.memory_space<vmem>>, vector<1x16xf32>,
        %get3A_741 = vector.shape_cast %get3A_740 : vector<1x16xf32> to vector<16xf32>
        %get3A_742 = arith.constant 52 : i32
        %get3A_743 = arith.index_cast %get3A_742 : i32 to index
        %get3A_744 = arith.index_cast %mul3A_117 : i32 to index
        %get3A_745 = tpu.vector_load %arg7[%get3A_743, %get3A_744] {strides = array<i32>} : memref<64x256xf32, #tpu.memory_space<vmem>>, vector<1x16xf32>,
        %get3A_746 = vector.shape_cast %get3A_745 : vector<1x16xf32> to vector<16xf32>
        %mul3A_747 = arith.mulf %get3A_741, %get3A_746 : vector<16xf32>
        %add3A_748 = arith.addf %add3A_700, %mul3A_747 : vector<16xf32>
        %get3A_749 = arith.constant 53 : i32
        %get3A_750 = arith.index_cast %get3A_749 : i32 to index
        %get3A_751 = arith.index_cast %mul3A_117 : i32 to index
        %get3A_752 = tpu.vector_load %arg6[%get3A_750, %get3A_751] {strides = array<i32>} : memref<64x256xf32, #tpu.memory_space<vmem>>, vector<1x16xf32>,
        %get3A_753 = vector.shape_cast %get3A_752 : vector<1x16xf32> to vector<16xf32>
        %get3A_754 = arith.constant 53 : i32
        %get3A_755 = arith.index_cast %get3A_754 : i32 to index
        %get3A_756 = arith.index_cast %mul3A_117 : i32 to index
        %get3A_757 = tpu.vector_load %arg7[%get3A_755, %get3A_756] {strides = array<i32>} : memref<64x256xf32, #tpu.memory_space<vmem>>, vector<1x16xf32>,
        %get3A_758 = vector.shape_cast %get3A_757 : vector<1x16xf32> to vector<16xf32>
        %mul3A_759 = arith.mulf %get3A_753, %get3A_758 : vector<16xf32>
        %add3A_760 = arith.addf %add3A_712, %mul3A_759 : vector<16xf32>
        %get3A_761 = arith.constant 54 : i32
        %get3A_762 = arith.index_cast %get3A_761 : i32 to index
        %get3A_763 = arith.index_cast %mul3A_117 : i32 to index
        %get3A_764 = tpu.vector_load %arg6[%get3A_762, %get3A_763] {strides = array<i32>} : memref<64x256xf32, #tpu.memory_space<vmem>>, vector<1x16xf32>,
        %get3A_765 = vector.shape_cast %get3A_764 : vector<1x16xf32> to vector<16xf32>
        %get3A_766 = arith.constant 54 : i32
        %get3A_767 = arith.index_cast %get3A_766 : i32 to index
        %get3A_768 = arith.index_cast %mul3A_117 : i32 to index
        %get3A_769 = tpu.vector_load %arg7[%get3A_767, %get3A_768] {strides = array<i32>} : memref<64x256xf32, #tpu.memory_space<vmem>>, vector<1x16xf32>,
        %get3A_770 = vector.shape_cast %get3A_769 : vector<1x16xf32> to vector<16xf32>
        %mul3A_771 = arith.mulf %get3A_765, %get3A_770 : vector<16xf32>
        %add3A_772 = arith.addf %add3A_724, %mul3A_771 : vector<16xf32>
        %get3A_773 = arith.constant 55 : i32
        %get3A_774 = arith.index_cast %get3A_773 : i32 to index
        %get3A_775 = arith.index_cast %mul3A_117 : i32 to index
        %get3A_776 = tpu.vector_load %arg6[%get3A_774, %get3A_775] {strides = array<i32>} : memref<64x256xf32, #tpu.memory_space<vmem>>, vector<1x16xf32>,
        %get3A_777 = vector.shape_cast %get3A_776 : vector<1x16xf32> to vector<16xf32>
        %get3A_778 = arith.constant 55 : i32
        %get3A_779 = arith.index_cast %get3A_778 : i32 to index
        %get3A_780 = arith.index_cast %mul3A_117 : i32 to index
        %get3A_781 = tpu.vector_load %arg7[%get3A_779, %get3A_780] {strides = array<i32>} : memref<64x256xf32, #tpu.memory_space<vmem>>, vector<1x16xf32>,
        %get3A_782 = vector.shape_cast %get3A_781 : vector<1x16xf32> to vector<16xf32>
        %mul3A_783 = arith.mulf %get3A_777, %get3A_782 : vector<16xf32>
        %add3A_784 = arith.addf %add3A_736, %mul3A_783 : vector<16xf32>
        %get3A_785 = arith.constant 56 : i32
        %get3A_786 = arith.index_cast %get3A_785 : i32 to index
        %get3A_787 = arith.index_cast %mul3A_117 : i32 to index
        %get3A_788 = tpu.vector_load %arg6[%get3A_786, %get3A_787] {strides = array<i32>} : memref<64x256xf32, #tpu.memory_space<vmem>>, vector<1x16xf32>,
        %get3A_789 = vector.shape_cast %get3A_788 : vector<1x16xf32> to vector<16xf32>
        %get3A_790 = arith.constant 56 : i32
        %get3A_791 = arith.index_cast %get3A_790 : i32 to index
        %get3A_792 = arith.index_cast %mul3A_117 : i32 to index
        %get3A_793 = tpu.vector_load %arg7[%get3A_791, %get3A_792] {strides = array<i32>} : memref<64x256xf32, #tpu.memory_space<vmem>>, vector<1x16xf32>,
        %get3A_794 = vector.shape_cast %get3A_793 : vector<1x16xf32> to vector<16xf32>
        %mul3A_795 = arith.mulf %get3A_789, %get3A_794 : vector<16xf32>
        %add3A_796 = arith.addf %add3A_748, %mul3A_795 : vector<16xf32>
        %get3A_797 = arith.constant 57 : i32
        %get3A_798 = arith.index_cast %get3A_797 : i32 to index
        %get3A_799 = arith.index_cast %mul3A_117 : i32 to index
        %get3A_800 = tpu.vector_load %arg6[%get3A_798, %get3A_799] {strides = array<i32>} : memref<64x256xf32, #tpu.memory_space<vmem>>, vector<1x16xf32>,
        %get3A_801 = vector.shape_cast %get3A_800 : vector<1x16xf32> to vector<16xf32>
        %get3A_802 = arith.constant 57 : i32
        %get3A_803 = arith.index_cast %get3A_802 : i32 to index
        %get3A_804 = arith.index_cast %mul3A_117 : i32 to index
        %get3A_805 = tpu.vector_load %arg7[%get3A_803, %get3A_804] {strides = array<i32>} : memref<64x256xf32, #tpu.memory_space<vmem>>, vector<1x16xf32>,
        %get3A_806 = vector.shape_cast %get3A_805 : vector<1x16xf32> to vector<16xf32>
        %mul3A_807 = arith.mulf %get3A_801, %get3A_806 : vector<16xf32>
        %add3A_808 = arith.addf %add3A_760, %mul3A_807 : vector<16xf32>
        %get3A_809 = arith.constant 58 : i32
        %get3A_810 = arith.index_cast %get3A_809 : i32 to index
        %get3A_811 = arith.index_cast %mul3A_117 : i32 to index
        %get3A_812 = tpu.vector_load %arg6[%get3A_810, %get3A_811] {strides = array<i32>} : memref<64x256xf32, #tpu.memory_space<vmem>>, vector<1x16xf32>,
        %get3A_813 = vector.shape_cast %get3A_812 : vector<1x16xf32> to vector<16xf32>
        %get3A_814 = arith.constant 58 : i32
        %get3A_815 = arith.index_cast %get3A_814 : i32 to index
        %get3A_816 = arith.index_cast %mul3A_117 : i32 to index
        %get3A_817 = tpu.vector_load %arg7[%get3A_815, %get3A_816] {strides = array<i32>} : memref<64x256xf32, #tpu.memory_space<vmem>>, vector<1x16xf32>,
        %get3A_818 = vector.shape_cast %get3A_817 : vector<1x16xf32> to vector<16xf32>
        %mul3A_819 = arith.mulf %get3A_813, %get3A_818 : vector<16xf32>
        %add3A_820 = arith.addf %add3A_772, %mul3A_819 : vector<16xf32>
        %get3A_821 = arith.constant 59 : i32
        %get3A_822 = arith.index_cast %get3A_821 : i32 to index
        %get3A_823 = arith.index_cast %mul3A_117 : i32 to index
        %get3A_824 = tpu.vector_load %arg6[%get3A_822, %get3A_823] {strides = array<i32>} : memref<64x256xf32, #tpu.memory_space<vmem>>, vector<1x16xf32>,
        %get3A_825 = vector.shape_cast %get3A_824 : vector<1x16xf32> to vector<16xf32>
        %get3A_826 = arith.constant 59 : i32
        %get3A_827 = arith.index_cast %get3A_826 : i32 to index
        %get3A_828 = arith.index_cast %mul3A_117 : i32 to index
        %get3A_829 = tpu.vector_load %arg7[%get3A_827, %get3A_828] {strides = array<i32>} : memref<64x256xf32, #tpu.memory_space<vmem>>, vector<1x16xf32>,
        %get3A_830 = vector.shape_cast %get3A_829 : vector<1x16xf32> to vector<16xf32>
        %mul3A_831 = arith.mulf %get3A_825, %get3A_830 : vector<16xf32>
        %add3A_832 = arith.addf %add3A_784, %mul3A_831 : vector<16xf32>
        %get3A_833 = arith.constant 60 : i32
        %get3A_834 = arith.index_cast %get3A_833 : i32 to index
        %get3A_835 = arith.index_cast %mul3A_117 : i32 to index
        %get3A_836 = tpu.vector_load %arg6[%get3A_834, %get3A_835] {strides = array<i32>} : memref<64x256xf32, #tpu.memory_space<vmem>>, vector<1x16xf32>,
        %get3A_837 = vector.shape_cast %get3A_836 : vector<1x16xf32> to vector<16xf32>
        %get3A_838 = arith.constant 60 : i32
        %get3A_839 = arith.index_cast %get3A_838 : i32 to index
        %get3A_840 = arith.index_cast %mul3A_117 : i32 to index
        %get3A_841 = tpu.vector_load %arg7[%get3A_839, %get3A_840] {strides = array<i32>} : memref<64x256xf32, #tpu.memory_space<vmem>>, vector<1x16xf32>,
        %get3A_842 = vector.shape_cast %get3A_841 : vector<1x16xf32> to vector<16xf32>
        %mul3A_843 = arith.mulf %get3A_837, %get3A_842 : vector<16xf32>
        %add3A_844 = arith.addf %add3A_796, %mul3A_843 : vector<16xf32>
        %get3A_845 = arith.constant 61 : i32
        %get3A_846 = arith.index_cast %get3A_845 : i32 to index
        %get3A_847 = arith.index_cast %mul3A_117 : i32 to index
        %get3A_848 = tpu.vector_load %arg6[%get3A_846, %get3A_847] {strides = array<i32>} : memref<64x256xf32, #tpu.memory_space<vmem>>, vector<1x16xf32>,
        %get3A_849 = vector.shape_cast %get3A_848 : vector<1x16xf32> to vector<16xf32>
        %get3A_850 = arith.constant 61 : i32
        %get3A_851 = arith.index_cast %get3A_850 : i32 to index
        %get3A_852 = arith.index_cast %mul3A_117 : i32 to index
        %get3A_853 = tpu.vector_load %arg7[%get3A_851, %get3A_852] {strides = array<i32>} : memref<64x256xf32, #tpu.memory_space<vmem>>, vector<1x16xf32>,
        %get3A_854 = vector.shape_cast %get3A_853 : vector<1x16xf32> to vector<16xf32>
        %mul3A_855 = arith.mulf %get3A_849, %get3A_854 : vector<16xf32>
        %add3A_856 = arith.addf %add3A_808, %mul3A_855 : vector<16xf32>
        %get3A_857 = arith.constant 62 : i32
        %get3A_858 = arith.index_cast %get3A_857 : i32 to index
        %get3A_859 = arith.index_cast %mul3A_117 : i32 to index
        %get3A_860 = tpu.vector_load %arg6[%get3A_858, %get3A_859] {strides = array<i32>} : memref<64x256xf32, #tpu.memory_space<vmem>>, vector<1x16xf32>,
        %get3A_861 = vector.shape_cast %get3A_860 : vector<1x16xf32> to vector<16xf32>
        %get3A_862 = arith.constant 62 : i32
        %get3A_863 = arith.index_cast %get3A_862 : i32 to index
        %get3A_864 = arith.index_cast %mul3A_117 : i32 to index
        %get3A_865 = tpu.vector_load %arg7[%get3A_863, %get3A_864] {strides = array<i32>} : memref<64x256xf32, #tpu.memory_space<vmem>>, vector<1x16xf32>,
        %get3A_866 = vector.shape_cast %get3A_865 : vector<1x16xf32> to vector<16xf32>
        %mul3A_867 = arith.mulf %get3A_861, %get3A_866 : vector<16xf32>
        %add3A_868 = arith.addf %add3A_820, %mul3A_867 : vector<16xf32>
        %get3A_869 = arith.constant 63 : i32
        %get3A_870 = arith.index_cast %get3A_869 : i32 to index
        %get3A_871 = arith.index_cast %mul3A_117 : i32 to index
        %get3A_872 = tpu.vector_load %arg6[%get3A_870, %get3A_871] {strides = array<i32>} : memref<64x256xf32, #tpu.memory_space<vmem>>, vector<1x16xf32>,
        %get3A_873 = vector.shape_cast %get3A_872 : vector<1x16xf32> to vector<16xf32>
        %get3A_874 = arith.constant 63 : i32
        %get3A_875 = arith.index_cast %get3A_874 : i32 to index
        %get3A_876 = arith.index_cast %mul3A_117 : i32 to index
        %get3A_877 = tpu.vector_load %arg7[%get3A_875, %get3A_876] {strides = array<i32>} : memref<64x256xf32, #tpu.memory_space<vmem>>, vector<1x16xf32>,
        %get3A_878 = vector.shape_cast %get3A_877 : vector<1x16xf32> to vector<16xf32>
        %mul3A_879 = arith.mulf %get3A_873, %get3A_878 : vector<16xf32>
        %add3A_880 = arith.addf %add3A_832, %mul3A_879 : vector<16xf32>
        %add3A_881 = arith.addf %add3A_844, %add3A_856 : vector<16xf32>
        %add3A_882 = arith.addf %add3A_868, %add3A_880 : vector<16xf32>
        %add3A_883 = arith.addf %add3A_881, %add3A_882 : vector<16xf32>
        %swap3A = arith.index_cast %mul3A_117 : i32 to index
        %swap3A_884 = tpu.vector_load %arg9[%swap3A] {strides = array<i32>} : memref<256xf32, #tpu.memory_space<vmem>>, vector<16xf32>,
        %swap3A_885 = vector.shape_cast %swap3A_884 : vector<16xf32> to vector<16xf32>
        %swap3A_886 = vector.shape_cast %add3A_883 : vector<16xf32> to vector<16xf32>
        tpu.vector_store %arg9[%swap3A], %swap3A_886 {strides = array<i32>} : memref<256xf32, #tpu.memory_space<vmem>>, vector<16xf32>,
      }
      %scan3A_107 = arith.constant 16 : i32
      %add3A_108 = arith.constant 1 : i32
      %add3A_109 = arith.addi %mul3A_32, %add3A_108 : i32
      %mul3A_110 = arith.constant 256 : i32
      %mul3A_111 = arith.muli %add3A_109, %mul3A_110 : i32
      %add3A_112 = arith.addi %mul3A_6, %mul3A_111 : i32
      %dma_start3A_113 = tpu.memref_slice %arg3[%add3A_112] : memref<212992xf32, #tpu.memory_space<hbm>> -> memref<256xf32, #tpu.memory_space<hbm>>
      %dma_start3A_114 = tpu.memref_slice %arg3[%add3A_112] : memref<212992xf32, #tpu.memory_space<hbm>> -> memref<256xf32, #tpu.memory_space<hbm>>
      tpu.enqueue_dma source(%arg9 : memref<256xf32, #tpu.memory_space<vmem>>) target(%dma_start3A_114 : memref<256xf32, #tpu.memory_space<hbm>>) target_semaphore(%arg13 : memref<!tpu.dma_semaphore, #tpu.memory_space<semaphore_mem>>)
    }
    %scan3A_26 = arith.constant 13 : i32
    %dma_wait3A = tpu.memref_slice %arg3[%mul3A_6] : memref<212992xf32, #tpu.memory_space<hbm>> -> memref<256xf32, #tpu.memory_space<hbm>>
    %dma_wait3A_27 = tpu.memref_slice %arg3[%mul3A_6] : memref<212992xf32, #tpu.memory_space<hbm>> -> memref<256xf32, #tpu.memory_space<hbm>>
    tpu.wait_dma2 semaphore(%arg12 : memref<!tpu.dma_semaphore, #tpu.memory_space<semaphore_mem>>) src(%arg8 : memref<256xf32, #tpu.memory_space<vmem>>) dst(%dma_wait3A_27 : memref<256xf32, #tpu.memory_space<hbm>>)
    %dma_wait3A_28 = tpu.memref_slice %arg3[%mul3A_6] : memref<212992xf32, #tpu.memory_space<hbm>> -> memref<256xf32, #tpu.memory_space<hbm>>
    %dma_wait3A_29 = tpu.memref_slice %arg3[%mul3A_6] : memref<212992xf32, #tpu.memory_space<hbm>> -> memref<256xf32, #tpu.memory_space<hbm>>
    tpu.wait_dma2 semaphore(%arg13 : memref<!tpu.dma_semaphore, #tpu.memory_space<semaphore_mem>>) src(%arg9 : memref<256xf32, #tpu.memory_space<vmem>>) dst(%dma_wait3A_29 : memref<256xf32, #tpu.memory_space<hbm>>)
    return
  }
}

module attributes {stable_mosaic.version = 14 : i64} {
  func.func @_dot_rows_kernel(%arg0: i32, %arg1: memref<2x64x16384xf32, #tpu.memory_space<vmem>>, %arg2: memref<16384xf32, #tpu.memory_space<vmem>>) attributes {dimension_semantics = [#tpu.dimension_semantics<parallel>], iteration_bounds = array<i64: 36>, scalar_prefetch = 0 : i64, scratch_operands = 0 : i64, tpu.core_type = #tpu.core_type<tc>, window_params = [{transform_indices = @transform_0, window_bounds = array<i64: 2, 64, 16384>}, {transform_indices = @transform_1, window_bounds = array<i64: 16384>}]} {
    %get3A = arith.constant 0 : index
    %get3A_0 = arith.constant 0 : index
    %get3A_1 = arith.constant 0 : index
    %get3A_2 = vector.load %arg1[%get3A, %get3A_0, %get3A_1] : memref<2x64x16384xf32, #tpu.memory_space<vmem>>, vector<1x64x16384xf32>
    %get3A_3 = vector.shape_cast %get3A_2 : vector<1x64x16384xf32> to vector<64x16384xf32>
    %get3A_4 = arith.constant 1 : index
    %get3A_5 = arith.constant 0 : index
    %get3A_6 = arith.constant 0 : index
    %get3A_7 = vector.load %arg1[%get3A_4, %get3A_5, %get3A_6] : memref<2x64x16384xf32, #tpu.memory_space<vmem>>, vector<1x64x16384xf32>
    %get3A_8 = vector.shape_cast %get3A_7 : vector<1x64x16384xf32> to vector<64x16384xf32>
    %mul3A = arith.mulf %get3A_3, %get3A_8 : vector<64x16384xf32>
    %reduce_sum3A = arith.constant dense<0.000000e+00> : vector<16384xf32>
    %reduce_sum3A_9 = vector.multi_reduction <add>, %mul3A, %reduce_sum3A [0] : vector<64x16384xf32> to vector<16384xf32>
    %swap3A = arith.constant 0 : index
    %swap3A_10 = vector.load %arg2[%swap3A] : memref<16384xf32, #tpu.memory_space<vmem>>, vector<16384xf32>
    tpu.vector_store %arg2[%swap3A], %reduce_sum3A_9 {strides = array<i32>} : memref<16384xf32, #tpu.memory_space<vmem>>, vector<16384xf32>,
    return
  }
  func.func @transform_0(%arg0: i32) -> (i32, i32, i32) {
    %c0_i32 = arith.constant 0 : i32
    %c0_i32_0 = arith.constant 0 : i32
    %c0_i32_1 = arith.constant 0 : i32
    return %c0_i32, %c0_i32_0, %arg0 : i32, i32, i32
  }
  func.func @transform_1(%arg0: i32) -> i32 {
    %c0_i32 = arith.constant 0 : i32
    return %arg0 : i32
  }
}

</mosaic_0001>

<sc_bundles>
// kernel: kernel.4.cloned.1.call-start
scs
__scs_entry_jumppad:
0x0: {  	(pc) =	sbr.rel $0x88, $3  }
0x1: {  	(tag) =	ssettag $0x0;
	lr =	simm.s32 $0x1  }
0x2: {  	[smem:$0x3FA0] =	sst lr;
	_ =	strace $0xD0000000  }
0x3: {  	_ = 	snop  }
0x4: {  	_ = 	snop  }
0x5: {  	_ = 	snop  }
0x6: {  	_ = 	snop  }
0x7: {  	_ = 	snop  }
__scs_overlays_trampoline_lowered:
0x8: {  	[smem:$0x3FAF] =	sst s0  }
0x9: {  	[smem:$0x3FB0] =	sst s1  }
0xa: {  	[smem:$0x3FB1] =	sst s2  }
0xb: {  	[smem:$0x3FB2] =	sst s3  }
0xc: {  	[smem:$0x3FB3] =	sst s4  }
0xd: {  	[smem:$0x3FB4] =	sst s5  }
0xe: {  	[smem:$0x3FB5] =	sst s6  }
0xf: {  	[smem:$0x3FB6] =	sst s7  }
0x10: {  	[smem:$0x3FB7] =	sst s8  }
0x11: {  	[smem:$0x3FB8] =	sst s9;
	s0 =	simm.s32 @!p0 $0x0  }
0x12: {  	s1 =	sld [smem:$0x3F9E];
	s0 =	simm.s32 @p0 $0x1  }
0x13: {  	[smem:$0x3FB9] =	sst s0;
	s0 =	simm.s32 @!p1 $0x0  }
0x14: {  	s2 =	sld [smem:$0x3F9D];
	s0 =	simm.s32 @p1 $0x1  }
0x15: {  	[smem:$0x3FBA] =	sst s0;
	s0 =	simm.s32 @!p2 $0x0  }
0x16: {  	s3 =	sld [smem:$0x3FDB];
	s0 =	simm.s32 @p2 $0x1  }
0x17: {  	s4 =	simm.s32 $0x1BF5;
	[smem:$0x3FBC] =	sst s0  }
0x18: {  	s0 =	sld [smem:$0x3F9F];
	_ =	swait.ge [sflag:s4], $0x0  }
0x19: {  	s7 =	sld [smem:$0x3FA0]  }
0x1a: {  	s8 =	sadd.s32 $0xFFFFE003, lr  }
0x1b: {  	s9 =	sadd.s32 $0xFFFFFEF7, lr;
	s5 =	simm.s32 $0xFFFFFFFF;
	p2 =	slt.u32 s8, $0xFFFFF086  }
0x1c: {  	p1 =	slt.u32 s9, $0xF7A;
	s5 =	simm.s32 @!p2 $0x0  }
0x1d: {  	s5 =	simm.s32 @p1 $0x1;
	p0 =	seq.s32 s7, s2  }
0x1e: {  	s7 =	smul.u32 @!p0 $0xF7A, s2;
	p2 =	seq.s32 @!p0 s5, $0x0  }
0x1f: {  	s9 =	smul.u32 $0xF7A, s1;
	s8 =	simm.s32 @!p0 $0x1BF5;
	p2 =	por !p2, p0  }
0x20: {  	[sflag:s8] =	ssyncset.s32 @!p0 $0xFFFFF086;
	s6 =	sadd.s32 @!p0 s3, s7;
	s7 =	simm.s32 @!p0 $0x108  }
0x21: {  	s3 =	sadd.s32 s3, s9;
	s6 =	sadd.s32 @!p0 $0x88, s6;
	s7 =	simm.s32 @p2 $0x1082  }
0x22: {  	[simem:s7], [sflag:s8] =	dma.local @!p0 [hbm:s6], $0xF7A  }
0x23: {  	s9 =	sor.u32 $0xD0000000, s2;
	s6 =	simm.s32 $0x108;
	_ =	swait.ge @!p0 [sflag:s8], $0x0  }
0x24: {  	s3 =	sadd.s32 $0x88, s3;
	s6 =	simm.s32 @!p1 $0x1082;
	[sflag:s4] =	ssyncset.s32 $0xFFFFF086  }
0x25: {  	[simem:s6], [sflag:s4] =	dma.local [hbm:s3], $0xF7A  }
0x26: {  	[smem:$0x3FA0] =	sst s1;
	(tag) =	ssettag s2;
	_ =	strace s9  }
0x27: {  	s1 =	sld [smem:$0x3FB0]  }
0x28: {  	s2 =	sld [smem:$0x3FB1]  }
0x29: {  	s4 =	sld [smem:$0x3FB3]  }
0x2a: {  	p0 =	seq.s32 s5, $0x0;
	s5 =	sld [smem:$0x3FB4]  }
0x2b: {  	s6 =	sld [smem:$0x3FB5]  }
0x2c: {  	s7 =	sld [smem:$0x3FB6]  }
0x2d: {  	s3 =	simm.s32 $0x108;
	s8 =	sld [smem:$0x3FB7]  }
0x2e: {  	s3 =	simm.s32 @!p0 $0x1082;
	s9 =	sld [smem:$0x3FB8]  }
0x2f: {  	lr =	sadd.s32 s0, s3;
	s0 =	sld [smem:$0x3FAF]  }
0x30: {  	s3 =	sld [smem:$0x3FB2]  }
0x31: {  	[smem:$0x3FBB] =	sst s10  }
0x32: {  	s10 =	sld [smem:$0x3FB9];
	_ =	sdelay $0x3  }
0x33: {  	p0 =	seq.s32 s10, $0x1;
	s10 =	sld [smem:$0x3FBB];
	_ =	sdelay $0x3  }
0x34: {  	[smem:$0x3FBB] =	sst s10  }
0x35: {  	s10 =	sld [smem:$0x3FBA];
	_ =	sdelay $0x3  }
0x36: {  	p1 =	seq.s32 s10, $0x1;
	s10 =	sld [smem:$0x3FBB];
	_ =	sdelay $0x3  }
0x37: {  	[smem:$0x3FBB] =	sst s10  }
0x38: {  	s10 =	sld [smem:$0x3FBC]  }
0x39: {  	_ = 	snop;
	(pc) =	sbr.ind lr, $3  }
0x3a: {  	_ = 	snop  }
0x3b: {  	_ = 	snop  }
0x3c: {  	p2 =	seq.s32 s10, $0x1;
	s10 =	sld [smem:$0x3FBB]  }
0x3d: {  	_ =	shalt  }
0x3e: {  	_ =	shalt  }
0x3f: {  	_ =	shalt  }
0x40: {  	_ =	shalt  }
0x41: {  	_ =	shalt  }
0x42: {  	_ =	shalt  }
0x43: {  	_ =	shalt  }
0x44: {  	_ =	shalt  }
0x45: {  	_ =	shalt  }
0x46: {  	_ =	shalt  }
0x47: {  	_ =	shalt  }
0x48: {  	_ =	shalt  }
0x49: {  	_ =	shalt  }
0x4a: {  	_ =	shalt  }
0x4b: {  	_ =	shalt  }
0x4c: {  	_ =	shalt  }
0x4d: {  	_ =	shalt  }
0x4e: {  	_ =	shalt  }
0x4f: {  	_ =	shalt  }
0x50: {  	_ =	shalt  }
0x51: {  	_ =	shalt  }
0x52: {  	_ =	shalt  }
0x53: {  	_ =	shalt  }
0x54: {  	_ =	shalt  }
0x55: {  	_ =	shalt  }
0x56: {  	_ =	shalt  }
0x57: {  	_ =	shalt  }
0x58: {  	_ =	shalt  }
0x59: {  	_ =	shalt  }
0x5a: {  	_ =	shalt  }
0x5b: {  	_ =	shalt  }
0x5c: {  	_ =	shalt  }
0x5d: {  	_ =	shalt  }
0x5e: {  	_ =	shalt  }
0x5f: {  	_ =	shalt  }
0x60: {  	_ =	shalt  }
0x61: {  	_ =	shalt  }
0x62: {  	_ =	shalt  }
0x63: {  	_ =	shalt  }
0x64: {  	_ =	shalt  }
0x65: {  	_ =	shalt  }
0x66: {  	_ =	shalt  }
0x67: {  	_ =	shalt  }
0x68: {  	_ =	shalt  }
0x69: {  	_ =	shalt  }
0x6a: {  	_ =	shalt  }
0x6b: {  	_ =	shalt  }
0x6c: {  	_ =	shalt  }
0x6d: {  	_ =	shalt  }
0x6e: {  	_ =	shalt  }
0x6f: {  	_ =	shalt  }
0x70: {  	_ =	shalt  }
0x71: {  	_ =	shalt  }
0x72: {  	_ =	shalt  }
0x73: {  	_ =	shalt  }
0x74: {  	_ =	shalt  }
0x75: {  	_ =	shalt  }
0x76: {  	_ =	shalt  }
0x77: {  	_ =	shalt  }
0x78: {  	_ =	shalt  }
0x79: {  	_ =	shalt  }
0x7a: {  	_ =	shalt  }
0x7b: {  	_ =	shalt  }
0x7c: {  	_ =	shalt  }
0x7d: {  	_ =	shalt  }
0x7e: {  	_ =	shalt  }
0x7f: {  	_ =	shalt  }
0x80: {  	_ =	shalt  }
0x81: {  	_ =	shalt  }
0x82: {  	_ =	shalt  }
0x83: {  	_ =	shalt  }
0x84: {  	_ =	shalt  }
0x85: {  	_ =	shalt  }
0x86: {  	_ =	shalt  }
0x87: {  	_ =	shalt  }
.Lfunc_end0:
.L_simem_size_0:
called_computation_lowered:
.L_overlay_start_0:
0x88: {  	s2 =	sld [smem:$0x3FD9]  }
0x89: {  	s3 =	sld [smem:$0x3FFE];
	_ =	sdelay $0x1  }
0x8a: {  	s1 =	srdreg.scid  }
0x8b: {  	s0 =	sand.u32 $0x1, s1  }
0x8c: {  	s17 =	sshll.u32 s0, $0xA;
	s2 =	sadd.s32 s3, s2  }
0x8d: {  	s2 =	sadd.s32 s2, s17  }
0x8e: {  	[smem:$0x3FC7] =	sst s2  }
0x8f: {  	_ = 	snop  }
0x90: {  	s2 =	sld [smem:$0x3FC9];
	(tm) =	ssettm $0x1  }
0x91: {  	s18 =	sld [smem:$0x3FFB];
	_ =	sdelay $0x3  }
0x92: {  	_ =	strace s18  }
0x93: {  	s3 =	sld [smem:$0x3FFC];
	_ =	sdelay $0x3  }
0x94: {  	_ =	strace s3  }
0x95: {  	s3 =	sld [smem:$0x3FFD];
	_ =	sdelay $0x3  }
0x96: {  	_ =	strace s3  }
0x97: {  	_ =	strace $0x8FFFFFFF  }
0x98: {  	s19 =	sld [smem:$0x3FDB];
	_ =	sdelay $0x1  }
0x99: {  	s4 =	simm.s32 $_scs_section_size  }
0x9a: {  	s5 =	simm.s32 $_size__tile_overlayer_lowered;
	s6 =	simm.s32 $_tile_overlayer_lowered  }
0x9b: {  	s22 =	simm.s32 $0x1BFF;
	s21 =	sshll.u32 s6, $0x1;
	s3 =	sadd.s32 s4, s19  }
0x9c: {  	s7 =	simm.s32 $0x0;
	s20 =	sshll.u32 s5, $0x1;
	s5 =	sadd.s32 s21, s3  }
0x9d: {  	[timem:s7], [sflag:s22] =	dma.local [hbm:s5], s20  }
0x9e: {  	_ =	swait.ge [sflag:s22], s20  }
0x9f: {  	s4 =	ssub.s32 $0x0, s20;
	[sflag:s22] =	ssyncset.done $0x0  }
0xa0: {  	[sflag:s22] =	ssyncadd.s32 s4;
	_ =	sdelay $0x1  }
0xa1: {  	s23 =	simm.s32 $0x1B8B  }
0xa2: {  	_ =	swait.ge [sflag:s23], $0x1  }
0xa3: {  	[sflag:s23] =	ssyncset.done $0x0  }
0xa4: {  	s25 =	simm.s32 $0x1B8E;
	s24 =	sld [smem:$0x3FFE];
	[sflag:s23] =	ssyncadd.s32 $0xFFFFFFFF  }
0xa5: {  	s26 =	simm.s32 $execute0_lowered;
	[smem:$0x3FD2] =	sst s25  }
0xa6: {  	s5 =	sshll.u32 s26, $0x1;
	_ =	strace $0x80000046;
	[dreg:$0x1] =	wrdreg $0xFFFFFFFF  }
0xa7: {  	s28 =	simm.s32 $_size_execute0_lowered;
	s3 =	sadd.s32 s3, s5;
	[dreg:$0x0] =	wrdreg $0x0  }
0xa8: {  	s5 =	sshll.u32 s28, $0x1;
	[dreg:$0x2] =	wrdreg s3  }
0xa9: {  	[dreg:$0x3] =	wrdreg s5  }
0xaa: {  	[dreg:$0x4] =	wrdreg $0xC0  }
0xab: {  	_ =	task [dreg:s7], $0x5FFFF  }
0xac: {  	[dreg:$0x1] =	wrdreg $0xFFFFFFFF  }
0xad: {  	[dreg:$0x0] =	wrdreg $0x60  }
0xae: {  	[dreg:$0x2] =	wrdreg s2  }
0xaf: {  	[dreg:$0x3] =	wrdreg s24  }
0xb0: {  	[dreg:$0x4] =	wrdreg $0x9  }
0xb1: {  	_ =	task.clear_ibuf [dreg:s7], $0x5FFFF;
	_ =	strace $0x90000046  }
0xb2: {  	s29 =	simm.s32 $0x9;
	_ =	strace $0x80000048  }
0xb3: {  	_ =	swait.ge [sflag:s29], $0x1  }
0xb4: {  	[sflag:s29] =	ssyncadd.s32 $0xFFFFFFFF  }
0xb5: {  	_ =	strace $0x90000048  }
0xb6: {  	_ =	sfence  }
0xb7: {  	s30 =	sld [smem:$0x0];
	_ =	sdelay $0x2  }
0xb8: {  	s31 =	sshll.u32 s1, $0xD;
	s1 =	sshrl.u32 s1, $0x2  }
0xb9: {  	s3 =	sand.u32 $0x4000, s31;
	s1 =	sadd.s32 s1, s30  }
0xba: {  	s0 =	sor.u32 s3, s0;
	s1 =	sshll.u32 s1, $0x11  }
0xbb: {  	s0 =	sor.u32 s1, s0  }
0xbc: {  	s0 =	sadd.s32 $0x8F2B, s0  }
0xbd: {  	[sflag:s0] =	ssyncadd.remote.s32 $0x1  }
0xbe: {  	_ =	sfence.sel $0xFFFF  }
0xbf: {  	[dreg:$0x0] =	wrdreg $0xFFFFFFFF;
	(pc) =	sbr.abs _section_cstart, $3  }
0xc0: {  	[dreg:$0x1] =	wrdreg $0xFFFFFFFF  }
0xc1: {  	_ =	task.clear_ibuf [dreg:s7], $0x2FFFF;
	_ =	strace $0x9FFFFFFF  }
0xc2: {  	(tm) =	ssettm $0x7FFFFFFF  }
0xc3: {  	_ =	shalt  }
tec
execute0_lowered:
.L_overlay_start_1:
0x0: {  	(tag) =	ssettag $0x1  }
0x1: {  	s2 =	rddreg [dreg:$0x0]  }
0x2: {  	s0 =	srdreg.scid;
	s3 =	stileid.u32  }
0x3: {  	s1 =	rddreg [dreg:$0x1];
	s12 =	simm.s32 $0x800;
	s13 =	simm.s32 $0x61A800  }
0x4: {  	s15 =	simm.s32 $0x8000;
	s16 =	simm.s32 $0xC000;
	s17 =	simm.s32 $0x1  }
0x5: {  	s18 =	simm.s32 $0x10000;
	s19 =	simm.s32 $0x2;
	s20 =	simm.s32 $0x10100  }
0x6: {  	s21 =	simm.s32 $0x3;
	s22 =	simm.s32 $0x4;
	s23 =	simm.s32 $0x0  }
0x7: {  	s0 =	sand.u32 $0x1, s0;
	s4 =	sshll.u32 s3, $0x1;
	s3 =	simm.s32 $0x0  }
0x8: {  	s5 =	sadd.s32 $0x400, s1;
	s4 =	sor.u32 s0, s4;
	s0 =	ssub.s32 $0x2, s0  }
0x9: {  	[smem:$0x7FF] =	sst s3;
	s4 =	smul.u32 $0x1A00, s4;
	s31 =	sshrl.u32 s0, $0x1  }
0xa: {  	s9 =	sadd.s32 $0x61A800, s2;
	_ =	strace $0x80000047;
	s0 =	ssub.s32 s0, s31  }
0xb: {  	s6 =	sadd.s32 $0x8F500, s4;
	s8 =	sadd.s32 s4, s2;
	s10 =	sadd.s32 $0x8F700, s4  }
0xc: {  	s11 =	smax.u32 s0, $0x1;
	s7 =	sadd.s32 s2, s6;
	s8 =	sadd.s32 $0x6A9D00, s8  }
.LBB2_1:
0xd: {  	[tilespmem:s3], [sflag:$0x1] =	stream.strided.gather [hbm4b:s7+s12], $0x4000, s13, s12, $0x38;
	[tilespmem:$0x10200] =	vst v63  }
0xe: {  	s0 =	simm.s32 $0x4000;
	s24 =	simm.s32 $0x0  }
0xf: {  	[tilespmem:s0], [sflag:$0x1] =	stream.strided.gather [hbm4b:s8+s12], $0x4000, s13, s12, $0x38;
	[tilespmem:$0x10200] =	vst v63  }
.LBB2_2:
0x10: {  	s26 =	sshll.u32 s24, $0x9  }
0x11: {  	s25 =	sor.u32 $0x100, s26  }
0x12: {  	s0 =	sadd.s32 s6, s25  }
0x13: {  	s1 =	sadd.s32 s2, s0  }
0x14: {  	[tilespmem:s15], [sflag:$0x2] =	stream.strided.gather [hbm4b:s1+s12], $0x4000, s13, s12, $0x38;
	[tilespmem:$0x10200] =	vst v63  }
0x15: {  	s0 =	sadd.s32 s0, s9  }
0x16: {  	[tilespmem:s16], [sflag:$0x2] =	stream.strided.gather [hbm4b:s0+s12], $0x4000, s13, s12, $0x38;
	[tilespmem:$0x10200] =	vst v63  }
0x17: {  	_ =	swait.ge [sflag:s17], $0x4000  }
0x18: {  	[sflag:s17] =	ssyncset.done $0x0  }
0x19: {  	[sflag:s17] =	ssyncadd.s32 $0xFFFFC000  }
0x1a: {  	_ =	swait.ge [sflag:s17], $0x4000  }
0x1b: {  	p0 =	seq.s32 s24, $0x0;
	[sflag:s17] =	ssyncset.done $0x0  }
0x1c: {  	s0 =	simm.s32 @!p0 $0x3;
	[sflag:s17] =	ssyncadd.s32 $0xFFFFC000  }
0x1d: {  	s28 =	simm.s32 $0x0;
	_ =	swait.ge @!p0 [sflag:s0], $0x100  }
0x1e: {  	s29 =	sand.u32 $0x400, s28;
	s1 =	sand.u32 $0x70, s28;
	[sflag:s0] =	ssyncset.done @!p0 $0x0  }
0x1f: {  	s29 =	sor.u32 s1, s29;
	[sflag:s0] =	ssyncadd.s32 @!p0 $0xFFFFFF00  }
0x20: {  	v0 =	vld [tilespmem:s29+$0x3B00];
	_ =	sdelay $0x4  }
0x21: {  	[tilespmem:$0x1FDB0] =	vst v0;
	v0 =	vld [tilespmem:s29+$0x7B00];
	_ =	sdelay $0x4  }
0x22: {  	[tilespmem:$0x1FDC0] =	vst v0;
	v0 =	vld [tilespmem:s29+$0x3900];
	_ =	sdelay $0x4  }
0x23: {  	[tilespmem:$0x1FD90] =	vst v0;
	v0 =	vld [tilespmem:s29+$0x7900];
	_ =	sdelay $0x4  }
0x24: {  	[tilespmem:$0x1FDA0] =	vst v0;
	v0 =	vld [tilespmem:s29+$0x3300];
	_ =	sdelay $0x2  }
0x25: {  	s14 =	sand.u32 $0xFFFFFC00, s28;
	v29 =	vld [tilespmem:s29+$0x3A00]  }
0x26: {  	s1 =	sadd.s32 $0x0, s14;
	v25 =	vld [tilespmem:s29+$0x7A00]  }
0x27: {  	s0 =	sor.u32 $0x3A80, s1;
	[tilespmem:$0x1FD70] =	vst v0;
	v0 =	vld [tilespmem:s29+$0x7300]  }
0x28: {  	v24 =	vld [tilespmem:s0+$0x0]  }
0x29: {  	v19 =	vld [tilespmem:s0+$0x4000]  }
0x2a: {  	v20 =	vld [tilespmem:s29+$0x3800]  }
0x2b: {  	v21 =	vld [tilespmem:s29+$0x7800]  }
0x2c: {  	s14 =	sor.u32 $0x3880, s1;
	[tilespmem:$0x1FD80] =	vst v0;
	v0 =	vld [tilespmem:s29+$0x3100]  }
0x2d: {  	v22 =	vld [tilespmem:s14+$0x0]  }
0x2e: {  	v23 =	vld [tilespmem:s14+$0x4000]  }
0x2f: {  	v26 =	vld [tilespmem:s29+$0x3200]  }
0x30: {  	v27 =	vld [tilespmem:s29+$0x7200]  }
0x31: {  	[tilespmem:$0x1FD50] =	vst v0;
	v0 =	vld [tilespmem:s29+$0x7100]  }
0x32: {  	v32 =	vld [tilespmem:s29+$0x3000]  }
0x33: {  	v33 =	vld [tilespmem:s29+$0x7000]  }
0x34: {  	v36 =	vld [tilespmem:s29+$0x2A00]  }
0x35: {  	v37 =	vld [tilespmem:s29+$0x6A00]  }
0x36: {  	[tilespmem:$0x1FD60] =	vst v0;
	v0 =	vld [tilespmem:s29+$0x2B00]  }
0x37: {  	v40 =	vld [tilespmem:s29+$0x2800]  }
0x38: {  	v41 =	vld [tilespmem:s29+$0x6800]  }
0x39: {  	v44 =	vld [tilespmem:s29+$0x2200]  }
0x3a: {  	v45 =	vld [tilespmem:s29+$0x6200]  }
0x3b: {  	[tilespmem:$0x1FD30] =	vst v0;
	v0 =	vld [tilespmem:s29+$0x6B00]  }
0x3c: {  	v48 =	vld [tilespmem:s29+$0x2000]  }
0x3d: {  	v49 =	vld [tilespmem:s29+$0x6000]  }
0x3e: {  	v52 =	vld [tilespmem:s29+$0x1A00]  }
0x3f: {  	v53 =	vld [tilespmem:s29+$0x5A00]  }
0x40: {  	[tilespmem:$0x1FD40] =	vst v0;
	v0 =	vld [tilespmem:s29+$0x2900]  }
0x41: {  	v56 =	vld [tilespmem:s29+$0x1800]  }
0x42: {  	v57 =	vld [tilespmem:s29+$0x5800]  }
0x43: {  	v60 =	vld [tilespmem:s29+$0x1200]  }
0x44: {  	v61 =	vld [tilespmem:s29+$0x5200]  }
0x45: {  	[tilespmem:$0x1FD10] =	vst v0;
	v0 =	vld [tilespmem:s29+$0x6900]  }
0x46: {  	v14 =	vld [tilespmem:s29+$0x1000]  }
0x47: {  	v12 =	vld [tilespmem:s29+$0x5000]  }
0x48: {  	v28 =	vld [tilespmem:s29+$0x5100]  }
0x49: {  	v10 =	vld [tilespmem:s29+$0xA00]  }
0x4a: {  	[tilespmem:$0x1FD20] =	vst v0;
	v0 =	vld [tilespmem:s29+$0x2300]  }
0x4b: {  	v8 =	vld [tilespmem:s29+$0x4A00]  }
0x4c: {  	v18 =	vld [tilespmem:s29+$0xB00]  }
0x4d: {  	v17 =	vld [tilespmem:s29+$0x4B00]  }
0x4e: {  	v7 =	vld [tilespmem:s29+$0x800]  }
0x4f: {  	[tilespmem:$0x1FCF0] =	vst v0;
	v0 =	vld [tilespmem:s29+$0x6300]  }
0x50: {  	v4 =	vld [tilespmem:s29+$0x4800]  }
0x51: {  	v16 =	vld [tilespmem:s29+$0x900]  }
0x52: {  	v15 =	vld [tilespmem:s29+$0x4900]  }
0x53: {  	v2 =	vld [tilespmem:s29+$0x4000]  }
0x54: {  	[tilespmem:$0x1FD00] =	vst v0;
	v0 =	vld [tilespmem:s29+$0x2100]  }
0x55: {  	s14 =	sor.u32 $0x3280, s1;
	v1 =	vld [tilespmem:s29+$0x200]  }
0x56: {  	v30 =	vld [tilespmem:s14+$0x0]  }
0x57: {  	v31 =	vld [tilespmem:s14+$0x4000];
	s14 =	sor.u32 $0x3080, s1  }
0x58: {  	v34 =	vld [tilespmem:s14+$0x0]  }
0x59: {  	[tilespmem:$0x1FCD0] =	vst v0;
	v0 =	vld [tilespmem:s29+$0x6100]  }
0x5a: {  	v35 =	vld [tilespmem:s14+$0x4000];
	s14 =	sor.u32 $0x2A80, s1  }
0x5b: {  	v38 =	vld [tilespmem:s14+$0x0]  }
0x5c: {  	v39 =	vld [tilespmem:s14+$0x4000];
	s14 =	sor.u32 $0x2880, s1  }
0x5d: {  	v42 =	vld [tilespmem:s14+$0x0]  }
0x5e: {  	[tilespmem:$0x1FCE0] =	vst v0;
	v0 =	vld [tilespmem:s29+$0x1B00]  }
0x5f: {  	v43 =	vld [tilespmem:s14+$0x4000];
	s14 =	sor.u32 $0x2280, s1  }
0x60: {  	v46 =	vld [tilespmem:s14+$0x0]  }
0x61: {  	v47 =	vld [tilespmem:s14+$0x4000]  }
0x62: {  	v19 =	vmul.f32 v19, v24;
	v24 =	vld [tilespmem:s29+$0x4200]  }
0x63: {  	s30 =	sor.u32 $0x280, s1;
	v25 =	vmul.f32 v25, v29;
	[tilespmem:$0x1FCB0] =	vst v0;
	v0 =	vld [tilespmem:s29+$0x5B00]  }
0x64: {  	v29 =	vmul.f32 v23, v22;
	v22 =	vmul.f32 v33, v32;
	v32 =	vld [tilespmem:s30+$0x0]  }
0x65: {  	s14 =	sor.u32 $0x2080, s1;
	v33 =	vld [tilespmem:s30+$0x4000]  }
0x66: {  	v50 =	vld [tilespmem:s14+$0x0]  }
0x67: {  	v51 =	vld [tilespmem:s14+$0x4000]  }
0x68: {  	s14 =	sor.u32 $0x1A80, s1;
	[tilespmem:$0x1FCC0] =	vst v0;
	v0 =	vld [tilespmem:s29+$0x1900]  }
0x69: {  	v54 =	vld [tilespmem:s14+$0x0]  }
0x6a: {  	v55 =	vld [tilespmem:s14+$0x4000];
	[tilespmem:$0x1FDD0] =	vst v25;
	v25 =	vmul.f32 v21, v20  }
0x6b: {  	s14 =	sor.u32 $0x1880, s1;
	v20 =	vmul.f32 v27, v26;
	v26 =	vmul.f32 v37, v36;
	v36 =	vld [tilespmem:s29+$0x100]  }
0x6c: {  	v58 =	vld [tilespmem:s14+$0x0]  }
0x6d: {  	[tilespmem:$0x1FC90] =	vst v0;
	v0 =	vld [tilespmem:s29+$0x5900]  }
0x6e: {  	v59 =	vld [tilespmem:s14+$0x4000]  }
0x6f: {  	s14 =	sor.u32 $0x1280, s1;
	v27 =	vmul.f32 v39, v38;
	v39 =	vld [tilespmem:s29+$0x4100]  }
0x70: {  	v62 =	vld [tilespmem:s14+$0x0]  }
0x71: {  	v63 =	vld [tilespmem:s14+$0x4000]  }
0x72: {  	[tilespmem:$0x1FCA0] =	vst v0;
	v0 =	vld [tilespmem:s29+$0x1300]  }
0x73: {  	v23 =	vmul.f32 v35, v34;
	s14 =	sor.u32 $0x1080, s1;
	v35 =	vmul.f32 v43, v42;
	v42 =	vld [tilespmem:s29+$0x300]  }
0x74: {  	v13 =	vld [tilespmem:s14+$0x0]  }
0x75: {  	v11 =	vld [tilespmem:s14+$0x4000];
	s14 =	sor.u32 $0xA80, s1  }
0x76: {  	v9 =	vld [tilespmem:s14+$0x0]  }
0x77: {  	[tilespmem:$0x1FC70] =	vst v0;
	v0 =	vld [tilespmem:s29+$0x5300]  }
0x78: {  	v6 =	vld [tilespmem:s14+$0x4000];
	s14 =	sor.u32 $0x880, s1  }
0x79: {  	v5 =	vld [tilespmem:s14+$0x0]  }
0x7a: {  	v3 =	vld [tilespmem:s14+$0x4000]  }
0x7b: {  	v54 =	vmul.f32 v55, v54;
	v55 =	vld [tilespmem:s29+$0x4300]  }
0x7c: {  	s14 =	sor.u32 $0x80, s1;
	[tilespmem:$0x1FC80] =	vst v0;
	v0 =	vld [tilespmem:s29+$0x1100]  }
0x7d: {  	v21 =	vld [tilespmem:s14+$0x0]  }
0x7e: {  	v30 =	vmul.f32 v31, v30;
	v31 =	vld [tilespmem:s14+$0x4000];
	s14 =	sor.u32 $0x180, s1  }
0x7f: {  	v56 =	vmul.f32 v57, v56;
	v57 =	vmul.f32 v59, v58;
	v58 =	vld [tilespmem:s14+$0x0]  }
0x80: {  	s28 =	sor.u32 s28, s28;
	v59 =	vmul.f32 v61, v60;
	v61 =	vld [tilespmem:s14+$0x4000]  }
0x81: {  	v12 =	vmul.f32 v12, v14;
	[tilespmem:$0x1FC60] =	vst v0;
	v0 =	vld [tilespmem:s29+$0x0];
	s29 =	sor.u32 $0x380, s28  }
0x82: {  	v8 =	vmul.f32 v8, v10;
	v11 =	vmul.f32 v11, v13;
	v13 =	vld [tilespmem:s29+$0x0]  }
0x83: {  	v4 =	vmul.f32 v4, v7;
	s14 =	sor.u32 $0x980, s1;
	v6 =	vmul.f32 v6, v9;
	v9 =	vld [tilespmem:s29+$0x4000]  }
0x84: {  	v1 =	vmul.f32 v24, v1;
	v3 =	vmul.f32 v3, v5;
	v5 =	vld [tilespmem:s14+$0x0];
	s29 =	sor.u32 $0xB80, s28  }
0x85: {  	v10 =	vmul.f32 v33, v32;
	v60 =	vmul.f32 v63, v62;
	v14 =	vld [tilespmem:s29+$0x0]  }
0x86: {  	v7 =	vmul.f32 v31, v21;
	v0 =	vmul.f32 v2, v0;
	v2 =	vld [tilespmem:s14+$0x4000]  }
0x87: {  	v62 =	vmul.f32 v39, v36;
	v24 =	vmul.f32 v55, v42;
	v31 =	vld [tilespmem:s29+$0x4000];
	s14 =	sor.u32 $0x1180, s1  }
0x88: {  	v9 =	vmul.f32 v9, v13;
	v13 =	vld [tilespmem:s14+$0x0];
	v0 =	vadd.f32 v1, v0;
	v1 =	vadd.f32 v10, v7  }
0x89: {  	s29 =	sor.u32 $0x1380, s28;
	v7 =	vmul.f32 v15, v16;
	v10 =	vld [tilespmem:s14+$0x4000];
	v15 =	vadd.f32 v24, v62  }
0x8a: {  	v63 =	vmul.f32 v61, v58;
	v0 =	vadd.f32 v4, v0;
	v1 =	vadd.f32 v3, v1;
	v4 =	vld [tilespmem:s29+$0x4000]  }
0x8b: {  	v3 =	vmul.f32 v17, v18;
	v7 =	vadd.f32 v7, v15;
	v2 =	vmul.f32 v2, v5;
	v5 =	vld [tilespmem:s29+$0x0]  }
0x8c: {  	s14 =	sor.u32 $0x1980, s1;
	v9 =	vadd.f32 v9, v63;
	v1 =	vadd.f32 v6, v1;
	v6 =	vld [tilespmem:$0x1FC60]  }
0x8d: {  	v0 =	vadd.f32 v8, v0;
	v8 =	vld [tilespmem:s14+$0x4000];
	v3 =	vadd.f32 v3, v7  }
0x8e: {  	v2 =	vadd.f32 v2, v9;
	v9 =	vmul.f32 v31, v14;
	v7 =	vmul.f32 v10, v13;
	v10 =	vld [tilespmem:$0x1FC70]  }
0x8f: {  	v1 =	vadd.f32 v11, v1;
	v11 =	vld [tilespmem:$0x1FC80]  }
0x90: {  	v14 =	vld [tilespmem:s14+$0x0];
	s14 =	sor.u32 $0x1B80, s28;
	v2 =	vadd.f32 v9, v2  }
0x91: {  	v9 =	vld [tilespmem:s14+$0x0];
	v6 =	vmul.f32 v28, v6  }
0x92: {  	v2 =	vadd.f32 v7, v2;
	v7 =	vld [tilespmem:$0x1FCA0]  }
0x93: {  	v3 =	vadd.f32 v6, v3;
	v6 =	vld [tilespmem:$0x1FC90]  }
0x94: {  	v10 =	vmul.f32 v11, v10;
	v11 =	vld [tilespmem:s14+$0x4000]  }
0x95: {  	v0 =	vadd.f32 v12, v0;
	v12 =	vld [tilespmem:$0x1FCC0];
	v4 =	vmul.f32 v4, v5;
	s14 =	sor.u32 $0x2180, s1  }
0x96: {  	v5 =	vld [tilespmem:s14+$0x0]  }
0x97: {  	v2 =	vadd.f32 v4, v2;
	v4 =	vmul.f32 v8, v14;
	v3 =	vadd.f32 v10, v3;
	v10 =	vld [tilespmem:$0x1FCB0]  }
0x98: {  	v6 =	vmul.f32 v7, v6;
	v7 =	vld [tilespmem:s14+$0x4000]  }
0x99: {  	v2 =	vadd.f32 v4, v2;
	v4 =	vmul.f32 v11, v9;
	v9 =	vld [tilespmem:$0x1FCD0]  }
0x9a: {  	s14 =	sor.u32 $0x2380, s28;
	v11 =	vld [tilespmem:$0x1FCE0]  }
0x9b: {  	v8 =	vld [tilespmem:s14+$0x0]  }
0x9c: {  	v10 =	vmul.f32 v12, v10;
	v12 =	vld [tilespmem:s14+$0x4000];
	s14 =	sor.u32 $0x2980, s1;
	v3 =	vadd.f32 v6, v3  }
0x9d: {  	v6 =	vld [tilespmem:s14+$0x0]  }
0x9e: {  	v3 =	vadd.f32 v10, v3;
	v10 =	vld [tilespmem:$0x1FD00]  }
0x9f: {  	v2 =	vadd.f32 v4, v2;
	v4 =	vmul.f32 v7, v5;
	v7 =	vld [tilespmem:$0x1FCF0]  }
0xa0: {  	v9 =	vmul.f32 v11, v9;
	v11 =	vld [tilespmem:s14+$0x4000];
	s14 =	sor.u32 $0x2B80, s28  }
0xa1: {  	v5 =	vld [tilespmem:s14+$0x0]  }
0xa2: {  	v3 =	vadd.f32 v9, v3;
	v9 =	vld [tilespmem:$0x1FD10]  }
0xa3: {  	v2 =	vadd.f32 v4, v2;
	v4 =	vmul.f32 v12, v8;
	v12 =	vld [tilespmem:$0x1FD20]  }
0xa4: {  	v7 =	vmul.f32 v10, v7;
	v10 =	vld [tilespmem:s14+$0x4000]  }
0xa5: {  	v2 =	vadd.f32 v4, v2;
	s14 =	sor.u32 $0x3180, s1;
	v4 =	vmul.f32 v11, v6;
	v11 =	vld [tilespmem:$0x1FD40]  }
0xa6: {  	v8 =	vld [tilespmem:s14+$0x0]  }
0xa7: {  	v3 =	vadd.f32 v7, v3;
	v7 =	vld [tilespmem:$0x1FD30]  }
0xa8: {  	v1 =	vadd.f32 v60, v1;
	v9 =	vmul.f32 v12, v9;
	v12 =	vld [tilespmem:s14+$0x4000];
	s14 =	sor.u32 $0x3380, s28  }
0xa9: {  	v34 =	vmul.f32 v41, v40;
	v40 =	vmul.f32 v49, v48;
	v0 =	vadd.f32 v59, v0;
	v6 =	vld [tilespmem:s14+$0x0]  }
0xaa: {  	v43 =	vmul.f32 v53, v52;
	v1 =	vadd.f32 v57, v1;
	v3 =	vadd.f32 v9, v3;
	v9 =	vld [tilespmem:$0x1FD50]  }
0xab: {  	v0 =	vadd.f32 v56, v0;
	v2 =	vadd.f32 v4, v2;
	v4 =	vmul.f32 v10, v5;
	v10 =	vld [tilespmem:$0x1FD60]  }
0xac: {  	v41 =	vmul.f32 v51, v50;
	v1 =	vadd.f32 v54, v1;
	v7 =	vmul.f32 v11, v7;
	v11 =	vld [tilespmem:s14+$0x4000]  }
0xad: {  	v0 =	vadd.f32 v43, v0;
	v2 =	vadd.f32 v4, v2;
	v4 =	vmul.f32 v12, v8;
	v8 =	vld [tilespmem:$0x1FD70]  }
0xae: {  	v38 =	vmul.f32 v47, v46;
	v1 =	vadd.f32 v41, v1;
	s14 =	sor.u32 $0x3980, s1;
	v12 =	vld [tilespmem:$0x1FD80]  }
0xaf: {  	v37 =	vmul.f32 v45, v44;
	v0 =	vadd.f32 v40, v0;
	v5 =	vld [tilespmem:s14+$0x0]  }
0xb0: {  	v1 =	vadd.f32 v38, v1;
	v3 =	vadd.f32 v7, v3;
	v9 =	vmul.f32 v10, v9;
	v10 =	vld [tilespmem:s14+$0x4000]  }
0xb1: {  	v0 =	vadd.f32 v37, v0;
	v2 =	vadd.f32 v4, v2;
	v4 =	vmul.f32 v11, v6;
	v6 =	vld [tilespmem:$0x1FD90]  }
0xb2: {  	v1 =	vadd.f32 v35, v1;
	v3 =	vadd.f32 v9, v3;
	v9 =	vld [tilespmem:$0x1FDA0]  }
0xb3: {  	v0 =	vadd.f32 v34, v0;
	s1 =	sor.u32 $0x3B80, s28  }
0xb4: {  	v1 =	vadd.f32 v27, v1;
	v7 =	vld [tilespmem:s1+$0x0];
	v8 =	vmul.f32 v12, v8  }
0xb5: {  	v0 =	vadd.f32 v26, v0;
	v12 =	vld [tilespmem:s1+$0x4000]  }
0xb6: {  	v1 =	vadd.f32 v23, v1;
	v3 =	vadd.f32 v8, v3;
	v8 =	vld [tilespmem:$0x1FDC0]  }
0xb7: {  	v2 =	vadd.f32 v4, v2;
	v4 =	vmul.f32 v10, v5;
	v5 =	vld [tilespmem:$0x1FDB0];
	v6 =	vmul.f32 v9, v6  }
0xb8: {  	v0 =	vadd.f32 v22, v0  }
0xb9: {  	v1 =	vadd.f32 v30, v1;
	v3 =	vadd.f32 v6, v3;
	v6 =	vld [tilespmem:$0x1FDD0]  }
0xba: {  	v0 =	vadd.f32 v20, v0  }
0xbb: {  	v1 =	vadd.f32 v29, v1;
	v2 =	vadd.f32 v4, v2;
	v4 =	vmul.f32 v12, v7  }
0xbc: {  	v0 =	vadd.f32 v25, v0;
	v5 =	vmul.f32 v8, v5  }
0xbd: {  	v1 =	vadd.f32 v19, v1;
	v2 =	vadd.f32 v4, v2  }
0xbe: {  	v3 =	vadd.f32 v5, v3;
	v0 =	vadd.f32 v6, v0;
	_ =	sdelay $0x1  }
0xbf: {  	v0 =	vadd.f32 v1, v0;
	v1 =	vadd.f32 v2, v3;
	_ =	sdelay $0x1  }
0xc0: {  	s30 =	simm.s32 $0x80;
	s1 =	simm.s32 $0x10;
	v0 =	vadd.f32 v1, v0  }
0xc1: {  	s29 =	sand.u32 $0x400, s30;
	s28 =	simm.s32 $0x10000;
	s0 =	sand.u32 $0x70, s1  }
0xc2: {  	s31 =	sor.u32 s0, s29;
	[tilespmem:s28+$0x0] =	vst v0  }
0xc3: {  	v0 =	vld [tilespmem:s31+$0x3A00];
	_ =	sdelay $0x4  }
0xc4: {  	[tilespmem:$0x1FEF0] =	vst v0;
	v0 =	vld [tilespmem:s31+$0x7A00];
	_ =	sdelay $0x1  }
0xc5: {  	s14 =	sand.u32 $0xFFFFFC00, s30  }
0xc6: {  	s29 =	sadd.s32 $0x10, s14  }
0xc7: {  	s14 =	sor.u32 $0x3A80, s29  }
0xc8: {  	[tilespmem:$0x1FEE0] =	vst v0;
	v0 =	vld [tilespmem:s14+$0x0];
	_ =	sdelay $0x4  }
0xc9: {  	[tilespmem:$0x1FF10] =	vst v0;
	v0 =	vld [tilespmem:s14+$0x4000];
	_ =	sdelay $0x4  }
0xca: {  	[tilespmem:$0x1FF20] =	vst v0;
	v0 =	vld [tilespmem:s31+$0x3800];
	_ =	sdelay $0x4  }
0xcb: {  	[tilespmem:$0x1FF40] =	vst v0;
	v0 =	vld [tilespmem:s31+$0x3200]  }
0xcc: {  	v25 =	vld [tilespmem:s31+$0x3B00]  }
0xcd: {  	v26 =	vld [tilespmem:s31+$0x7B00]  }
0xce: {  	v18 =	vld [tilespmem:s31+$0x7800]  }
0xcf: {  	v27 =	vld [tilespmem:s31+$0x3900]  }
0xd0: {  	[tilespmem:$0x1FF70] =	vst v0;
	v0 =	vld [tilespmem:s31+$0x3300]  }
0xd1: {  	v32 =	vld [tilespmem:s31+$0x7900]  }
0xd2: {  	v21 =	vld [tilespmem:s31+$0x7200]  }
0xd3: {  	v20 =	vld [tilespmem:s31+$0x7000]  }
0xd4: {  	v23 =	vld [tilespmem:s31+$0x6A00]  }
0xd5: {  	[tilespmem:$0x1FDE0] =	vst v0;
	v0 =	vld [tilespmem:s31+$0x7300]  }
0xd6: {  	v30 =	vld [tilespmem:s31+$0x6800]  }
0xd7: {  	v34 =	vld [tilespmem:s31+$0x2200]  }
0xd8: {  	v58 =	vld [tilespmem:s31+$0x6200]  }
0xd9: {  	v63 =	vld [tilespmem:s31+$0x2000]  }
0xda: {  	[tilespmem:$0x1FDF0] =	vst v0;
	v0 =	vld [tilespmem:s31+$0x3000]  }
0xdb: {  	v38 =	vld [tilespmem:s31+$0x6000]  }
0xdc: {  	v60 =	vld [tilespmem:s31+$0x1A00]  }
0xdd: {  	v41 =	vld [tilespmem:s31+$0x5A00]  }
0xde: {  	v45 =	vld [tilespmem:s31+$0x1800]  }
0xdf: {  	[tilespmem:$0x1FFA0] =	vst v0;
	v0 =	vld [tilespmem:s31+$0x3100]  }
0xe0: {  	v44 =	vld [tilespmem:s31+$0x5800]  }
0xe1: {  	v46 =	vld [tilespmem:s31+$0x1200]  }
0xe2: {  	v47 =	vld [tilespmem:s31+$0x5200]  }
0xe3: {  	v28 =	vld [tilespmem:s31+$0x1300]  }
0xe4: {  	[tilespmem:$0x1FE00] =	vst v0;
	v0 =	vld [tilespmem:s31+$0x7100]  }
0xe5: {  	v33 =	vld [tilespmem:s31+$0x5300]  }
0xe6: {  	v52 =	vld [tilespmem:s31+$0x1000]  }
0xe7: {  	v53 =	vld [tilespmem:s31+$0x5000]  }
0xe8: {  	v36 =	vld [tilespmem:s31+$0x1100]  }
0xe9: {  	[tilespmem:$0x1FE10] =	vst v0;
	v0 =	vld [tilespmem:s31+$0x2A00]  }
0xea: {  	v37 =	vld [tilespmem:s31+$0x5100]  }
0xeb: {  	v56 =	vld [tilespmem:s31+$0xA00]  }
0xec: {  	v57 =	vld [tilespmem:s31+$0x4A00]  }
0xed: {  	v40 =	vld [tilespmem:s31+$0xB00]  }
0xee: {  	[tilespmem:$0x1FFD0] =	vst v0;
	v0 =	vld [tilespmem:s31+$0x2B00]  }
0xef: {  	v43 =	vld [tilespmem:s31+$0x4B00]  }
0xf0: {  	v3 =	vld [tilespmem:s31+$0x4800]  }
0xf1: {  	v49 =	vld [tilespmem:s31+$0x900]  }
0xf2: {  	v51 =	vld [tilespmem:s31+$0x4900]  }
0xf3: {  	[tilespmem:$0x1FE20] =	vst v0;
	v0 =	vld [tilespmem:s31+$0x6B00]  }
0xf4: {  	v8 =	vld [tilespmem:s31+$0x4000]  }
0xf5: {  	v9 =	vld [tilespmem:s31+$0x0]  }
0xf6: {  	v10 =	vld [tilespmem:s31+$0x200]  }
0xf7: {  	v11 =	vld [tilespmem:$0x1FEF0]  }
0xf8: {  	[tilespmem:$0x1FE30] =	vst v0;
	v0 =	vld [tilespmem:s31+$0x2800]  }
0xf9: {  	v24 =	vld [tilespmem:$0x1FEE0]  }
0xfa: {  	v34 =	vmul.f32 v58, v34;
	v58 =	vld [tilespmem:s31+$0x4100];
	s14 =	sor.u32 $0x3880, s29  }
0xfb: {  	v19 =	vld [tilespmem:s14+$0x0]  }
0xfc: {  	v12 =	vld [tilespmem:s14+$0x4000]  }
0xfd: {  	[tilespmem:$0x1FFF0] =	vst v0;
	v0 =	vld [tilespmem:s31+$0x2900]  }
0xfe: {  	s14 =	sor.u32 $0x3280, s29;
	v24 =	vmul.f32 v24, v11;
	v11 =	vld [tilespmem:$0x1FF10]  }
0xff: {  	v17 =	vld [tilespmem:s14+$0x0]  }
0x100: {  	v13 =	vld [tilespmem:s14+$0x4000];
	s14 =	sor.u32 $0x3080, s29  }
0x101: {  	v22 =	vld [tilespmem:s14+$0x0]  }
0x102: {  	[tilespmem:$0x1FE40] =	vst v0;
	v0 =	vld [tilespmem:s31+$0x6900]  }
0x103: {  	v14 =	vld [tilespmem:s14+$0x4000];
	s14 =	sor.u32 $0x2A80, s29  }
0x104: {  	v29 =	vld [tilespmem:s14+$0x0]  }
0x105: {  	v15 =	vld [tilespmem:s14+$0x4000];
	s14 =	sor.u32 $0x2880, s29  }
0x106: {  	v31 =	vld [tilespmem:s14+$0x0]  }
0x107: {  	[tilespmem:$0x1FE50] =	vst v0;
	v0 =	vld [tilespmem:s31+$0x2300]  }
0x108: {  	v16 =	vld [tilespmem:s14+$0x4000];
	s14 =	sor.u32 $0x2280, s29  }
0x109: {  	v35 =	vld [tilespmem:s14+$0x0]  }
0x10a: {  	v62 =	vld [tilespmem:s14+$0x4000]  }
0x10b: {  	[tilespmem:$0x1FF00] =	vst v24;
	v24 =	vld [tilespmem:$0x1FF20]  }
0x10c: {  	s14 =	sor.u32 $0x2080, s29;
	[tilespmem:$0x1FE60] =	vst v0;
	v0 =	vld [tilespmem:s31+$0x6300]  }
0x10d: {  	v39 =	vld [tilespmem:s14+$0x0]  }
0x10e: {  	v1 =	vld [tilespmem:s14+$0x4000];
	s14 =	sor.u32 $0x1A80, s29  }
0x10f: {  	v42 =	vld [tilespmem:s14+$0x0]  }
0x110: {  	v2 =	vld [tilespmem:s14+$0x4000]  }
0x111: {  	s14 =	sor.u32 $0x1880, s29;
	[tilespmem:$0x1FE70] =	vst v0;
	v0 =	vld [tilespmem:s31+$0x2100]  }
0x112: {  	v13 =	vmul.f32 v13, v17;
	v6 =	vld [tilespmem:s14+$0x0]  }
0x113: {  	v4 =	vld [tilespmem:s14+$0x4000]  }
0x114: {  	s14 =	sor.u32 $0x1280, s29;
	[tilespmem:$0x1FF90] =	vst v13;
	v13 =	vld [tilespmem:s31+$0x4200]  }
0x115: {  	v48 =	vld [tilespmem:s14+$0x0]  }
0x116: {  	[tilespmem:$0x1FE80] =	vst v0;
	v0 =	vld [tilespmem:s31+$0x6100]  }
0x117: {  	v50 =	vld [tilespmem:s14+$0x4000]  }
0x118: {  	s14 =	sor.u32 $0x1080, s29;
	v31 =	vmul.f32 v16, v31;
	v16 =	vld [tilespmem:s31+$0x100]  }
0x119: {  	v54 =	vld [tilespmem:s14+$0x0]  }
0x11a: {  	v17 =	vld [tilespmem:$0x1FFA0]  }
0x11b: {  	[tilespmem:$0x1FE90] =	vst v0;
	v0 =	vld [tilespmem:s31+$0x1B00]  }
0x11c: {  	v55 =	vld [tilespmem:s14+$0x4000]  }
0x11d: {  	s14 =	sor.u32 $0xA80, s29;
	v11 =	vmul.f32 v24, v11;
	v24 =	vld [tilespmem:$0x1FF40]  }
0x11e: {  	v59 =	vld [tilespmem:s14+$0x0]  }
0x11f: {  	v61 =	vld [tilespmem:s14+$0x4000]  }
0x120: {  	v17 =	vmul.f32 v20, v17;
	[tilespmem:$0x1FEA0] =	vst v0;
	v0 =	vld [tilespmem:s31+$0x5B00]  }
0x121: {  	v39 =	vmul.f32 v1, v39;
	v1 =	vld [tilespmem:s31+$0x300]  }
0x122: {  	s14 =	sor.u32 $0x880, s29;
	[tilespmem:$0x1FFB0] =	vst v17;
	v17 =	vld [tilespmem:$0x1FFD0]  }
0x123: {  	v5 =	vld [tilespmem:s14+$0x0]  }
0x124: {  	v7 =	vld [tilespmem:s14+$0x4000]  }
0x125: {  	v18 =	vmul.f32 v18, v24;
	[tilespmem:$0x1FEB0] =	vst v0;
	v0 =	vld [tilespmem:s31+$0x1900]  }
0x126: {  	v42 =	vmul.f32 v2, v42;
	v2 =	vld [tilespmem:s31+$0x4300]  }
0x127: {  	s14 =	sor.u32 $0x80, s29;
	[tilespmem:$0x1FF50] =	vst v18;
	v18 =	vld [tilespmem:$0x1FF70];
	v17 =	vmul.f32 v23, v17  }
0x128: {  	[tilespmem:$0x1FF30] =	vst v11;
	v11 =	vld [tilespmem:s14+$0x0]  }
0x129: {  	v12 =	vmul.f32 v12, v19;
	[tilespmem:$0x1FFE0] =	vst v17;
	v17 =	vld [tilespmem:$0x1FFF0]  }
0x12a: {  	[tilespmem:$0x1FEC0] =	vst v0;
	v0 =	vld [tilespmem:s31+$0x5900]  }
0x12b: {  	s0 =	sor.u32 $0x180, s29;
	v44 =	vmul.f32 v44, v45;
	[tilespmem:$0x1FF60] =	vst v12;
	v14 =	vmul.f32 v14, v22;
	v12 =	vld [tilespmem:s14+$0x4000]  }
0x12c: {  	s14 =	sor.u32 $0x280, s29;
	v45 =	vmul.f32 v4, v6;
	v4 =	vld [tilespmem:s0+$0x0];
	v18 =	vmul.f32 v21, v18  }
0x12d: {  	v38 =	vmul.f32 v38, v63;
	[tilespmem:$0x1FFC0] =	vst v14;
	v14 =	vld [tilespmem:s14+$0x0]  }
0x12e: {  	v41 =	vmul.f32 v41, v60;
	v29 =	vmul.f32 v15, v29;
	v15 =	vld [tilespmem:s14+$0x4000];
	[tilespmem:$0x1FF80] =	vst v18  }
0x12f: {  	s1 =	sor.u32 s1, s30;
	v35 =	vmul.f32 v62, v35;
	v30 =	vmul.f32 v30, v17;
	[tilespmem:$0x1FED0] =	vst v0;
	v0 =	vld [tilespmem:s31+$0x800];
	s31 =	simm.s32 $0x20  }
.LBB2_3:
0x130: {  	_ = 	snop  }
0x131: {  	v6 =	vld [tilespmem:s0+$0x4000];
	s14 =	sor.u32 $0x380, s1  }
0x132: {  	v21 =	vld [tilespmem:s14+$0x0]  }
0x133: {  	v60 =	vld [tilespmem:s14+$0x4000];
	s14 =	sor.u32 $0x980, s29  }
0x134: {  	v0 =	vmul.f32 v3, v0;
	v3 =	vmul.f32 v7, v5;
	v5 =	vld [tilespmem:s14+$0x0]  }
0x135: {  	v7 =	vmul.f32 v8, v9;
	v8 =	vmul.f32 v13, v10;
	v9 =	vld [tilespmem:s14+$0x4000];
	s14 =	sor.u32 $0xB80, s1  }
0x136: {  	v10 =	vmul.f32 v12, v11;
	v11 =	vmul.f32 v15, v14;
	v12 =	vld [tilespmem:s14+$0x0]  }
0x137: {  	v13 =	vmul.f32 v58, v16;
	v1 =	vmul.f32 v2, v1;
	v2 =	vld [tilespmem:s14+$0x4000];
	s14 =	sor.u32 $0x1180, s29  }
0x138: {  	v4 =	vmul.f32 v6, v4;
	v6 =	vmul.f32 v60, v21;
	v14 =	vld [tilespmem:s14+$0x0]  }
0x139: {  	v7 =	vadd.f32 v8, v7;
	v8 =	vadd.f32 v11, v10;
	v11 =	vld [tilespmem:s14+$0x4000];
	s14 =	sor.u32 $0x1380, s1  }
0x13a: {  	v10 =	vmul.f32 v51, v49;
	v1 =	vadd.f32 v1, v13;
	v4 =	vadd.f32 v6, v4;
	v6 =	vld [tilespmem:s14+$0x0]  }
0x13b: {  	v3 =	vadd.f32 v3, v8;
	v8 =	vld [tilespmem:s14+$0x4000];
	s14 =	sor.u32 $0x1980, s29;
	v5 =	vmul.f32 v9, v5  }
0x13c: {  	v0 =	vadd.f32 v0, v7;
	v7 =	vmul.f32 v43, v40;
	v1 =	vadd.f32 v10, v1;
	v10 =	vld [tilespmem:s14+$0x4000]  }
0x13d: {  	v2 =	vmul.f32 v2, v12;
	v4 =	vadd.f32 v5, v4;
	v5 =	vld [tilespmem:s14+$0x0];
	s14 =	sor.u32 $0x1B80, s1  }
0x13e: {  	v9 =	vmul.f32 v37, v36;
	v1 =	vadd.f32 v7, v1;
	v7 =	vld [tilespmem:s14+$0x0]  }
0x13f: {  	v12 =	vld [tilespmem:s14+$0x4000];
	v2 =	vadd.f32 v2, v4;
	v4 =	vmul.f32 v11, v14  }
0x140: {  	v1 =	vadd.f32 v9, v1;
	v9 =	vld [tilespmem:$0x1FED0];
	v11 =	vmul.f32 v33, v28  }
0x141: {  	v2 =	vadd.f32 v4, v2;
	v4 =	vmul.f32 v8, v6;
	v8 =	vld [tilespmem:$0x1FEC0]  }
0x142: {  	v1 =	vadd.f32 v11, v1;
	v11 =	vld [tilespmem:$0x1FEB0]  }
0x143: {  	s14 =	sor.u32 $0x2180, s29;
	v2 =	vadd.f32 v4, v2;
	v4 =	vmul.f32 v10, v5;
	v10 =	vld [tilespmem:$0x1FEA0]  }
0x144: {  	v6 =	vld [tilespmem:s14+$0x0]  }
0x145: {  	v2 =	vadd.f32 v4, v2;
	v4 =	vmul.f32 v12, v7;
	v12 =	vld [tilespmem:$0x1FE90]  }
0x146: {  	v8 =	vmul.f32 v9, v8;
	v9 =	vld [tilespmem:s14+$0x4000];
	s14 =	sor.u32 $0x2380, s1  }
0x147: {  	v5 =	vld [tilespmem:s14+$0x0]  }
0x148: {  	v10 =	vmul.f32 v11, v10;
	v11 =	vld [tilespmem:s14+$0x4000];
	v1 =	vadd.f32 v8, v1  }
0x149: {  	v8 =	vld [tilespmem:$0x1FE80]  }
0x14a: {  	v1 =	vadd.f32 v10, v1;
	v10 =	vld [tilespmem:$0x1FE70]  }
0x14b: {  	v62 =	vmul.f32 v57, v56;
	v2 =	vadd.f32 v4, v2;
	v4 =	vmul.f32 v9, v6;
	v9 =	vld [tilespmem:$0x1FE60]  }
0x14c: {  	s14 =	sor.u32 $0x2980, s29  }
0x14d: {  	v22 =	vmul.f32 v53, v52;
	v0 =	vadd.f32 v62, v0;
	v7 =	vld [tilespmem:s14+$0x0]  }
0x14e: {  	v63 =	vmul.f32 v61, v59;
	v8 =	vmul.f32 v12, v8;
	v12 =	vld [tilespmem:s14+$0x4000]  }
0x14f: {  	v46 =	vmul.f32 v47, v46;
	v0 =	vadd.f32 v22, v0;
	v2 =	vadd.f32 v4, v2  }
0x150: {  	v4 =	vmul.f32 v11, v5;
	v11 =	vld [tilespmem:$0x1FE50];
	v1 =	vadd.f32 v8, v1;
	v9 =	vmul.f32 v10, v9  }
0x151: {  	v0 =	vadd.f32 v46, v0;
	v8 =	vld [tilespmem:$0x1FE40]  }
0x152: {  	v23 =	vmul.f32 v55, v54;
	v3 =	vadd.f32 v63, v3;
	v1 =	vadd.f32 v9, v1;
	v9 =	vld [tilespmem:$0x1FE20]  }
0x153: {  	v0 =	vadd.f32 v44, v0;
	v2 =	vadd.f32 v4, v2;
	v4 =	vmul.f32 v12, v7;
	v12 =	vld [tilespmem:$0x1FE30]  }
0x154: {  	v20 =	vmul.f32 v50, v48;
	v3 =	vadd.f32 v23, v3  }
0x155: {  	v0 =	vadd.f32 v41, v0  }
0x156: {  	v3 =	vadd.f32 v20, v3;
	v8 =	vmul.f32 v11, v8  }
0x157: {  	v0 =	vadd.f32 v38, v0  }
0x158: {  	v3 =	vadd.f32 v45, v3;
	v1 =	vadd.f32 v8, v1;
	v8 =	vld [tilespmem:$0x1FFE0];
	v9 =	vmul.f32 v12, v9  }
0x159: {  	v0 =	vadd.f32 v34, v0  }
0x15a: {  	v3 =	vadd.f32 v42, v3;
	s14 =	sor.u32 $0x2B80, s1;
	v1 =	vadd.f32 v9, v1;
	v9 =	vld [tilespmem:$0x1FFB0]  }
0x15b: {  	v0 =	vadd.f32 v30, v0;
	v6 =	vld [tilespmem:s14+$0x0]  }
0x15c: {  	v3 =	vadd.f32 v39, v3;
	v10 =	vld [tilespmem:s14+$0x4000];
	s14 =	sor.u32 $0x3180, s29  }
0x15d: {  	v5 =	vld [tilespmem:s14+$0x0];
	v0 =	vadd.f32 v8, v0  }
0x15e: {  	v3 =	vadd.f32 v35, v3;
	v11 =	vld [tilespmem:s14+$0x4000]  }
0x15f: {  	s14 =	sor.u32 $0x3380, s1;
	v0 =	vadd.f32 v9, v0;
	v9 =	vld [tilespmem:$0x1FFC0]  }
0x160: {  	v3 =	vadd.f32 v31, v3;
	v7 =	vld [tilespmem:s14+$0x0]  }
0x161: {  	v2 =	vadd.f32 v4, v2;
	v4 =	vmul.f32 v10, v6;
	v10 =	vld [tilespmem:$0x1FE10]  }
0x162: {  	v3 =	vadd.f32 v29, v3;
	v8 =	vld [tilespmem:$0x1FE00]  }
0x163: {  	v2 =	vadd.f32 v4, v2;
	v4 =	vmul.f32 v11, v5;
	v11 =	vld [tilespmem:$0x1FDF0]  }
0x164: {  	v3 =	vadd.f32 v9, v3;
	v9 =	vld [tilespmem:$0x1FDE0]  }
0x165: {  	v12 =	vld [tilespmem:s14+$0x4000];
	s14 =	sor.u32 $0x3980, s29  }
0x166: {  	v6 =	vld [tilespmem:s14+$0x0]  }
0x167: {  	s1 =	sor.u32 $0x3B80, s1;
	v8 =	vmul.f32 v10, v8;
	v10 =	vld [tilespmem:s14+$0x4000]  }
0x168: {  	v5 =	vld [tilespmem:s1+$0x0]  }
0x169: {  	v9 =	vmul.f32 v11, v9;
	v11 =	vld [tilespmem:s1+$0x4000]  }
0x16a: {  	v2 =	vadd.f32 v4, v2;
	v4 =	vmul.f32 v12, v7;
	v7 =	vld [tilespmem:$0x1FF80];
	_ =	sdelay $0x1  }
0x16b: {  	v2 =	vadd.f32 v4, v2;
	v4 =	vmul.f32 v10, v6;
	v6 =	vld [tilespmem:$0x1FF50];
	_ =	sdelay $0x1  }
0x16c: {  	v2 =	vadd.f32 v4, v2;
	v4 =	vmul.f32 v11, v5;
	v5 =	vld [tilespmem:$0x1FF00]  }
0x16d: {  	v0 =	vadd.f32 v7, v0;
	v7 =	vld [tilespmem:$0x1FF90];
	_ =	sdelay $0x1  }
0x16e: {  	v0 =	vadd.f32 v6, v0;
	v6 =	vld [tilespmem:$0x1FF60]  }
0x16f: {  	v1 =	vadd.f32 v8, v1  }
0x170: {  	v0 =	vadd.f32 v5, v0;
	v5 =	vld [tilespmem:$0x1FF30]  }
0x171: {  	v3 =	vadd.f32 v7, v3;
	v7 =	vmul.f32 v32, v27;
	v1 =	vadd.f32 v9, v1;
	_ =	sdelay $0x1  }
0x172: {  	v1 =	vadd.f32 v7, v1;
	v3 =	vadd.f32 v6, v3;
	v6 =	vmul.f32 v26, v25  }
0x173: {  	v2 =	vadd.f32 v4, v2  }
0x174: {  	v1 =	vadd.f32 v6, v1;
	v3 =	vadd.f32 v5, v3;
	_ =	sdelay $0x1  }
0x175: {  	v1 =	vadd.f32 v2, v1;
	v0 =	vadd.f32 v3, v0;
	_ =	sdelay $0x1  }
0x176: {  	s30 =	sadd.s32 $0x80, s30;
	v0 =	vadd.f32 v1, v0  }
0x177: {  	s0 =	sand.u32 $0x70, s31;
	s28 =	sadd.s32 $0x10, s28;
	s1 =	sand.u32 $0x400, s30  }
0x178: {  	s1 =	sor.u32 s0, s1;
	[tilespmem:s28+$0x0] =	vst v0  }
0x179: {  	v0 =	vld [tilespmem:s1+$0x3A00];
	_ =	sdelay $0x4  }
0x17a: {  	[tilespmem:$0x1FBC0] =	vst v0;
	v0 =	vld [tilespmem:s1+$0x7A00];
	_ =	sdelay $0x1  }
0x17b: {  	s14 =	sand.u32 $0xFFFFFC00, s30  }
0x17c: {  	s29 =	sadd.s32 s14, s31  }
0x17d: {  	s14 =	sor.u32 $0x3A80, s29  }
0x17e: {  	[tilespmem:$0x1FBB0] =	vst v0;
	v0 =	vld [tilespmem:s14+$0x0];
	_ =	sdelay $0x4  }
0x17f: {  	[tilespmem:$0x1FBD0] =	vst v0;
	v0 =	vld [tilespmem:s14+$0x4000];
	_ =	sdelay $0x4  }
0x180: {  	[tilespmem:$0x1FBE0] =	vst v0;
	v0 =	vld [tilespmem:s1+$0x3B00];
	_ =	sdelay $0x4  }
0x181: {  	[tilespmem:$0x1FC30] =	vst v0;
	v0 =	vld [tilespmem:s1+$0x7B00];
	_ =	sdelay $0x4  }
0x182: {  	[tilespmem:$0x1FC20] =	vst v0;
	v0 =	vld [tilespmem:s1+$0x3800];
	_ =	sdelay $0x4  }
0x183: {  	[tilespmem:$0x1FBF0] =	vst v0;
	v0 =	vld [tilespmem:s1+$0x7800]  }
0x184: {  	v14 =	vld [tilespmem:s1+$0x3200]  }
0x185: {  	v29 =	vld [tilespmem:s1+$0x7200]  }
0x186: {  	v34 =	vld [tilespmem:s1+$0x3000]  }
0x187: {  	v35 =	vld [tilespmem:s1+$0x7000];
	s14 =	sor.u32 $0x3880, s29  }
0x188: {  	[tilespmem:$0x1FC00] =	vst v0;
	v0 =	vld [tilespmem:s14+$0x0]  }
0x189: {  	v41 =	vld [tilespmem:s1+$0x2A00]  }
0x18a: {  	v42 =	vld [tilespmem:s1+$0x6A00]  }
0x18b: {  	v58 =	vld [tilespmem:s1+$0x2800]  }
0x18c: {  	v60 =	vld [tilespmem:s1+$0x6800]  }
0x18d: {  	[tilespmem:$0x1FC10] =	vst v0;
	v0 =	vld [tilespmem:s1+$0x3900]  }
0x18e: {  	v1 =	vld [tilespmem:s1+$0x2200]  }
0x18f: {  	v2 =	vld [tilespmem:s1+$0x6200]  }
0x190: {  	v17 =	vld [tilespmem:s1+$0x2000]  }
0x191: {  	v18 =	vld [tilespmem:s1+$0x6000]  }
0x192: {  	[tilespmem:$0x1FC50] =	vst v0;
	v0 =	vld [tilespmem:s1+$0x7900]  }
0x193: {  	v21 =	vld [tilespmem:s1+$0x1A00]  }
0x194: {  	v23 =	vld [tilespmem:s1+$0x5A00]  }
0x195: {  	v24 =	vld [tilespmem:s1+$0x1800]  }
0x196: {  	v25 =	vld [tilespmem:s1+$0x5800]  }
0x197: {  	[tilespmem:$0x1FC40] =	vst v0;
	v0 =	vld [tilespmem:s1+$0x3300]  }
0x198: {  	v46 =	vld [tilespmem:s1+$0x1200]  }
0x199: {  	v47 =	vld [tilespmem:s1+$0x5200]  }
0x19a: {  	v28 =	vld [tilespmem:s1+$0x1300]  }
0x19b: {  	v33 =	vld [tilespmem:s1+$0x5300]  }
0x19c: {  	[tilespmem:$0x1FDE0] =	vst v0;
	v0 =	vld [tilespmem:s1+$0x7300]  }
0x19d: {  	v52 =	vld [tilespmem:s1+$0x1000]  }
0x19e: {  	v53 =	vld [tilespmem:s1+$0x5000]  }
0x19f: {  	v36 =	vld [tilespmem:s1+$0x1100]  }
0x1a0: {  	v37 =	vld [tilespmem:s1+$0x5100]  }
0x1a1: {  	[tilespmem:$0x1FDF0] =	vst v0;
	v0 =	vld [tilespmem:s1+$0x3100]  }
0x1a2: {  	v56 =	vld [tilespmem:s1+$0xA00]  }
0x1a3: {  	v57 =	vld [tilespmem:s1+$0x4A00]  }
0x1a4: {  	v40 =	vld [tilespmem:s1+$0xB00]  }
0x1a5: {  	v43 =	vld [tilespmem:s1+$0x4B00]  }
0x1a6: {  	[tilespmem:$0x1FE00] =	vst v0;
	v0 =	vld [tilespmem:s1+$0x7100]  }
0x1a7: {  	v16 =	vld [tilespmem:$0x1FBC0]  }
0x1a8: {  	v11 =	vld [tilespmem:$0x1FBB0]  }
0x1a9: {  	v3 =	vld [tilespmem:s1+$0x4800]  }
0x1aa: {  	v49 =	vld [tilespmem:s1+$0x900]  }
0x1ab: {  	[tilespmem:$0x1FE10] =	vst v0;
	v0 =	vld [tilespmem:s1+$0x2B00]  }
0x1ac: {  	v51 =	vld [tilespmem:s1+$0x4900]  }
0x1ad: {  	v8 =	vld [tilespmem:s1+$0x4000];
	v11 =	vmul.f32 v11, v16  }
0x1ae: {  	v9 =	vld [tilespmem:s1+$0x0]  }
0x1af: {  	[tilespmem:$0x1FF00] =	vst v11;
	v11 =	vld [tilespmem:$0x1FBD0]  }
0x1b0: {  	[tilespmem:$0x1FE20] =	vst v0;
	v0 =	vld [tilespmem:s1+$0x6B00]  }
0x1b1: {  	v16 =	vld [tilespmem:$0x1FBE0]  }
0x1b2: {  	v10 =	vld [tilespmem:s1+$0x200]  }
0x1b3: {  	v13 =	vld [tilespmem:s1+$0x4200]  }
0x1b4: {  	v12 =	vld [tilespmem:s14+$0x4000]  }
0x1b5: {  	[tilespmem:$0x1FE30] =	vst v0;
	v0 =	vld [tilespmem:s1+$0x2900]  }
0x1b6: {  	v11 =	vmul.f32 v16, v11;
	v16 =	vld [tilespmem:$0x1FBF0];
	s14 =	sor.u32 $0x3280, s29  }
0x1b7: {  	v30 =	vld [tilespmem:s14+$0x0]  }
0x1b8: {  	v31 =	vld [tilespmem:s14+$0x4000]  }
0x1b9: {  	v15 =	vld [tilespmem:$0x1FC00]  }
0x1ba: {  	s14 =	sor.u32 $0x3080, s29;
	[tilespmem:$0x1FE40] =	vst v0;
	v0 =	vld [tilespmem:s1+$0x6900]  }
0x1bb: {  	v38 =	vld [tilespmem:s14+$0x0]  }
0x1bc: {  	v39 =	vld [tilespmem:s14+$0x4000];
	s14 =	sor.u32 $0x2A80, s29  }
0x1bd: {  	v44 =	vld [tilespmem:s14+$0x0]  }
0x1be: {  	v45 =	vld [tilespmem:s14+$0x4000]  }
0x1bf: {  	s14 =	sor.u32 $0x2880, s29;
	[tilespmem:$0x1FE50] =	vst v0;
	v0 =	vld [tilespmem:s1+$0x2300]  }
0x1c0: {  	v62 =	vld [tilespmem:s14+$0x0]  }
0x1c1: {  	v63 =	vld [tilespmem:s14+$0x4000];
	s14 =	sor.u32 $0x2280, s29  }
0x1c2: {  	v4 =	vld [tilespmem:s14+$0x0]  }
0x1c3: {  	v6 =	vld [tilespmem:s14+$0x4000]  }
0x1c4: {  	s14 =	sor.u32 $0x2080, s29;
	[tilespmem:$0x1FE60] =	vst v0;
	v0 =	vld [tilespmem:s1+$0x6300]  }
0x1c5: {  	v19 =	vld [tilespmem:s14+$0x0]  }
0x1c6: {  	v14 =	vmul.f32 v29, v14;
	v20 =	vld [tilespmem:s14+$0x4000]  }
0x1c7: {  	v16 =	vmul.f32 v15, v16;
	v15 =	vld [tilespmem:$0x1FC10]  }
0x1c8: {  	[tilespmem:$0x1FF80] =	vst v14;
	v14 =	vmul.f32 v31, v30;
	v30 =	vmul.f32 v60, v58;
	v58 =	vld [tilespmem:s1+$0x4100]  }
0x1c9: {  	s14 =	sor.u32 $0x1A80, s29;
	[tilespmem:$0x1FE70] =	vst v0;
	v0 =	vld [tilespmem:s1+$0x2100]  }
0x1ca: {  	v22 =	vld [tilespmem:s14+$0x0]  }
0x1cb: {  	v26 =	vld [tilespmem:s14+$0x4000];
	s14 =	sor.u32 $0x1880, s29  }
0x1cc: {  	v27 =	vld [tilespmem:s14+$0x0]  }
0x1cd: {  	v32 =	vld [tilespmem:s14+$0x4000]  }
0x1ce: {  	[tilespmem:$0x1FE80] =	vst v0;
	v0 =	vld [tilespmem:s1+$0x6100]  }
0x1cf: {  	s14 =	sor.u32 $0x1280, s29;
	v29 =	vmul.f32 v45, v44;
	v44 =	vmul.f32 v25, v24;
	v25 =	vld [tilespmem:$0x1FC30]  }
0x1d0: {  	v48 =	vld [tilespmem:s14+$0x0]  }
0x1d1: {  	v50 =	vld [tilespmem:s14+$0x4000];
	s14 =	sor.u32 $0x1080, s29  }
0x1d2: {  	[tilespmem:$0x1FF50] =	vst v16;
	v54 =	vld [tilespmem:s14+$0x0]  }
0x1d3: {  	v16 =	vmul.f32 v42, v41;
	[tilespmem:$0x1FE90] =	vst v0;
	v0 =	vld [tilespmem:s1+$0x1B00]  }
0x1d4: {  	v55 =	vld [tilespmem:s14+$0x4000]  }
0x1d5: {  	s14 =	sor.u32 $0xA80, s29;
	[tilespmem:$0x1FFE0] =	vst v16;
	v16 =	vld [tilespmem:s1+$0x100]  }
0x1d6: {  	v59 =	vld [tilespmem:s14+$0x0]  }
0x1d7: {  	v61 =	vld [tilespmem:s14+$0x4000]  }
0x1d8: {  	v12 =	vmul.f32 v12, v15;
	[tilespmem:$0x1FEA0] =	vst v0;
	v0 =	vld [tilespmem:s1+$0x5B00]  }
0x1d9: {  	v15 =	vmul.f32 v35, v34;
	v34 =	vmul.f32 v2, v1;
	v1 =	vld [tilespmem:s1+$0x300]  }
0x1da: {  	s0 =	sor.u32 $0x180, s29;
	v2 =	vld [tilespmem:s1+$0x4300]  }
0x1db: {  	s14 =	sor.u32 $0x880, s29;
	v35 =	vmul.f32 v6, v4;
	v4 =	vld [tilespmem:s0+$0x0]  }
0x1dc: {  	v5 =	vld [tilespmem:s14+$0x0]  }
0x1dd: {  	[tilespmem:$0x1FEB0] =	vst v0;
	v0 =	vld [tilespmem:s1+$0x1900]  }
0x1de: {  	v7 =	vld [tilespmem:s14+$0x4000]  }
0x1df: {  	s14 =	sor.u32 $0x80, s29;
	v42 =	vmul.f32 v26, v22;
	v26 =	vld [tilespmem:$0x1FC20]  }
0x1e0: {  	[tilespmem:$0x1FF30] =	vst v11;
	v11 =	vld [tilespmem:s14+$0x0]  }
0x1e1: {  	[tilespmem:$0x1FF60] =	vst v12;
	v12 =	vld [tilespmem:s14+$0x4000]  }
0x1e2: {  	p1 =	sne.s32 s31, $0xF0;
	[tilespmem:$0x1FEC0] =	vst v0;
	v0 =	vld [tilespmem:s1+$0x5900]  }
.Ltmp0:
0x1e3: {  	s14 =	sor.u32 $0x280, s29;
	[tilespmem:$0x1FFB0] =	vst v15;
	v15 =	vmul.f32 v39, v38;
	v45 =	vmul.f32 v32, v27;
	v27 =	vld [tilespmem:$0x1FC50];
	(pc) =	sbr.rel @p1 .LBB2_3-.Ltmp0, $4  }
0x1e4: {  	[tilespmem:$0x1FF90] =	vst v14;
	v14 =	vld [tilespmem:s14+$0x0]  }
0x1e5: {  	[tilespmem:$0x1FFC0] =	vst v15;
	v15 =	vld [tilespmem:s14+$0x4000]  }
0x1e6: {  	v41 =	vmul.f32 v23, v21;
	v31 =	vmul.f32 v63, v62;
	v32 =	vld [tilespmem:$0x1FC40]  }
0x1e7: {  	v38 =	vmul.f32 v18, v17;
	v39 =	vmul.f32 v20, v19;
	[tilespmem:$0x1FED0] =	vst v0;
	v0 =	vld [tilespmem:s1+$0x800];
	s1 =	sor.u32 s31, s30;
	s31 =	sadd.s32 $0x10, s31  }
0x1e8: {  	_ = 	snop  }
0x1e9: {  	s14 =	sor.u32 $0x380, s1;
	v18 =	vld [tilespmem:s0+$0x4000]  }
0x1ea: {  	v21 =	vld [tilespmem:s14+$0x0]  }
0x1eb: {  	s31 =	sor.u32 $0xB80, s1;
	v1 =	vmul.f32 v2, v1;
	v24 =	vld [tilespmem:s14+$0x4000]  }
0x1ec: {  	s0 =	sor.u32 $0x980, s29;
	v2 =	vld [tilespmem:s31+$0x4000];
	v0 =	vmul.f32 v3, v0;
	v3 =	vmul.f32 v7, v5  }
0x1ed: {  	v5 =	vld [tilespmem:s0+$0x0];
	v7 =	vmul.f32 v8, v9;
	v8 =	vmul.f32 v13, v10  }
0x1ee: {  	v9 =	vld [tilespmem:s0+$0x4000];
	v10 =	vmul.f32 v12, v11;
	v11 =	vmul.f32 v15, v14  }
0x1ef: {  	v12 =	vld [tilespmem:s31+$0x0];
	v13 =	vmul.f32 v58, v16;
	s0 =	sor.u32 $0x1180, s29  }
0x1f0: {  	v22 =	vmul.f32 v57, v56;
	v15 =	vld [tilespmem:s0+$0x0];
	v7 =	vadd.f32 v8, v7;
	v8 =	vadd.f32 v11, v10  }
0x1f1: {  	s31 =	sor.u32 $0x1380, s1;
	v4 =	vmul.f32 v18, v4;
	v10 =	vmul.f32 v51, v49;
	v11 =	vld [tilespmem:s0+$0x4000];
	v1 =	vadd.f32 v1, v13  }
0x1f2: {  	v14 =	vmul.f32 v24, v21;
	v0 =	vadd.f32 v0, v7;
	v3 =	vadd.f32 v3, v8;
	v8 =	vld [tilespmem:s31+$0x4000]  }
0x1f3: {  	s14 =	sor.u32 $0x1980, s29;
	v7 =	vmul.f32 v43, v40;
	v1 =	vadd.f32 v10, v1;
	v5 =	vmul.f32 v9, v5;
	v9 =	vld [tilespmem:s31+$0x0]  }
0x1f4: {  	v4 =	vadd.f32 v14, v4;
	v2 =	vmul.f32 v2, v12;
	v12 =	vld [tilespmem:s14+$0x4000];
	s31 =	sor.u32 $0x1B80, s1  }
0x1f5: {  	v19 =	vmul.f32 v53, v52;
	v0 =	vadd.f32 v22, v0;
	v1 =	vadd.f32 v7, v1;
	v7 =	vld [tilespmem:s31+$0x0]  }
0x1f6: {  	v10 =	vmul.f32 v37, v36;
	v13 =	vld [tilespmem:s31+$0x4000];
	v4 =	vadd.f32 v5, v4  }
0x1f7: {  	v6 =	vmul.f32 v47, v46;
	v5 =	vld [tilespmem:s14+$0x0];
	v0 =	vadd.f32 v19, v0  }
0x1f8: {  	v1 =	vadd.f32 v10, v1;
	v10 =	vld [tilespmem:$0x1FEA0];
	v2 =	vadd.f32 v2, v4;
	v4 =	vmul.f32 v11, v15  }
0x1f9: {  	s14 =	sor.u32 $0x2180, s29;
	v0 =	vadd.f32 v6, v0;
	v6 =	vld [tilespmem:$0x1FEC0]  }
0x1fa: {  	v11 =	vmul.f32 v33, v28;
	v2 =	vadd.f32 v4, v2;
	v4 =	vmul.f32 v8, v9;
	v8 =	vld [tilespmem:s14+$0x0]  }
0x1fb: {  	v9 =	vld [tilespmem:$0x1FED0]  }
0x1fc: {  	v1 =	vadd.f32 v11, v1;
	v11 =	vld [tilespmem:$0x1FEB0];
	v2 =	vadd.f32 v4, v2;
	v4 =	vmul.f32 v12, v5  }
0x1fd: {  	v12 =	vld [tilespmem:$0x1FE90]  }
0x1fe: {  	s31 =	sor.u32 $0x2380, s1;
	v2 =	vadd.f32 v4, v2;
	v4 =	vmul.f32 v13, v7;
	v7 =	vld [tilespmem:$0x1FE80]  }
0x1ff: {  	v5 =	vld [tilespmem:s31+$0x0]  }
0x200: {  	v6 =	vmul.f32 v9, v6;
	v9 =	vld [tilespmem:s14+$0x4000]  }
0x201: {  	v10 =	vmul.f32 v11, v10;
	v11 =	vld [tilespmem:s31+$0x4000];
	s14 =	sor.u32 $0x2980, s29  }
0x202: {  	v1 =	vadd.f32 v6, v1;
	v6 =	vld [tilespmem:s14+$0x0]  }
0x203: {  	v7 =	vmul.f32 v12, v7;
	v12 =	vld [tilespmem:s14+$0x4000]  }
0x204: {  	v1 =	vadd.f32 v10, v1;
	v10 =	vld [tilespmem:$0x1FE70]  }
0x205: {  	v2 =	vadd.f32 v4, v2;
	v4 =	vmul.f32 v9, v8;
	v9 =	vld [tilespmem:$0x1FE60]  }
0x206: {  	s31 =	sor.u32 $0x2B80, s1  }
0x207: {  	v23 =	vmul.f32 v61, v59;
	v8 =	vld [tilespmem:s31+$0x0]  }
0x208: {  	v1 =	vadd.f32 v7, v1;
	v7 =	vld [tilespmem:$0x1FE40];
	v2 =	vadd.f32 v4, v2;
	v4 =	vmul.f32 v11, v5  }
0x209: {  	v20 =	vmul.f32 v55, v54;
	v3 =	vadd.f32 v23, v3;
	v11 =	vld [tilespmem:$0x1FE50]  }
0x20a: {  	v2 =	vadd.f32 v4, v2;
	v4 =	vmul.f32 v12, v6;
	v12 =	vld [tilespmem:$0x1FE30];
	v9 =	vmul.f32 v10, v9  }
0x20b: {  	v17 =	vmul.f32 v50, v48;
	v3 =	vadd.f32 v20, v3;
	v10 =	vld [tilespmem:s31+$0x4000]  }
0x20c: {  	v0 =	vadd.f32 v44, v0;
	v1 =	vadd.f32 v9, v1;
	v9 =	vld [tilespmem:$0x1FE20]  }
0x20d: {  	v3 =	vadd.f32 v17, v3  }
0x20e: {  	v0 =	vadd.f32 v41, v0  }
0x20f: {  	v3 =	vadd.f32 v45, v3;
	v7 =	vmul.f32 v11, v7  }
0x210: {  	v0 =	vadd.f32 v38, v0;
	v2 =	vadd.f32 v4, v2  }
0x211: {  	v1 =	vadd.f32 v7, v1;
	v4 =	vmul.f32 v10, v8;
	v8 =	vld [tilespmem:$0x1FFE0];
	v9 =	vmul.f32 v12, v9  }
0x212: {  	v0 =	vadd.f32 v34, v0  }
0x213: {  	v3 =	vadd.f32 v42, v3;
	v1 =	vadd.f32 v9, v1;
	v9 =	vld [tilespmem:$0x1FFB0]  }
0x214: {  	v0 =	vadd.f32 v30, v0  }
0x215: {  	v3 =	vadd.f32 v39, v3;
	s14 =	sor.u32 $0x3180, s29  }
0x216: {  	v5 =	vld [tilespmem:s14+$0x0];
	v0 =	vadd.f32 v8, v0  }
0x217: {  	v3 =	vadd.f32 v35, v3;
	v11 =	vld [tilespmem:s14+$0x4000]  }
0x218: {  	s31 =	sor.u32 $0x3380, s1;
	v0 =	vadd.f32 v9, v0;
	v9 =	vld [tilespmem:$0x1FFC0]  }
0x219: {  	v3 =	vadd.f32 v31, v3;
	v6 =	vld [tilespmem:s31+$0x0]  }
0x21a: {  	v10 =	vld [tilespmem:$0x1FE10]  }
0x21b: {  	v3 =	vadd.f32 v29, v3;
	v8 =	vld [tilespmem:$0x1FE00]  }
0x21c: {  	v2 =	vadd.f32 v4, v2;
	v4 =	vmul.f32 v11, v5;
	v11 =	vld [tilespmem:$0x1FDF0]  }
0x21d: {  	v3 =	vadd.f32 v9, v3;
	v9 =	vld [tilespmem:$0x1FDE0]  }
0x21e: {  	s14 =	sor.u32 $0x3980, s29;
	v12 =	vld [tilespmem:s31+$0x4000]  }
0x21f: {  	v7 =	vld [tilespmem:s14+$0x0]  }
0x220: {  	s31 =	sor.u32 $0x3B80, s1;
	v8 =	vmul.f32 v10, v8;
	v10 =	vld [tilespmem:s14+$0x4000]  }
0x221: {  	v5 =	vld [tilespmem:s31+$0x0]  }
0x222: {  	v9 =	vmul.f32 v11, v9;
	v11 =	vld [tilespmem:s31+$0x4000]  }
0x223: {  	v2 =	vadd.f32 v4, v2;
	v4 =	vmul.f32 v12, v6;
	v6 =	vld [tilespmem:$0x1FF80];
	_ =	sdelay $0x1  }
0x224: {  	v2 =	vadd.f32 v4, v2;
	v4 =	vmul.f32 v10, v7;
	v7 =	vld [tilespmem:$0x1FF50];
	_ =	sdelay $0x1  }
0x225: {  	v2 =	vadd.f32 v4, v2;
	v4 =	vmul.f32 v11, v5;
	v5 =	vld [tilespmem:$0x1FF00]  }
0x226: {  	v0 =	vadd.f32 v6, v0;
	v6 =	vld [tilespmem:$0x1FF90];
	_ =	sdelay $0x1  }
0x227: {  	v0 =	vadd.f32 v7, v0;
	v7 =	vld [tilespmem:$0x1FF60]  }
0x228: {  	v1 =	vadd.f32 v8, v1  }
0x229: {  	v0 =	vadd.f32 v5, v0;
	v5 =	vld [tilespmem:$0x1FF30]  }
0x22a: {  	v3 =	vadd.f32 v6, v3;
	v6 =	vmul.f32 v32, v27;
	v1 =	vadd.f32 v9, v1;
	_ =	sdelay $0x1  }
0x22b: {  	v1 =	vadd.f32 v6, v1;
	v3 =	vadd.f32 v7, v3;
	v7 =	vmul.f32 v26, v25  }
0x22c: {  	v2 =	vadd.f32 v4, v2  }
0x22d: {  	v1 =	vadd.f32 v7, v1;
	v3 =	vadd.f32 v5, v3;
	_ =	sdelay $0x1  }
0x22e: {  	v1 =	vadd.f32 v2, v1;
	v0 =	vadd.f32 v3, v0;
	_ =	sdelay $0x1  }
0x22f: {  	s1 =	sadd.s32 s4, s26;
	v0 =	vadd.f32 v1, v0  }
0x230: {  	s0 =	sshrl.u32 s1, $0x3;
	s14 =	sadd.s32 $0x10, s28  }
0x231: {  	p1 =	seq.s32 s24, $0xC;
	s0 =	sadd.s32 s5, s0;
	[tilespmem:s14+$0x0] =	vst v0  }
0x232: {  	[hbm4b:s0+s3] =	stream.linear.scatter [tilespmem:s18], [sflag:$0x3], $0x100, $0x38;
	[tilespmem:$0x10200] =	vst v63  }
0x233: {  	s28 =	simm.s32 @!p1 $0x0;
	s0 =	sadd.s32 @!p1 s26, s10  }
0x234: {  	s14 =	simm.s32 @!p1 $0x800;
	s26 =	simm.s32 @!p1 $0x61A800;
	s1 =	sadd.s32 @!p1 s2, s0  }
0x235: {  	[tilespmem:s28], [sflag:$0x1] =	stream.strided.gather @!p1 [hbm4b:s1+s14], $0x4000, s26, s14, $0x38;
	[tilespmem:$0x10200] =	vst v63  }
0x236: {  	s0 =	sadd.s32 @!p1 s0, s9;
	s1 =	simm.s32 @!p1 $0x4000  }
0x237: {  	[tilespmem:s1], [sflag:$0x1] =	stream.strided.gather @!p1 [hbm4b:s0+s14], $0x4000, s26, s14, $0x38;
	[tilespmem:$0x10200] =	vst v63  }
0x238: {  	_ =	swait.ge [sflag:s19], $0x4000  }
0x239: {  	[sflag:s19] =	ssyncset.done $0x0  }
0x23a: {  	[sflag:s19] =	ssyncadd.s32 $0xFFFFC000  }
0x23b: {  	_ =	swait.ge [sflag:s19], $0x4000  }
0x23c: {  	[sflag:s19] =	ssyncset.done $0x0  }
0x23d: {  	s0 =	simm.s32 @!p0 $0x4;
	[sflag:s19] =	ssyncadd.s32 $0xFFFFC000  }
0x23e: {  	s26 =	simm.s32 $0x0;
	_ =	swait.ge @!p0 [sflag:s0], $0x100  }
0x23f: {  	s1 =	sand.u32 $0x70, s26;
	s14 =	sand.u32 $0x400, s26;
	[sflag:s0] =	ssyncset.done @!p0 $0x0  }
0x240: {  	s28 =	sor.u32 s1, s14;
	[sflag:s0] =	ssyncadd.s32 @!p0 $0xFFFFFF00  }
0x241: {  	v0 =	vld [tilespmem:s28+$0xBB00];
	_ =	sdelay $0x4  }
0x242: {  	[tilespmem:$0x1F960] =	vst v0;
	v0 =	vld [tilespmem:s28+$0xFB00];
	_ =	sdelay $0x4  }
0x243: {  	[tilespmem:$0x1F970] =	vst v0;
	v0 =	vld [tilespmem:s28+$0xB900];
	_ =	sdelay $0x4  }
0x244: {  	[tilespmem:$0x1F940] =	vst v0;
	v0 =	vld [tilespmem:s28+$0xF900];
	_ =	sdelay $0x4  }
0x245: {  	[tilespmem:$0x1F950] =	vst v0;
	v0 =	vld [tilespmem:s28+$0xB300];
	_ =	sdelay $0x2  }
0x246: {  	s31 =	sand.u32 $0xFFFFFC00, s26;
	v29 =	vld [tilespmem:s28+$0xBA00]  }
0x247: {  	s1 =	sadd.s32 $0x0, s31;
	v25 =	vld [tilespmem:s28+$0xFA00]  }
0x248: {  	s0 =	sor.u32 $0x3A80, s1;
	[tilespmem:$0x1F920] =	vst v0;
	v0 =	vld [tilespmem:s28+$0xF300]  }
0x249: {  	v24 =	vld [tilespmem:s0+$0x8000]  }
0x24a: {  	v19 =	vld [tilespmem:s0+$0xC000]  }
0x24b: {  	v20 =	vld [tilespmem:s28+$0xB800]  }
0x24c: {  	v21 =	vld [tilespmem:s28+$0xF800]  }
0x24d: {  	s31 =	sor.u32 $0x3880, s1;
	[tilespmem:$0x1F930] =	vst v0;
	v0 =	vld [tilespmem:s28+$0xB100]  }
0x24e: {  	v22 =	vld [tilespmem:s31+$0x8000]  }
0x24f: {  	v23 =	vld [tilespmem:s31+$0xC000]  }
0x250: {  	v26 =	vld [tilespmem:s28+$0xB200]  }
0x251: {  	v27 =	vld [tilespmem:s28+$0xF200]  }
0x252: {  	s14 =	sor.u32 $0x3280, s1;
	[tilespmem:$0x1F900] =	vst v0;
	v0 =	vld [tilespmem:s28+$0xF100]  }
0x253: {  	v30 =	vld [tilespmem:s14+$0x8000]  }
0x254: {  	v31 =	vld [tilespmem:s14+$0xC000]  }
0x255: {  	v32 =	vld [tilespmem:s28+$0xB000]  }
0x256: {  	v33 =	vld [tilespmem:s28+$0xF000]  }
0x257: {  	[tilespmem:$0x1F910] =	vst v0;
	v0 =	vld [tilespmem:s28+$0xAB00]  }
0x258: {  	v36 =	vld [tilespmem:s28+$0xAA00]  }
0x259: {  	v37 =	vld [tilespmem:s28+$0xEA00]  }
0x25a: {  	v40 =	vld [tilespmem:s28+$0xA800]  }
0x25b: {  	v41 =	vld [tilespmem:s28+$0xE800]  }
0x25c: {  	[tilespmem:$0x1F8E0] =	vst v0;
	v0 =	vld [tilespmem:s28+$0xEB00]  }
0x25d: {  	v44 =	vld [tilespmem:s28+$0xA200]  }
0x25e: {  	v45 =	vld [tilespmem:s28+$0xE200]  }
0x25f: {  	v48 =	vld [tilespmem:s28+$0xA000]  }
0x260: {  	v49 =	vld [tilespmem:s28+$0xE000]  }
0x261: {  	[tilespmem:$0x1F8F0] =	vst v0;
	v0 =	vld [tilespmem:s28+$0xA900]  }
0x262: {  	v52 =	vld [tilespmem:s28+$0x9A00]  }
0x263: {  	v53 =	vld [tilespmem:s28+$0xDA00]  }
0x264: {  	v56 =	vld [tilespmem:s28+$0x9800]  }
0x265: {  	v57 =	vld [tilespmem:s28+$0xD800]  }
0x266: {  	[tilespmem:$0x1F8C0] =	vst v0;
	v0 =	vld [tilespmem:s28+$0xE900]  }
0x267: {  	v60 =	vld [tilespmem:s28+$0x9200]  }
0x268: {  	v61 =	vld [tilespmem:s28+$0xD200]  }
0x269: {  	v14 =	vld [tilespmem:s28+$0x9000]  }
0x26a: {  	v12 =	vld [tilespmem:s28+$0xD000]  }
0x26b: {  	[tilespmem:$0x1F8D0] =	vst v0;
	v0 =	vld [tilespmem:s28+$0xA300]  }
0x26c: {  	v28 =	vld [tilespmem:s28+$0xD100]  }
0x26d: {  	v10 =	vld [tilespmem:s28+$0x8A00]  }
0x26e: {  	v8 =	vld [tilespmem:s28+$0xCA00]  }
0x26f: {  	v18 =	vld [tilespmem:s28+$0x8B00]  }
0x270: {  	[tilespmem:$0x1F8A0] =	vst v0;
	v0 =	vld [tilespmem:s28+$0xE300]  }
0x271: {  	v17 =	vld [tilespmem:s28+$0xCB00]  }
0x272: {  	v7 =	vld [tilespmem:s28+$0x8800]  }
0x273: {  	v4 =	vld [tilespmem:s28+$0xC800]  }
0x274: {  	v16 =	vld [tilespmem:s28+$0x8900]  }
0x275: {  	[tilespmem:$0x1F8B0] =	vst v0;
	v0 =	vld [tilespmem:s28+$0xA100]  }
0x276: {  	v15 =	vld [tilespmem:s28+$0xC900]  }
0x277: {  	v2 =	vld [tilespmem:s28+$0xC000]  }
0x278: {  	s31 =	sor.u32 $0x3080, s1;
	v1 =	vld [tilespmem:s28+$0x8200]  }
0x279: {  	v34 =	vld [tilespmem:s31+$0x8000]  }
0x27a: {  	[tilespmem:$0x1F880] =	vst v0;
	v0 =	vld [tilespmem:s28+$0xE100]  }
0x27b: {  	s14 =	sor.u32 $0x2A80, s1;
	v35 =	vld [tilespmem:s31+$0xC000]  }
0x27c: {  	v38 =	vld [tilespmem:s14+$0x8000]  }
0x27d: {  	v39 =	vld [tilespmem:s14+$0xC000];
	s31 =	sor.u32 $0x2880, s1  }
0x27e: {  	v42 =	vld [tilespmem:s31+$0x8000]  }
0x27f: {  	[tilespmem:$0x1F890] =	vst v0;
	v0 =	vld [tilespmem:s28+$0x9B00]  }
0x280: {  	s14 =	sor.u32 $0x2280, s1;
	v43 =	vld [tilespmem:s31+$0xC000]  }
0x281: {  	v46 =	vld [tilespmem:s14+$0x8000]  }
0x282: {  	v47 =	vld [tilespmem:s14+$0xC000];
	s31 =	sor.u32 $0x2080, s1  }
0x283: {  	v50 =	vld [tilespmem:s31+$0x8000]  }
0x284: {  	[tilespmem:$0x1F860] =	vst v0;
	v0 =	vld [tilespmem:s28+$0xDB00]  }
0x285: {  	s14 =	sor.u32 $0x1A80, s1;
	v51 =	vld [tilespmem:s31+$0xC000]  }
0x286: {  	v54 =	vld [tilespmem:s14+$0x8000]  }
0x287: {  	v55 =	vld [tilespmem:s14+$0xC000];
	s31 =	sor.u32 $0x1880, s1  }
0x288: {  	v58 =	vld [tilespmem:s31+$0x8000]  }
0x289: {  	[tilespmem:$0x1F870] =	vst v0;
	v0 =	vld [tilespmem:s28+$0x9900]  }
0x28a: {  	s14 =	sor.u32 $0x1280, s1;
	v59 =	vld [tilespmem:s31+$0xC000]  }
0x28b: {  	v62 =	vld [tilespmem:s14+$0x8000]  }
0x28c: {  	v63 =	vld [tilespmem:s14+$0xC000];
	s31 =	sor.u32 $0x1080, s1  }
0x28d: {  	v13 =	vld [tilespmem:s31+$0x8000]  }
0x28e: {  	[tilespmem:$0x1F840] =	vst v0;
	v0 =	vld [tilespmem:s28+$0xD900]  }
0x28f: {  	s14 =	sor.u32 $0xA80, s1;
	v11 =	vld [tilespmem:s31+$0xC000]  }
0x290: {  	v9 =	vld [tilespmem:s14+$0x8000]  }
0x291: {  	v6 =	vld [tilespmem:s14+$0xC000]  }
0x292: {  	v19 =	vmul.f32 v19, v24;
	v24 =	vld [tilespmem:s28+$0xC200]  }
0x293: {  	s31 =	sor.u32 $0x880, s1;
	[tilespmem:$0x1F850] =	vst v0;
	v0 =	vld [tilespmem:s28+$0x9300]  }
0x294: {  	v5 =	vld [tilespmem:s31+$0x8000]  }
0x295: {  	v25 =	vmul.f32 v25, v29;
	s14 =	sor.u32 $0x80, s1;
	v3 =	vld [tilespmem:s31+$0xC000]  }
0x296: {  	v30 =	vmul.f32 v31, v30;
	v31 =	vld [tilespmem:s14+$0xC000]  }
0x297: {  	[tilespmem:$0x1F980] =	vst v25;
	v25 =	vmul.f32 v21, v20;
	v21 =	vld [tilespmem:s14+$0x8000]  }
0x298: {  	s31 =	sor.u32 $0x280, s1;
	[tilespmem:$0x1F820] =	vst v0;
	v0 =	vld [tilespmem:s28+$0xD300]  }
0x299: {  	v29 =	vmul.f32 v23, v22;
	v22 =	vmul.f32 v33, v32;
	v32 =	vld [tilespmem:s31+$0x8000]  }
0x29a: {  	v33 =	vld [tilespmem:s31+$0xC000]  }
0x29b: {  	v20 =	vmul.f32 v27, v26;
	v26 =	vmul.f32 v37, v36;
	v36 =	vld [tilespmem:s28+$0x8100]  }
0x29c: {  	v27 =	vmul.f32 v39, v38;
	v39 =	vld [tilespmem:s28+$0xC100]  }
0x29d: {  	[tilespmem:$0x1F830] =	vst v0;
	v0 =	vld [tilespmem:s28+$0x9100]  }
0x29e: {  	v23 =	vmul.f32 v35, v34;
	v35 =	vmul.f32 v43, v42;
	v42 =	vld [tilespmem:s28+$0x8300]  }
0x29f: {  	s14 =	sor.u32 $0x180, s1;
	v54 =	vmul.f32 v55, v54;
	v55 =	vld [tilespmem:s28+$0xC300]  }
0x2a0: {  	v56 =	vmul.f32 v57, v56;
	v57 =	vmul.f32 v59, v58;
	v58 =	vld [tilespmem:s14+$0x8000]  }
0x2a1: {  	s26 =	sor.u32 s26, s26;
	v59 =	vmul.f32 v61, v60;
	v61 =	vld [tilespmem:s14+$0xC000]  }
0x2a2: {  	v12 =	vmul.f32 v12, v14;
	s31 =	sor.u32 $0x380, s26;
	[tilespmem:$0x1F810] =	vst v0;
	v0 =	vld [tilespmem:s28+$0x8000]  }
0x2a3: {  	v8 =	vmul.f32 v8, v10;
	v11 =	vmul.f32 v11, v13;
	v13 =	vld [tilespmem:s31+$0x8000]  }
0x2a4: {  	s0 =	sor.u32 $0x980, s1;
	v4 =	vmul.f32 v4, v7;
	v6 =	vmul.f32 v6, v9;
	v9 =	vld [tilespmem:s31+$0xC000]  }
0x2a5: {  	v60 =	vmul.f32 v63, v62;
	s31 =	sor.u32 $0xB80, s26;
	v3 =	vmul.f32 v3, v5;
	v5 =	vld [tilespmem:s0+$0x8000]  }
0x2a6: {  	v1 =	vmul.f32 v24, v1;
	v14 =	vld [tilespmem:s31+$0x8000];
	v7 =	vmul.f32 v31, v21  }
0x2a7: {  	v10 =	vmul.f32 v33, v32;
	v0 =	vmul.f32 v2, v0;
	v2 =	vld [tilespmem:s0+$0xC000]  }
0x2a8: {  	v62 =	vmul.f32 v39, v36;
	v31 =	vld [tilespmem:s31+$0xC000];
	v24 =	vmul.f32 v55, v42;
	s0 =	sor.u32 $0x1180, s1  }
0x2a9: {  	v9 =	vmul.f32 v9, v13;
	v13 =	vld [tilespmem:s0+$0x8000];
	v0 =	vadd.f32 v1, v0;
	v1 =	vadd.f32 v10, v7  }
0x2aa: {  	s31 =	sor.u32 $0x1380, s26;
	v7 =	vmul.f32 v15, v16;
	v10 =	vld [tilespmem:s0+$0xC000];
	v15 =	vadd.f32 v24, v62  }
0x2ab: {  	v0 =	vadd.f32 v4, v0;
	v1 =	vadd.f32 v3, v1;
	v4 =	vld [tilespmem:s31+$0xC000]  }
0x2ac: {  	v63 =	vmul.f32 v61, v58;
	v2 =	vmul.f32 v2, v5;
	v5 =	vld [tilespmem:s31+$0x8000]  }
0x2ad: {  	v3 =	vmul.f32 v17, v18;
	v7 =	vadd.f32 v7, v15;
	s31 =	sor.u32 $0x1980, s1;
	v1 =	vadd.f32 v6, v1;
	v6 =	vld [tilespmem:$0x1F810]  }
0x2ae: {  	v9 =	vadd.f32 v9, v63;
	v0 =	vadd.f32 v8, v0;
	v8 =	vld [tilespmem:s31+$0xC000]  }
0x2af: {  	v3 =	vadd.f32 v3, v7;
	v7 =	vmul.f32 v10, v13;
	v10 =	vld [tilespmem:$0x1F820]  }
0x2b0: {  	v2 =	vadd.f32 v2, v9;
	v9 =	vmul.f32 v31, v14;
	v1 =	vadd.f32 v11, v1;
	v11 =	vld [tilespmem:$0x1F830]  }
0x2b1: {  	v14 =	vld [tilespmem:s31+$0x8000]  }
0x2b2: {  	s14 =	sor.u32 $0x1B80, s26;
	v0 =	vadd.f32 v12, v0;
	v12 =	vld [tilespmem:$0x1F870];
	v2 =	vadd.f32 v9, v2  }
0x2b3: {  	v9 =	vld [tilespmem:s14+$0x8000]  }
0x2b4: {  	v6 =	vmul.f32 v28, v6;
	v2 =	vadd.f32 v7, v2;
	v7 =	vld [tilespmem:$0x1F850]  }
0x2b5: {  	v10 =	vmul.f32 v11, v10;
	v11 =	vld [tilespmem:s14+$0xC000]  }
0x2b6: {  	s31 =	sor.u32 $0x2180, s1;
	v4 =	vmul.f32 v4, v5;
	v3 =	vadd.f32 v6, v3;
	v6 =	vld [tilespmem:$0x1F840]  }
0x2b7: {  	v5 =	vld [tilespmem:s31+$0x8000]  }
0x2b8: {  	s14 =	sor.u32 $0x2380, s26;
	v2 =	vadd.f32 v4, v2;
	v4 =	vmul.f32 v8, v14;
	v3 =	vadd.f32 v10, v3;
	v10 =	vld [tilespmem:$0x1F860]  }
0x2b9: {  	v8 =	vld [tilespmem:s14+$0x8000]  }
0x2ba: {  	v2 =	vadd.f32 v4, v2;
	v4 =	vmul.f32 v11, v9;
	v9 =	vld [tilespmem:$0x1F880]  }
0x2bb: {  	v6 =	vmul.f32 v7, v6;
	v11 =	vld [tilespmem:$0x1F890]  }
0x2bc: {  	v7 =	vld [tilespmem:s31+$0xC000]  }
0x2bd: {  	s31 =	sor.u32 $0x2980, s1;
	v10 =	vmul.f32 v12, v10;
	v12 =	vld [tilespmem:s14+$0xC000];
	v3 =	vadd.f32 v6, v3  }
0x2be: {  	v6 =	vld [tilespmem:s31+$0x8000]  }
0x2bf: {  	v3 =	vadd.f32 v10, v3;
	v10 =	vld [tilespmem:$0x1F8B0]  }
0x2c0: {  	v9 =	vmul.f32 v11, v9;
	v11 =	vld [tilespmem:s31+$0xC000]  }
0x2c1: {  	s14 =	sor.u32 $0x2B80, s26;
	v2 =	vadd.f32 v4, v2;
	v4 =	vmul.f32 v7, v5;
	v7 =	vld [tilespmem:$0x1F8A0]  }
0x2c2: {  	v5 =	vld [tilespmem:s14+$0x8000]  }
0x2c3: {  	v3 =	vadd.f32 v9, v3;
	v9 =	vld [tilespmem:$0x1F8C0]  }
0x2c4: {  	s31 =	sor.u32 $0x3180, s1;
	v2 =	vadd.f32 v4, v2;
	v4 =	vmul.f32 v12, v8;
	v12 =	vld [tilespmem:$0x1F8D0]  }
0x2c5: {  	v8 =	vld [tilespmem:s31+$0x8000]  }
0x2c6: {  	v7 =	vmul.f32 v10, v7;
	v10 =	vld [tilespmem:s14+$0xC000]  }
0x2c7: {  	v2 =	vadd.f32 v4, v2;
	v4 =	vmul.f32 v11, v6;
	v11 =	vld [tilespmem:$0x1F8F0]  }
0x2c8: {  	s14 =	sor.u32 $0x3380, s26;
	v3 =	vadd.f32 v7, v3;
	v7 =	vld [tilespmem:$0x1F8E0]  }
0x2c9: {  	v1 =	vadd.f32 v60, v1;
	v6 =	vld [tilespmem:s14+$0x8000];
	v9 =	vmul.f32 v12, v9  }
0x2ca: {  	v34 =	vmul.f32 v41, v40;
	v0 =	vadd.f32 v59, v0;
	v12 =	vld [tilespmem:s31+$0xC000]  }
0x2cb: {  	v43 =	vmul.f32 v53, v52;
	v1 =	vadd.f32 v57, v1;
	v3 =	vadd.f32 v9, v3;
	v9 =	vld [tilespmem:$0x1F900]  }
0x2cc: {  	v0 =	vadd.f32 v56, v0;
	v2 =	vadd.f32 v4, v2;
	v4 =	vmul.f32 v10, v5;
	v10 =	vld [tilespmem:$0x1F910]  }
0x2cd: {  	v41 =	vmul.f32 v51, v50;
	v1 =	vadd.f32 v54, v1;
	s31 =	sor.u32 $0x3980, s1;
	v7 =	vmul.f32 v11, v7;
	v11 =	vld [tilespmem:s14+$0xC000]  }
0x2ce: {  	v40 =	vmul.f32 v49, v48;
	v38 =	vmul.f32 v47, v46;
	v0 =	vadd.f32 v43, v0;
	v5 =	vld [tilespmem:s31+$0x8000]  }
0x2cf: {  	v1 =	vadd.f32 v41, v1;
	v2 =	vadd.f32 v4, v2;
	v4 =	vmul.f32 v12, v8;
	v8 =	vld [tilespmem:$0x1F920]  }
0x2d0: {  	v37 =	vmul.f32 v45, v44;
	v0 =	vadd.f32 v40, v0;
	v12 =	vld [tilespmem:$0x1F930]  }
0x2d1: {  	v1 =	vadd.f32 v38, v1;
	v3 =	vadd.f32 v7, v3;
	v9 =	vmul.f32 v10, v9;
	v10 =	vld [tilespmem:s31+$0xC000]  }
0x2d2: {  	v0 =	vadd.f32 v37, v0;
	v2 =	vadd.f32 v4, v2;
	v4 =	vmul.f32 v11, v6;
	v6 =	vld [tilespmem:$0x1F940]  }
0x2d3: {  	v1 =	vadd.f32 v35, v1;
	v3 =	vadd.f32 v9, v3;
	v9 =	vld [tilespmem:$0x1F950]  }
0x2d4: {  	v0 =	vadd.f32 v34, v0;
	s1 =	sor.u32 $0x3B80, s26  }
0x2d5: {  	v1 =	vadd.f32 v27, v1;
	v7 =	vld [tilespmem:s1+$0x8000];
	v8 =	vmul.f32 v12, v8  }
0x2d6: {  	v0 =	vadd.f32 v26, v0;
	v12 =	vld [tilespmem:s1+$0xC000]  }
0x2d7: {  	v1 =	vadd.f32 v23, v1;
	v3 =	vadd.f32 v8, v3;
	v8 =	vld [tilespmem:$0x1F970]  }
0x2d8: {  	v2 =	vadd.f32 v4, v2;
	v4 =	vmul.f32 v10, v5;
	v5 =	vld [tilespmem:$0x1F960];
	v6 =	vmul.f32 v9, v6  }
0x2d9: {  	v0 =	vadd.f32 v22, v0  }
0x2da: {  	v1 =	vadd.f32 v30, v1;
	v3 =	vadd.f32 v6, v3;
	v6 =	vld [tilespmem:$0x1F980]  }
0x2db: {  	v0 =	vadd.f32 v20, v0  }
0x2dc: {  	v1 =	vadd.f32 v29, v1;
	v2 =	vadd.f32 v4, v2;
	v4 =	vmul.f32 v12, v7  }
0x2dd: {  	v0 =	vadd.f32 v25, v0;
	v5 =	vmul.f32 v8, v5  }
0x2de: {  	v1 =	vadd.f32 v19, v1;
	v2 =	vadd.f32 v4, v2  }
0x2df: {  	v3 =	vadd.f32 v5, v3;
	v0 =	vadd.f32 v6, v0;
	_ =	sdelay $0x1  }
0x2e0: {  	v0 =	vadd.f32 v1, v0;
	v1 =	vadd.f32 v2, v3;
	_ =	sdelay $0x1  }
0x2e1: {  	s29 =	simm.s32 $0x80;
	s1 =	simm.s32 $0x10;
	v0 =	vadd.f32 v1, v0  }
0x2e2: {  	s26 =	simm.s32 $0x10100;
	s31 =	sand.u32 $0x400, s29;
	s14 =	sand.u32 $0x70, s1  }
0x2e3: {  	s30 =	sor.u32 s14, s31;
	[tilespmem:s26+$0x0] =	vst v0  }
0x2e4: {  	v0 =	vld [tilespmem:s30+$0xBA00];
	_ =	sdelay $0x4  }
0x2e5: {  	[tilespmem:$0x1FAA0] =	vst v0;
	v0 =	vld [tilespmem:s30+$0xFA00];
	_ =	sdelay $0x1  }
0x2e6: {  	s28 =	sand.u32 $0xFFFFFC00, s29  }
0x2e7: {  	s28 =	sadd.s32 $0x10, s28  }
0x2e8: {  	s14 =	sor.u32 $0x3A80, s28  }
0x2e9: {  	[tilespmem:$0x1FA90] =	vst v0;
	v0 =	vld [tilespmem:s14+$0x8000];
	_ =	sdelay $0x4  }
0x2ea: {  	[tilespmem:$0x1FAC0] =	vst v0;
	v0 =	vld [tilespmem:s14+$0xC000];
	_ =	sdelay $0x4  }
0x2eb: {  	[tilespmem:$0x1FAD0] =	vst v0;
	v0 =	vld [tilespmem:s30+$0xB800];
	_ =	sdelay $0x4  }
0x2ec: {  	[tilespmem:$0x1FAF0] =	vst v0;
	v0 =	vld [tilespmem:s30+$0xB200]  }
0x2ed: {  	v25 =	vld [tilespmem:s30+$0xBB00]  }
0x2ee: {  	v26 =	vld [tilespmem:s30+$0xFB00]  }
0x2ef: {  	s31 =	sor.u32 $0x3880, s28;
	v18 =	vld [tilespmem:s30+$0xF800]  }
0x2f0: {  	v19 =	vld [tilespmem:s31+$0x8000]  }
0x2f1: {  	[tilespmem:$0x1FB20] =	vst v0;
	v0 =	vld [tilespmem:s30+$0xB300]  }
0x2f2: {  	v12 =	vld [tilespmem:s31+$0xC000]  }
0x2f3: {  	v27 =	vld [tilespmem:s30+$0xB900]  }
0x2f4: {  	v32 =	vld [tilespmem:s30+$0xF900]  }
0x2f5: {  	v21 =	vld [tilespmem:s30+$0xF200]  }
0x2f6: {  	[tilespmem:$0x1F990] =	vst v0;
	v0 =	vld [tilespmem:s30+$0xF300]  }
0x2f7: {  	v20 =	vld [tilespmem:s30+$0xF000]  }
0x2f8: {  	v23 =	vld [tilespmem:s30+$0xEA00]  }
0x2f9: {  	v30 =	vld [tilespmem:s30+$0xE800]  }
0x2fa: {  	v34 =	vld [tilespmem:s30+$0xA200]  }
0x2fb: {  	[tilespmem:$0x1F9A0] =	vst v0;
	v0 =	vld [tilespmem:s30+$0xB000]  }
0x2fc: {  	v58 =	vld [tilespmem:s30+$0xE200]  }
0x2fd: {  	v63 =	vld [tilespmem:s30+$0xA000]  }
0x2fe: {  	v38 =	vld [tilespmem:s30+$0xE000]  }
0x2ff: {  	v60 =	vld [tilespmem:s30+$0x9A00]  }
0x300: {  	[tilespmem:$0x1FB50] =	vst v0;
	v0 =	vld [tilespmem:s30+$0xB100]  }
0x301: {  	v41 =	vld [tilespmem:s30+$0xDA00]  }
0x302: {  	v45 =	vld [tilespmem:s30+$0x9800]  }
0x303: {  	v44 =	vld [tilespmem:s30+$0xD800]  }
0x304: {  	v46 =	vld [tilespmem:s30+$0x9200]  }
0x305: {  	[tilespmem:$0x1F9B0] =	vst v0;
	v0 =	vld [tilespmem:s30+$0xF100]  }
0x306: {  	v47 =	vld [tilespmem:s30+$0xD200]  }
0x307: {  	v28 =	vld [tilespmem:s30+$0x9300]  }
0x308: {  	v33 =	vld [tilespmem:s30+$0xD300]  }
0x309: {  	v52 =	vld [tilespmem:s30+$0x9000]  }
0x30a: {  	[tilespmem:$0x1F9C0] =	vst v0;
	v0 =	vld [tilespmem:s30+$0xAA00]  }
0x30b: {  	v53 =	vld [tilespmem:s30+$0xD000]  }
0x30c: {  	v36 =	vld [tilespmem:s30+$0x9100]  }
0x30d: {  	v37 =	vld [tilespmem:s30+$0xD100]  }
0x30e: {  	v56 =	vld [tilespmem:s30+$0x8A00]  }
0x30f: {  	[tilespmem:$0x1FB80] =	vst v0;
	v0 =	vld [tilespmem:s30+$0xAB00]  }
0x310: {  	v57 =	vld [tilespmem:s30+$0xCA00]  }
0x311: {  	v40 =	vld [tilespmem:s30+$0x8B00]  }
0x312: {  	v43 =	vld [tilespmem:s30+$0xCB00]  }
0x313: {  	v3 =	vld [tilespmem:s30+$0xC800]  }
0x314: {  	[tilespmem:$0x1F9D0] =	vst v0;
	v0 =	vld [tilespmem:s30+$0xEB00]  }
0x315: {  	v49 =	vld [tilespmem:s30+$0x8900]  }
0x316: {  	v51 =	vld [tilespmem:s30+$0xC900]  }
0x317: {  	v8 =	vld [tilespmem:s30+$0xC000]  }
0x318: {  	v9 =	vld [tilespmem:s30+$0x8000]  }
0x319: {  	[tilespmem:$0x1F9E0] =	vst v0;
	v0 =	vld [tilespmem:s30+$0xA800]  }
0x31a: {  	s31 =	sor.u32 $0x3080, s28;
	v10 =	vld [tilespmem:s30+$0x8200]  }
0x31b: {  	v22 =	vld [tilespmem:s31+$0x8000]  }
0x31c: {  	v14 =	vld [tilespmem:s31+$0xC000];
	s31 =	sor.u32 $0x2880, s28  }
0x31d: {  	v31 =	vld [tilespmem:s31+$0x8000]  }
0x31e: {  	[tilespmem:$0x1FBA0] =	vst v0;
	v0 =	vld [tilespmem:s30+$0xA900]  }
0x31f: {  	v16 =	vld [tilespmem:s31+$0xC000];
	s31 =	sor.u32 $0x2080, s28  }
0x320: {  	v39 =	vld [tilespmem:s31+$0x8000]  }
0x321: {  	v1 =	vld [tilespmem:s31+$0xC000];
	s31 =	sor.u32 $0x1880, s28  }
0x322: {  	v6 =	vld [tilespmem:s31+$0x8000]  }
0x323: {  	[tilespmem:$0x1F9F0] =	vst v0;
	v0 =	vld [tilespmem:s30+$0xE900]  }
0x324: {  	v4 =	vld [tilespmem:s31+$0xC000];
	s31 =	sor.u32 $0x1080, s28  }
0x325: {  	v54 =	vld [tilespmem:s31+$0x8000]  }
0x326: {  	v55 =	vld [tilespmem:s31+$0xC000]  }
0x327: {  	v34 =	vmul.f32 v58, v34;
	v58 =	vld [tilespmem:s30+$0xC100]  }
0x328: {  	s31 =	sor.u32 $0x880, s28;
	[tilespmem:$0x1FA00] =	vst v0;
	v0 =	vld [tilespmem:s30+$0xA300]  }
0x329: {  	v5 =	vld [tilespmem:s31+$0x8000]  }
0x32a: {  	v7 =	vld [tilespmem:s31+$0xC000]  }
0x32b: {  	v11 =	vld [tilespmem:$0x1FAA0]  }
0x32c: {  	v14 =	vmul.f32 v14, v22;
	v31 =	vmul.f32 v16, v31;
	v16 =	vld [tilespmem:s30+$0x8100]  }
0x32d: {  	s31 =	sor.u32 $0x280, s28;
	[tilespmem:$0x1FA10] =	vst v0;
	v0 =	vld [tilespmem:s30+$0xE300]  }
0x32e: {  	[tilespmem:$0x1FB70] =	vst v14;
	v14 =	vld [tilespmem:s31+$0x8000]  }
0x32f: {  	v39 =	vmul.f32 v1, v39;
	v1 =	vld [tilespmem:s30+$0x8300]  }
0x330: {  	s0 =	sor.u32 $0x180, s28;
	v24 =	vld [tilespmem:$0x1FA90]  }
0x331: {  	v44 =	vmul.f32 v44, v45;
	v45 =	vmul.f32 v4, v6;
	v4 =	vld [tilespmem:s0+$0x8000]  }
0x332: {  	s14 =	sor.u32 $0x3280, s28;
	[tilespmem:$0x1FA20] =	vst v0;
	v0 =	vld [tilespmem:s30+$0xA100]  }
0x333: {  	v17 =	vld [tilespmem:s14+$0x8000]  }
0x334: {  	v13 =	vld [tilespmem:s14+$0xC000]  }
0x335: {  	s14 =	sor.u32 $0x2A80, s28;
	v24 =	vmul.f32 v24, v11;
	v11 =	vld [tilespmem:$0x1FAC0]  }
0x336: {  	v29 =	vld [tilespmem:s14+$0x8000]  }
0x337: {  	[tilespmem:$0x1FA30] =	vst v0;
	v0 =	vld [tilespmem:s30+$0xE100]  }
0x338: {  	v15 =	vld [tilespmem:s14+$0xC000];
	s14 =	sor.u32 $0x2280, s28  }
0x339: {  	v35 =	vld [tilespmem:s14+$0x8000]  }
0x33a: {  	[tilespmem:$0x1FAB0] =	vst v24;
	v24 =	vld [tilespmem:$0x1FAD0]  }
0x33b: {  	v13 =	vmul.f32 v13, v17;
	v17 =	vld [tilespmem:$0x1FB50]  }
0x33c: {  	[tilespmem:$0x1FA40] =	vst v0;
	v0 =	vld [tilespmem:s30+$0x9B00]  }
0x33d: {  	v62 =	vld [tilespmem:s14+$0xC000];
	s14 =	sor.u32 $0x1A80, s28  }
0x33e: {  	v42 =	vld [tilespmem:s14+$0x8000]  }
0x33f: {  	v2 =	vld [tilespmem:s14+$0xC000]  }
0x340: {  	v11 =	vmul.f32 v24, v11;
	v24 =	vld [tilespmem:$0x1FAF0]  }
0x341: {  	s14 =	sor.u32 $0x1280, s28;
	v17 =	vmul.f32 v20, v17;
	[tilespmem:$0x1FA50] =	vst v0;
	v0 =	vld [tilespmem:s30+$0xDB00]  }
0x342: {  	v48 =	vld [tilespmem:s14+$0x8000]  }
0x343: {  	[tilespmem:$0x1FB60] =	vst v17;
	v17 =	vld [tilespmem:$0x1FB80]  }
0x344: {  	v50 =	vld [tilespmem:s14+$0xC000];
	s14 =	sor.u32 $0xA80, s28  }
0x345: {  	v59 =	vld [tilespmem:s14+$0x8000]  }
0x346: {  	v18 =	vmul.f32 v18, v24;
	[tilespmem:$0x1FA60] =	vst v0;
	v0 =	vld [tilespmem:s30+$0x9900]  }
0x347: {  	v12 =	vmul.f32 v12, v19;
	v61 =	vld [tilespmem:s14+$0xC000]  }
0x348: {  	s14 =	sor.u32 $0x80, s28;
	[tilespmem:$0x1FB00] =	vst v18;
	v18 =	vld [tilespmem:$0x1FB20];
	v17 =	vmul.f32 v23, v17  }
0x349: {  	[tilespmem:$0x1FB10] =	vst v12;
	v12 =	vld [tilespmem:s14+$0xC000]  }
0x34a: {  	[tilespmem:$0x1FB90] =	vst v17;
	v17 =	vld [tilespmem:$0x1FBA0]  }
0x34b: {  	[tilespmem:$0x1FA70] =	vst v0;
	v0 =	vld [tilespmem:s30+$0xD900]  }
0x34c: {  	v29 =	vmul.f32 v15, v29;
	v15 =	vld [tilespmem:s31+$0xC000]  }
0x34d: {  	[tilespmem:$0x1FB40] =	vst v13;
	v13 =	vld [tilespmem:s30+$0xC200];
	v18 =	vmul.f32 v21, v18  }
0x34e: {  	v42 =	vmul.f32 v2, v42;
	v2 =	vld [tilespmem:s30+$0xC300];
	[tilespmem:$0x1FAE0] =	vst v11  }
0x34f: {  	v38 =	vmul.f32 v38, v63;
	v41 =	vmul.f32 v41, v60;
	v11 =	vld [tilespmem:s14+$0x8000];
	[tilespmem:$0x1FB30] =	vst v18  }
0x350: {  	s1 =	sor.u32 s1, s29;
	v35 =	vmul.f32 v62, v35;
	v30 =	vmul.f32 v30, v17;
	[tilespmem:$0x1FA80] =	vst v0;
	v0 =	vld [tilespmem:s30+$0x8800];
	s30 =	simm.s32 $0x20  }
.LBB2_5:
0x351: {  	_ = 	snop  }
0x352: {  	v6 =	vld [tilespmem:s0+$0xC000];
	s31 =	sor.u32 $0x380, s1  }
0x353: {  	v21 =	vld [tilespmem:s31+$0x8000]  }
0x354: {  	s14 =	sor.u32 $0x980, s28;
	v60 =	vld [tilespmem:s31+$0xC000]  }
0x355: {  	v0 =	vmul.f32 v3, v0;
	v3 =	vmul.f32 v7, v5;
	v5 =	vld [tilespmem:s14+$0x8000]  }
0x356: {  	s31 =	sor.u32 $0xB80, s1;
	v7 =	vmul.f32 v8, v9;
	v8 =	vmul.f32 v13, v10;
	v9 =	vld [tilespmem:s14+$0xC000]  }
0x357: {  	v10 =	vmul.f32 v12, v11;
	v11 =	vmul.f32 v15, v14;
	v12 =	vld [tilespmem:s31+$0x8000]  }
0x358: {  	v13 =	vmul.f32 v58, v16;
	v1 =	vmul.f32 v2, v1;
	v2 =	vld [tilespmem:s31+$0xC000];
	s14 =	sor.u32 $0x1180, s28  }
0x359: {  	v4 =	vmul.f32 v6, v4;
	v14 =	vld [tilespmem:s14+$0x8000];
	v6 =	vmul.f32 v60, v21  }
0x35a: {  	s31 =	sor.u32 $0x1380, s1;
	v7 =	vadd.f32 v8, v7;
	v8 =	vadd.f32 v11, v10;
	v11 =	vld [tilespmem:s14+$0xC000]  }
0x35b: {  	v10 =	vmul.f32 v51, v49;
	v1 =	vadd.f32 v1, v13;
	v4 =	vadd.f32 v6, v4;
	v6 =	vld [tilespmem:s31+$0x8000]  }
0x35c: {  	s14 =	sor.u32 $0x1980, s28;
	v3 =	vadd.f32 v3, v8;
	v8 =	vld [tilespmem:s31+$0xC000];
	v5 =	vmul.f32 v9, v5  }
0x35d: {  	v0 =	vadd.f32 v0, v7;
	v7 =	vmul.f32 v43, v40;
	v1 =	vadd.f32 v10, v1;
	v10 =	vld [tilespmem:s14+$0xC000];
	s31 =	sor.u32 $0x1B80, s1  }
0x35e: {  	v2 =	vmul.f32 v2, v12;
	v12 =	vld [tilespmem:s31+$0xC000];
	v4 =	vadd.f32 v5, v4  }
0x35f: {  	v9 =	vmul.f32 v37, v36;
	v1 =	vadd.f32 v7, v1;
	v5 =	vld [tilespmem:s14+$0x8000]  }
0x360: {  	v7 =	vld [tilespmem:s31+$0x8000];
	v2 =	vadd.f32 v2, v4;
	v4 =	vmul.f32 v11, v14  }
0x361: {  	v1 =	vadd.f32 v9, v1;
	v9 =	vld [tilespmem:$0x1FA80];
	v11 =	vmul.f32 v33, v28  }
0x362: {  	v2 =	vadd.f32 v4, v2;
	v4 =	vmul.f32 v8, v6;
	v8 =	vld [tilespmem:$0x1FA70]  }
0x363: {  	v1 =	vadd.f32 v11, v1;
	v11 =	vld [tilespmem:$0x1FA60]  }
0x364: {  	s14 =	sor.u32 $0x2180, s28;
	v2 =	vadd.f32 v4, v2;
	v4 =	vmul.f32 v10, v5;
	v10 =	vld [tilespmem:$0x1FA50]  }
0x365: {  	s31 =	sor.u32 $0x2380, s1;
	v6 =	vld [tilespmem:s14+$0x8000]  }
0x366: {  	v5 =	vld [tilespmem:s31+$0x8000]  }
0x367: {  	v8 =	vmul.f32 v9, v8;
	v9 =	vld [tilespmem:s14+$0xC000]  }
0x368: {  	v2 =	vadd.f32 v4, v2;
	v4 =	vmul.f32 v12, v7;
	v12 =	vld [tilespmem:$0x1FA40]  }
0x369: {  	v10 =	vmul.f32 v11, v10;
	v11 =	vld [tilespmem:s31+$0xC000];
	v1 =	vadd.f32 v8, v1  }
0x36a: {  	v8 =	vld [tilespmem:$0x1FA30]  }
0x36b: {  	v1 =	vadd.f32 v10, v1;
	v10 =	vld [tilespmem:$0x1FA20]  }
0x36c: {  	v62 =	vmul.f32 v57, v56;
	v2 =	vadd.f32 v4, v2;
	v4 =	vmul.f32 v9, v6;
	v9 =	vld [tilespmem:$0x1FA10]  }
0x36d: {  	s14 =	sor.u32 $0x2980, s28  }
0x36e: {  	v22 =	vmul.f32 v53, v52;
	v0 =	vadd.f32 v62, v0;
	v7 =	vld [tilespmem:s14+$0x8000]  }
0x36f: {  	v63 =	vmul.f32 v61, v59;
	v8 =	vmul.f32 v12, v8;
	v12 =	vld [tilespmem:s14+$0xC000]  }
0x370: {  	v46 =	vmul.f32 v47, v46;
	v0 =	vadd.f32 v22, v0;
	v2 =	vadd.f32 v4, v2  }
0x371: {  	v4 =	vmul.f32 v11, v5;
	v11 =	vld [tilespmem:$0x1FA00];
	v1 =	vadd.f32 v8, v1;
	v9 =	vmul.f32 v10, v9  }
0x372: {  	v0 =	vadd.f32 v46, v0;
	v8 =	vld [tilespmem:$0x1F9F0]  }
0x373: {  	v23 =	vmul.f32 v55, v54;
	v3 =	vadd.f32 v63, v3;
	v1 =	vadd.f32 v9, v1;
	v9 =	vld [tilespmem:$0x1F9D0]  }
0x374: {  	v0 =	vadd.f32 v44, v0;
	v2 =	vadd.f32 v4, v2;
	v4 =	vmul.f32 v12, v7;
	v12 =	vld [tilespmem:$0x1F9E0]  }
0x375: {  	v20 =	vmul.f32 v50, v48;
	v3 =	vadd.f32 v23, v3  }
0x376: {  	v0 =	vadd.f32 v41, v0  }
0x377: {  	v3 =	vadd.f32 v20, v3;
	v8 =	vmul.f32 v11, v8  }
0x378: {  	v0 =	vadd.f32 v38, v0  }
0x379: {  	v3 =	vadd.f32 v45, v3;
	v1 =	vadd.f32 v8, v1;
	v8 =	vld [tilespmem:$0x1FB90];
	v9 =	vmul.f32 v12, v9  }
0x37a: {  	v0 =	vadd.f32 v34, v0  }
0x37b: {  	v3 =	vadd.f32 v42, v3;
	s31 =	sor.u32 $0x2B80, s1;
	v1 =	vadd.f32 v9, v1;
	v9 =	vld [tilespmem:$0x1FB60]  }
0x37c: {  	v0 =	vadd.f32 v30, v0;
	v6 =	vld [tilespmem:s31+$0x8000]  }
0x37d: {  	v3 =	vadd.f32 v39, v3;
	s14 =	sor.u32 $0x3180, s28;
	v10 =	vld [tilespmem:s31+$0xC000]  }
0x37e: {  	v5 =	vld [tilespmem:s14+$0x8000];
	v0 =	vadd.f32 v8, v0  }
0x37f: {  	v3 =	vadd.f32 v35, v3;
	v11 =	vld [tilespmem:s14+$0xC000]  }
0x380: {  	s31 =	sor.u32 $0x3380, s1;
	v0 =	vadd.f32 v9, v0;
	v9 =	vld [tilespmem:$0x1FB70]  }
0x381: {  	v3 =	vadd.f32 v31, v3;
	v7 =	vld [tilespmem:s31+$0x8000]  }
0x382: {  	v2 =	vadd.f32 v4, v2;
	v4 =	vmul.f32 v10, v6;
	v10 =	vld [tilespmem:$0x1F9C0]  }
0x383: {  	v3 =	vadd.f32 v29, v3;
	v8 =	vld [tilespmem:$0x1F9B0]  }
0x384: {  	v2 =	vadd.f32 v4, v2;
	v4 =	vmul.f32 v11, v5;
	v11 =	vld [tilespmem:$0x1F9A0]  }
0x385: {  	v3 =	vadd.f32 v9, v3;
	v9 =	vld [tilespmem:$0x1F990]  }
0x386: {  	s14 =	sor.u32 $0x3980, s28;
	v12 =	vld [tilespmem:s31+$0xC000]  }
0x387: {  	v6 =	vld [tilespmem:s14+$0x8000]  }
0x388: {  	s31 =	sor.u32 $0x3B80, s1;
	v8 =	vmul.f32 v10, v8;
	v10 =	vld [tilespmem:s14+$0xC000]  }
0x389: {  	v5 =	vld [tilespmem:s31+$0x8000]  }
0x38a: {  	v9 =	vmul.f32 v11, v9;
	v11 =	vld [tilespmem:s31+$0xC000]  }
0x38b: {  	v2 =	vadd.f32 v4, v2;
	v4 =	vmul.f32 v12, v7;
	v7 =	vld [tilespmem:$0x1FB30];
	_ =	sdelay $0x1  }
0x38c: {  	v2 =	vadd.f32 v4, v2;
	v4 =	vmul.f32 v10, v6;
	v6 =	vld [tilespmem:$0x1FB00];
	_ =	sdelay $0x1  }
0x38d: {  	v2 =	vadd.f32 v4, v2;
	v4 =	vmul.f32 v11, v5;
	v5 =	vld [tilespmem:$0x1FAB0]  }
0x38e: {  	v0 =	vadd.f32 v7, v0;
	v7 =	vld [tilespmem:$0x1FB40];
	_ =	sdelay $0x1  }
0x38f: {  	v0 =	vadd.f32 v6, v0;
	v6 =	vld [tilespmem:$0x1FB10]  }
0x390: {  	v1 =	vadd.f32 v8, v1  }
0x391: {  	v0 =	vadd.f32 v5, v0;
	v5 =	vld [tilespmem:$0x1FAE0]  }
0x392: {  	v3 =	vadd.f32 v7, v3;
	v7 =	vmul.f32 v32, v27;
	v1 =	vadd.f32 v9, v1;
	_ =	sdelay $0x1  }
0x393: {  	v1 =	vadd.f32 v7, v1;
	v3 =	vadd.f32 v6, v3;
	v6 =	vmul.f32 v26, v25  }
0x394: {  	v2 =	vadd.f32 v4, v2  }
0x395: {  	v1 =	vadd.f32 v6, v1;
	v3 =	vadd.f32 v5, v3;
	_ =	sdelay $0x1  }
0x396: {  	v1 =	vadd.f32 v2, v1;
	v0 =	vadd.f32 v3, v0;
	_ =	sdelay $0x1  }
0x397: {  	s29 =	sadd.s32 $0x80, s29;
	v0 =	vadd.f32 v1, v0  }
0x398: {  	s26 =	sadd.s32 $0x10, s26;
	s1 =	sand.u32 $0x70, s30;
	s31 =	sand.u32 $0x400, s29  }
0x399: {  	s1 =	sor.u32 s1, s31;
	[tilespmem:s26+$0x0] =	vst v0  }
0x39a: {  	v0 =	vld [tilespmem:s1+$0xBA00];
	_ =	sdelay $0x4  }
0x39b: {  	[tilespmem:$0x1F770] =	vst v0;
	v0 =	vld [tilespmem:s1+$0xFA00];
	_ =	sdelay $0x1  }
0x39c: {  	s14 =	sand.u32 $0xFFFFFC00, s29  }
0x39d: {  	s28 =	sadd.s32 s14, s30  }
0x39e: {  	s14 =	sor.u32 $0x3A80, s28  }
0x39f: {  	[tilespmem:$0x1F760] =	vst v0;
	v0 =	vld [tilespmem:s14+$0x8000];
	_ =	sdelay $0x4  }
0x3a0: {  	[tilespmem:$0x1F780] =	vst v0;
	v0 =	vld [tilespmem:s14+$0xC000];
	_ =	sdelay $0x4  }
0x3a1: {  	[tilespmem:$0x1F790] =	vst v0;
	v0 =	vld [tilespmem:s1+$0xBB00];
	_ =	sdelay $0x4  }
0x3a2: {  	[tilespmem:$0x1F7E0] =	vst v0;
	v0 =	vld [tilespmem:s1+$0xFB00];
	_ =	sdelay $0x4  }
0x3a3: {  	[tilespmem:$0x1F7D0] =	vst v0;
	v0 =	vld [tilespmem:s1+$0xB800];
	_ =	sdelay $0x4  }
0x3a4: {  	s31 =	sor.u32 $0x3880, s28;
	[tilespmem:$0x1F7A0] =	vst v0;
	v0 =	vld [tilespmem:s1+$0xF800]  }
0x3a5: {  	v12 =	vld [tilespmem:s31+$0xC000]  }
0x3a6: {  	v14 =	vld [tilespmem:s1+$0xB200]  }
0x3a7: {  	v29 =	vld [tilespmem:s1+$0xF200]  }
0x3a8: {  	v34 =	vld [tilespmem:s1+$0xB000]  }
0x3a9: {  	[tilespmem:$0x1F7B0] =	vst v0;
	v0 =	vld [tilespmem:s31+$0x8000]  }
0x3aa: {  	v35 =	vld [tilespmem:s1+$0xF000]  }
0x3ab: {  	v41 =	vld [tilespmem:s1+$0xAA00]  }
0x3ac: {  	v42 =	vld [tilespmem:s1+$0xEA00]  }
0x3ad: {  	v58 =	vld [tilespmem:s1+$0xA800]  }
0x3ae: {  	[tilespmem:$0x1F7C0] =	vst v0;
	v0 =	vld [tilespmem:s1+$0xB900]  }
0x3af: {  	v60 =	vld [tilespmem:s1+$0xE800]  }
0x3b0: {  	v1 =	vld [tilespmem:s1+$0xA200]  }
0x3b1: {  	v2 =	vld [tilespmem:s1+$0xE200]  }
0x3b2: {  	v17 =	vld [tilespmem:s1+$0xA000]  }
0x3b3: {  	[tilespmem:$0x1F800] =	vst v0;
	v0 =	vld [tilespmem:s1+$0xF900]  }
0x3b4: {  	v18 =	vld [tilespmem:s1+$0xE000]  }
0x3b5: {  	v21 =	vld [tilespmem:s1+$0x9A00]  }
0x3b6: {  	v23 =	vld [tilespmem:s1+$0xDA00]  }
0x3b7: {  	v24 =	vld [tilespmem:s1+$0x9800]  }
0x3b8: {  	[tilespmem:$0x1F7F0] =	vst v0;
	v0 =	vld [tilespmem:s1+$0xB300]  }
0x3b9: {  	v25 =	vld [tilespmem:s1+$0xD800]  }
0x3ba: {  	v46 =	vld [tilespmem:s1+$0x9200]  }
0x3bb: {  	v47 =	vld [tilespmem:s1+$0xD200]  }
0x3bc: {  	v28 =	vld [tilespmem:s1+$0x9300]  }
0x3bd: {  	[tilespmem:$0x1F990] =	vst v0;
	v0 =	vld [tilespmem:s1+$0xF300]  }
0x3be: {  	v33 =	vld [tilespmem:s1+$0xD300]  }
0x3bf: {  	v52 =	vld [tilespmem:s1+$0x9000]  }
0x3c0: {  	v53 =	vld [tilespmem:s1+$0xD000]  }
0x3c1: {  	v36 =	vld [tilespmem:s1+$0x9100]  }
0x3c2: {  	[tilespmem:$0x1F9A0] =	vst v0;
	v0 =	vld [tilespmem:s1+$0xB100]  }
0x3c3: {  	v37 =	vld [tilespmem:s1+$0xD100]  }
0x3c4: {  	v56 =	vld [tilespmem:s1+$0x8A00]  }
0x3c5: {  	v57 =	vld [tilespmem:s1+$0xCA00]  }
0x3c6: {  	v40 =	vld [tilespmem:s1+$0x8B00]  }
0x3c7: {  	[tilespmem:$0x1F9B0] =	vst v0;
	v0 =	vld [tilespmem:s1+$0xF100]  }
0x3c8: {  	v43 =	vld [tilespmem:s1+$0xCB00]  }
0x3c9: {  	v3 =	vld [tilespmem:s1+$0xC800]  }
0x3ca: {  	v49 =	vld [tilespmem:s1+$0x8900]  }
0x3cb: {  	v51 =	vld [tilespmem:s1+$0xC900]  }
0x3cc: {  	[tilespmem:$0x1F9C0] =	vst v0;
	v0 =	vld [tilespmem:s1+$0xAB00]  }
0x3cd: {  	v8 =	vld [tilespmem:s1+$0xC000]  }
0x3ce: {  	v9 =	vld [tilespmem:s1+$0x8000]  }
0x3cf: {  	v10 =	vld [tilespmem:s1+$0x8200]  }
0x3d0: {  	v13 =	vld [tilespmem:s1+$0xC200]  }
0x3d1: {  	[tilespmem:$0x1F9D0] =	vst v0;
	v0 =	vld [tilespmem:s1+$0xEB00]  }
0x3d2: {  	v16 =	vld [tilespmem:$0x1F770]  }
0x3d3: {  	v11 =	vld [tilespmem:$0x1F760];
	s14 =	sor.u32 $0x3280, s28  }
0x3d4: {  	v30 =	vld [tilespmem:s14+$0x8000]  }
0x3d5: {  	v31 =	vld [tilespmem:s14+$0xC000]  }
0x3d6: {  	s14 =	sor.u32 $0x2A80, s28;
	[tilespmem:$0x1F9E0] =	vst v0;
	v0 =	vld [tilespmem:s1+$0xA900]  }
0x3d7: {  	v44 =	vld [tilespmem:s14+$0x8000]  }
0x3d8: {  	v45 =	vld [tilespmem:s14+$0xC000];
	s14 =	sor.u32 $0x2280, s28  }
0x3d9: {  	v4 =	vld [tilespmem:s14+$0x8000]  }
0x3da: {  	v11 =	vmul.f32 v11, v16;
	v6 =	vld [tilespmem:s14+$0xC000]  }
0x3db: {  	[tilespmem:$0x1F9F0] =	vst v0;
	v0 =	vld [tilespmem:s1+$0xE900]  }
0x3dc: {  	s14 =	sor.u32 $0x1A80, s28;
	[tilespmem:$0x1FAB0] =	vst v11;
	v11 =	vld [tilespmem:$0x1F780]  }
0x3dd: {  	v22 =	vld [tilespmem:s14+$0x8000]  }
0x3de: {  	v26 =	vld [tilespmem:s14+$0xC000];
	s14 =	sor.u32 $0x1280, s28  }
0x3df: {  	v48 =	vld [tilespmem:s14+$0x8000]  }
0x3e0: {  	[tilespmem:$0x1FA00] =	vst v0;
	v0 =	vld [tilespmem:s1+$0xA300]  }
0x3e1: {  	v16 =	vld [tilespmem:$0x1F790]  }
0x3e2: {  	v14 =	vmul.f32 v29, v14;
	v50 =	vld [tilespmem:s14+$0xC000];
	s14 =	sor.u32 $0xA80, s28  }
0x3e3: {  	v59 =	vld [tilespmem:s14+$0x8000]  }
0x3e4: {  	[tilespmem:$0x1FB30] =	vst v14;
	v61 =	vld [tilespmem:s14+$0xC000]  }
0x3e5: {  	v14 =	vmul.f32 v31, v30;
	[tilespmem:$0x1FA10] =	vst v0;
	v0 =	vld [tilespmem:s1+$0xE300]  }
0x3e6: {  	v30 =	vmul.f32 v60, v58;
	v58 =	vld [tilespmem:s1+$0xC100];
	v11 =	vmul.f32 v16, v11  }
0x3e7: {  	s14 =	sor.u32 $0x80, s28;
	v29 =	vmul.f32 v45, v44;
	v44 =	vmul.f32 v25, v24;
	v25 =	vld [tilespmem:$0x1F7E0]  }
0x3e8: {  	[tilespmem:$0x1FAE0] =	vst v11;
	v11 =	vld [tilespmem:s14+$0x8000]  }
0x3e9: {  	v16 =	vld [tilespmem:$0x1F7A0]  }
0x3ea: {  	s31 =	sor.u32 $0x3080, s28;
	[tilespmem:$0x1FA20] =	vst v0;
	v0 =	vld [tilespmem:s1+$0xA100]  }
0x3eb: {  	v38 =	vld [tilespmem:s31+$0x8000]  }
0x3ec: {  	v39 =	vld [tilespmem:s31+$0xC000]  }
0x3ed: {  	s31 =	sor.u32 $0x2880, s28;
	v15 =	vld [tilespmem:$0x1F7B0]  }
0x3ee: {  	v62 =	vld [tilespmem:s31+$0x8000]  }
0x3ef: {  	[tilespmem:$0x1FA30] =	vst v0;
	v0 =	vld [tilespmem:s1+$0xE100]  }
0x3f0: {  	v63 =	vld [tilespmem:s31+$0xC000];
	s31 =	sor.u32 $0x2080, s28  }
0x3f1: {  	v19 =	vld [tilespmem:s31+$0x8000]  }
0x3f2: {  	v20 =	vld [tilespmem:s31+$0xC000];
	s31 =	sor.u32 $0x1880, s28  }
0x3f3: {  	v27 =	vld [tilespmem:s31+$0x8000]  }
0x3f4: {  	[tilespmem:$0x1FA40] =	vst v0;
	v0 =	vld [tilespmem:s1+$0x9B00]  }
0x3f5: {  	v32 =	vld [tilespmem:s31+$0xC000];
	s31 =	sor.u32 $0x1080, s28  }
0x3f6: {  	v54 =	vld [tilespmem:s31+$0x8000]  }
0x3f7: {  	v55 =	vld [tilespmem:s31+$0xC000];
	s31 =	sor.u32 $0x880, s28  }
0x3f8: {  	v5 =	vld [tilespmem:s31+$0x8000]  }
0x3f9: {  	[tilespmem:$0x1FA50] =	vst v0;
	v0 =	vld [tilespmem:s1+$0xDB00]  }
0x3fa: {  	v16 =	vmul.f32 v15, v16;
	v15 =	vld [tilespmem:$0x1F7C0]  }
0x3fb: {  	v7 =	vld [tilespmem:s31+$0xC000];
	s31 =	sor.u32 $0x280, s28  }
0x3fc: {  	[tilespmem:$0x1FB40] =	vst v14;
	v14 =	vld [tilespmem:s31+$0x8000]  }
0x3fd: {  	[tilespmem:$0x1FB00] =	vst v16;
	v16 =	vmul.f32 v42, v41;
	v42 =	vmul.f32 v26, v22;
	v26 =	vld [tilespmem:$0x1F7D0]  }
0x3fe: {  	[tilespmem:$0x1FA60] =	vst v0;
	v0 =	vld [tilespmem:s1+$0x9900]  }
0x3ff: {  	[tilespmem:$0x1FB90] =	vst v16;
	v16 =	vld [tilespmem:s1+$0x8100];
	v12 =	vmul.f32 v12, v15  }
0x400: {  	v15 =	vmul.f32 v35, v34;
	v34 =	vmul.f32 v2, v1;
	v1 =	vld [tilespmem:s1+$0x8300]  }
0x401: {  	s0 =	sor.u32 $0x180, s28;
	v2 =	vld [tilespmem:s1+$0xC300]  }
0x402: {  	v35 =	vmul.f32 v6, v4;
	v4 =	vld [tilespmem:s0+$0x8000]  }
0x403: {  	p0 =	sne.s32 s30, $0xF0;
	[tilespmem:$0x1FA70] =	vst v0;
	v0 =	vld [tilespmem:s1+$0xD900]  }
.Ltmp1:
0x404: {  	v45 =	vmul.f32 v32, v27;
	v27 =	vld [tilespmem:$0x1F800];
	[tilespmem:$0x1FB60] =	vst v15;
	v15 =	vmul.f32 v39, v38;
	(pc) =	sbr.rel @p0 .LBB2_5-.Ltmp1, $4  }
0x405: {  	[tilespmem:$0x1FB10] =	vst v12;
	v12 =	vld [tilespmem:s14+$0xC000]  }
0x406: {  	[tilespmem:$0x1FB70] =	vst v15;
	v15 =	vld [tilespmem:s31+$0xC000]  }
0x407: {  	v31 =	vmul.f32 v63, v62;
	v41 =	vmul.f32 v23, v21;
	v32 =	vld [tilespmem:$0x1F7F0]  }
0x408: {  	v38 =	vmul.f32 v18, v17;
	v39 =	vmul.f32 v20, v19;
	[tilespmem:$0x1FA80] =	vst v0;
	v0 =	vld [tilespmem:s1+$0x8800];
	s1 =	sor.u32 s30, s29;
	s30 =	sadd.s32 $0x10, s30  }
0x409: {  	v18 =	vld [tilespmem:s0+$0xC000]  }
0x40a: {  	v63 =	vmul.f32 v51, v49;
	v49 =	vmul.f32 v33, v28;
	v28 =	vld [tilespmem:$0x1F9F0]  }
0x40b: {  	s14 =	sor.u32 $0x380, s1;
	v33 =	vld [tilespmem:$0x1FA00]  }
0x40c: {  	v21 =	vld [tilespmem:s14+$0x8000]  }
0x40d: {  	s31 =	sor.u32 $0x980, s28;
	v24 =	vld [tilespmem:s14+$0xC000]  }
0x40e: {  	v17 =	vmul.f32 v50, v48;
	v50 =	vld [tilespmem:s31+$0x8000]  }
0x40f: {  	v20 =	vmul.f32 v55, v54;
	s29 =	sor.u32 $0xB80, s1;
	v54 =	vld [tilespmem:s31+$0xC000]  }
0x410: {  	v22 =	vmul.f32 v57, v56;
	v57 =	vld [tilespmem:s29+$0x8000]  }
0x411: {  	v19 =	vmul.f32 v53, v52;
	v23 =	vmul.f32 v61, v59;
	s30 =	sor.u32 $0x1180, s28;
	v59 =	vld [tilespmem:s29+$0xC000]  }
0x412: {  	v52 =	vmul.f32 v8, v9;
	v53 =	vmul.f32 v13, v10;
	v61 =	vld [tilespmem:s30+$0x8000]  }
0x413: {  	v58 =	vmul.f32 v58, v16;
	v1 =	vmul.f32 v2, v1;
	v16 =	vld [tilespmem:s30+$0xC000];
	s29 =	sor.u32 $0x1980, s28  }
0x414: {  	v6 =	vmul.f32 v47, v46;
	v46 =	vld [tilespmem:s29+$0xC000]  }
0x415: {  	v48 =	vmul.f32 v7, v5;
	v7 =	vadd.f32 v53, v52;
	v1 =	vadd.f32 v1, v58;
	v53 =	vld [tilespmem:$0x1FA70]  }
0x416: {  	v58 =	vld [tilespmem:$0x1FA50]  }
0x417: {  	v55 =	vmul.f32 v12, v11;
	s31 =	sor.u32 $0x1380, s1;
	v56 =	vmul.f32 v15, v14;
	v1 =	vadd.f32 v63, v1;
	v63 =	vld [tilespmem:$0x1FA30]  }
0x418: {  	v4 =	vmul.f32 v18, v4;
	v18 =	vld [tilespmem:s31+$0x8000]  }
0x419: {  	v62 =	vadd.f32 v56, v55;
	v60 =	vmul.f32 v24, v21;
	v24 =	vld [tilespmem:s31+$0xC000]  }
0x41a: {  	s30 =	sor.u32 $0x1B80, s1;
	v21 =	vmul.f32 v43, v40;
	v40 =	vld [tilespmem:s29+$0x8000]  }
0x41b: {  	v0 =	vmul.f32 v3, v0;
	v3 =	vadd.f32 v48, v62;
	v48 =	vld [tilespmem:s30+$0x8000]  }
0x41c: {  	v5 =	vmul.f32 v54, v50;
	v50 =	vld [tilespmem:s30+$0xC000]  }
0x41d: {  	s14 =	sor.u32 $0x2380, s1;
	v54 =	vld [tilespmem:$0x1FA80]  }
0x41e: {  	v2 =	vmul.f32 v59, v57;
	v57 =	vld [tilespmem:s14+$0x8000]  }
0x41f: {  	v59 =	vld [tilespmem:$0x1FA60]  }
0x420: {  	v47 =	vmul.f32 v16, v61;
	v16 =	vld [tilespmem:$0x1FA40]  }
0x421: {  	v43 =	vmul.f32 v37, v36;
	s31 =	sor.u32 $0x2180, s28;
	v37 =	vld [tilespmem:$0x1F9D0]  }
0x422: {  	v52 =	vld [tilespmem:s31+$0x8000]  }
0x423: {  	s29 =	sor.u32 $0x2980, s28;
	v55 =	vld [tilespmem:s31+$0xC000]  }
0x424: {  	v62 =	vld [tilespmem:s29+$0x8000]  }
0x425: {  	v0 =	vadd.f32 v0, v7;
	v4 =	vadd.f32 v60, v4;
	v60 =	vld [tilespmem:s14+$0xC000]  }
0x426: {  	s30 =	sor.u32 $0x2B80, s1;
	v1 =	vadd.f32 v21, v1;
	v21 =	vld [tilespmem:$0x1FA20]  }
0x427: {  	v0 =	vadd.f32 v22, v0;
	v22 =	vld [tilespmem:s30+$0xC000];
	s14 =	sor.u32 $0x3380, s1  }
0x428: {  	v3 =	vadd.f32 v23, v3;
	v36 =	vld [tilespmem:s14+$0x8000]  }
0x429: {  	v0 =	vadd.f32 v19, v0;
	v19 =	vld [tilespmem:s30+$0x8000]  }
0x42a: {  	v3 =	vadd.f32 v20, v3;
	v20 =	vld [tilespmem:$0x1FA10]  }
0x42b: {  	s31 =	sor.u32 $0x3180, s28;
	v1 =	vadd.f32 v43, v1;
	v43 =	vld [tilespmem:$0x1F9B0]  }
0x42c: {  	v4 =	vadd.f32 v5, v4;
	v51 =	vmul.f32 v24, v18;
	v24 =	vld [tilespmem:s31+$0x8000]  }
0x42d: {  	v61 =	vmul.f32 v50, v48;
	v48 =	vld [tilespmem:$0x1FB60]  }
0x42e: {  	v50 =	vld [tilespmem:$0x1F990];
	v2 =	vadd.f32 v2, v4  }
0x42f: {  	v10 =	vmul.f32 v59, v58;
	v58 =	vld [tilespmem:$0x1FB00]  }
0x430: {  	v56 =	vmul.f32 v46, v40;
	v59 =	vld [tilespmem:$0x1FB10];
	v2 =	vadd.f32 v47, v2  }
0x431: {  	v7 =	vmul.f32 v16, v63;
	v63 =	vld [tilespmem:$0x1FAE0];
	v0 =	vadd.f32 v6, v0;
	v3 =	vadd.f32 v17, v3  }
0x432: {  	v6 =	vmul.f32 v54, v53;
	v1 =	vadd.f32 v49, v1;
	v17 =	vld [tilespmem:s29+$0xC000];
	v2 =	vadd.f32 v51, v2  }
0x433: {  	v49 =	vld [tilespmem:$0x1FB70];
	v0 =	vadd.f32 v44, v0;
	v3 =	vadd.f32 v45, v3  }
0x434: {  	v54 =	vld [tilespmem:$0x1FB30];
	v1 =	vadd.f32 v6, v1;
	v2 =	vadd.f32 v56, v2  }
0x435: {  	v18 =	vmul.f32 v55, v52;
	v55 =	vld [tilespmem:$0x1FB40];
	v0 =	vadd.f32 v41, v0;
	v3 =	vadd.f32 v42, v3  }
0x436: {  	v44 =	vld [tilespmem:$0x1F9C0];
	v1 =	vadd.f32 v10, v1;
	v2 =	vadd.f32 v61, v2  }
0x437: {  	v23 =	vmul.f32 v60, v57;
	v0 =	vadd.f32 v38, v0;
	v3 =	vadd.f32 v39, v3;
	v38 =	vld [tilespmem:$0x1F9E0]  }
0x438: {  	v9 =	vmul.f32 v21, v20;
	v42 =	vld [tilespmem:$0x1FB90];
	v1 =	vadd.f32 v7, v1;
	v2 =	vadd.f32 v18, v2  }
0x439: {  	v7 =	vmul.f32 v33, v28;
	v0 =	vadd.f32 v34, v0;
	v3 =	vadd.f32 v35, v3;
	v34 =	vld [tilespmem:s31+$0xC000]  }
0x43a: {  	v39 =	vld [tilespmem:s14+$0xC000];
	v1 =	vadd.f32 v9, v1;
	v35 =	vmul.f32 v17, v62;
	v2 =	vadd.f32 v23, v2  }
0x43b: {  	s28 =	sor.u32 $0x3980, s28;
	v40 =	vmul.f32 v22, v19;
	v51 =	vld [tilespmem:$0x1F9A0];
	v0 =	vadd.f32 v30, v0;
	v3 =	vadd.f32 v31, v3  }
0x43c: {  	v45 =	vld [tilespmem:s28+$0xC000];
	v1 =	vadd.f32 v7, v1;
	v9 =	vmul.f32 v38, v37;
	v2 =	vadd.f32 v35, v2  }
0x43d: {  	s29 =	sor.u32 $0x3B80, s1;
	v41 =	vld [tilespmem:s28+$0x8000];
	v8 =	vmul.f32 v44, v43;
	v0 =	vadd.f32 v42, v0;
	v3 =	vadd.f32 v29, v3  }
0x43e: {  	v52 =	vld [tilespmem:s29+$0xC000];
	v1 =	vadd.f32 v9, v1;
	v46 =	vmul.f32 v34, v24;
	v2 =	vadd.f32 v40, v2  }
0x43f: {  	v47 =	vld [tilespmem:s29+$0x8000];
	v53 =	vmul.f32 v39, v36;
	v0 =	vadd.f32 v48, v0;
	v3 =	vadd.f32 v49, v3  }
0x440: {  	v62 =	vld [tilespmem:$0x1FAB0];
	v9 =	vmul.f32 v51, v50;
	v1 =	vadd.f32 v8, v1;
	v2 =	vadd.f32 v46, v2  }
0x441: {  	v56 =	vmul.f32 v32, v27;
	v0 =	vadd.f32 v54, v0;
	v3 =	vadd.f32 v55, v3  }
0x442: {  	v57 =	vmul.f32 v45, v41;
	v1 =	vadd.f32 v9, v1;
	v2 =	vadd.f32 v53, v2  }
0x443: {  	v60 =	vmul.f32 v26, v25;
	v0 =	vadd.f32 v58, v0;
	v3 =	vadd.f32 v59, v3  }
0x444: {  	v61 =	vmul.f32 v52, v47;
	v1 =	vadd.f32 v56, v1;
	v2 =	vadd.f32 v57, v2  }
0x445: {  	v0 =	vadd.f32 v62, v0;
	v3 =	vadd.f32 v63, v3  }
0x446: {  	v1 =	vadd.f32 v60, v1;
	v2 =	vadd.f32 v61, v2  }
0x447: {  	s24 =	sadd.s32 $0x1, s24  }
0x448: {  	p0 =	sne.s32 s24, $0xD;
	v0 =	vadd.f32 v3, v0;
	v1 =	vadd.f32 v2, v1  }
.Ltmp2:
0x449: {  	_ = 	snop;
	(pc) =	sbr.rel @p0 .LBB2_2-.Ltmp2, $4  }
0x44a: {  	s30 =	sadd.s32 s4, s25;
	v0 =	vadd.f32 v1, v0  }
0x44b: {  	s0 =	sshrl.u32 s30, $0x3;
	s31 =	sadd.s32 $0x10, s26  }
0x44c: {  	s0 =	sadd.s32 s5, s0;
	[tilespmem:s31+$0x0] =	vst v0  }
0x44d: {  	[hbm4b:s0+s3] =	stream.linear.scatter [tilespmem:s20], [sflag:$0x4], $0x100, $0x38;
	[tilespmem:$0x10200] =	vst v63  }
0x44e: {  	s23 =	sadd.s32 $0x1, s23  }
0x44f: {  	_ =	swait.ge [sflag:s21], $0x100;
	p0 =	sne.s32 s23, s11  }
.Ltmp3:
0x450: {  	[sflag:s21] =	ssyncset.done $0x0;
	(pc) =	sbr.rel @p0 .LBB2_1-.Ltmp3, $4  }
0x451: {  	[sflag:s21] =	ssyncadd.s32 $0xFFFFFF00  }
0x452: {  	_ =	swait.ge [sflag:s22], $0x100  }
0x453: {  	[sflag:s22] =	ssyncset.done $0x0  }
0x454: {  	[sflag:s22] =	ssyncadd.s32 $0xFFFFFF00  }
0x455: {  	_ =	sfence.sel $0x180000  }
0x456: {  	[bflag:$0x0] =	sbarrier.arrive $0xFFFF  }
0x457: {  	_ =	strace $0x90000047  }
0x458: {  	s0 =	stileid.u32;
	[bflag:$0x2] =	sbarrier.arrive $0xFFFF  }
0x459: {  	p0 =	sne.s32 s0, $0x0;
	s0 =	rddreg [dreg:$0x2]  }
0x45a: {  	s0 =	sadd.s32 @!p0 $0x100000, s0  }
0x45b: {  	[sflag:s0] =	ssyncadd.tile.s32 @!p0 $0x1;
	_ =	shalt  }
.Lfunc_end2:
_tile_overlayer_lowered:
.L_overlay_start_2:
0x45c: {  	(tag) =	ssettag $0x2  }
0x45d: {  	s0 =	rddreg [dreg:$0x0];
	s2 =	stileid.u32  }
0x45e: {  	s1 =	rddreg [dreg:$0x1];
	p0 =	sne.s32 s2, $0x0  }
0x45f: {  	s3 =	rddreg [dreg:$0x2];
	[bflag:$0x3] =	sbarrier.arrive $0xFFFF;
	s2 =	simm.s32 @!p0 $0x1C05  }
0x460: {  	[timem:s3], [sflag:s2] =	dma.local @!p0 [hbm:s0], s1  }
0x461: {  	s0 =	simm.s32 @!p0 $0x5  }
0x462: {  	_ =	swait.ge @!p0 [sflag:s0], s1  }
0x463: {  	s1 =	ssub.s32 @!p0 $0x0, s1;
	[sflag:s0] =	ssyncset.done @!p0 $0x0  }
0x464: {  	[sflag:s0] =	ssyncadd.s32 @!p0 s1  }
0x465: {  	[bflag:$0x3] =	sbarrier.arrive $0xFFFF  }
0x466: {  	_ =	shalt  }

</sc_bundles>
